<compile_context>
chip_gen: v7x
topology: tpu7x:2x2x1
jax: 0.10.2.dev20260603
libtpu: 0.0.44.dev20260713+nightly
codegen_flags: <defaults>
</compile_context>

<pallas_src>
import functools

import jax
import jax.numpy as jnp
from jax import lax
from jax.experimental import pallas as pl
from jax.experimental.pallas import tpu as pltpu
from jax.experimental.pallas import tpu_sc as plsc

FEAT = 128
N_NODES = 10000
N_EDGES = 320000
NW = 32
E_PER_W = N_EDGES // NW
CHUNK = 80
N_CHUNKS = E_PER_W // CHUNK
N_PAIRS = (N_CHUNKS - 1) // 2
LANES = 16
KSLICE = FEAT // LANES
KBLK = FEAT // (2 * LANES)


def _precompute_tables(x, w1a, w1b, b1r):
    rows = 2000
    grid = x.shape[0] // rows

    def _pack(t):
        tb = t.astype(jnp.bfloat16)
        lo = lax.bitcast_convert_type(tb[:, : FEAT // 2], jnp.uint16)
        hi = lax.bitcast_convert_type(tb[:, FEAT // 2 :], jnp.uint16)
        return lo.astype(jnp.int32) | (hi.astype(jnp.int32) << 16)

    def body(x_ref, wa_ref, wb_ref, b1_ref, a_ref, b_ref):
        xb = x_ref[...]
        a_ref[...] = _pack(
            jnp.dot(xb, wa_ref[...], preferred_element_type=jnp.float32)
            + b1_ref[...]
        )
        b_ref[...] = _pack(
            jnp.dot(xb, wb_ref[...], preferred_element_type=jnp.float32)
        )

    return pl.pallas_call(
        body,
        grid=(grid,),
        in_specs=[
            pl.BlockSpec((rows, FEAT), lambda i: (i, 0)),
            pl.BlockSpec((FEAT, FEAT), lambda i: (0, 0)),
            pl.BlockSpec((FEAT, FEAT), lambda i: (0, 0)),
            pl.BlockSpec((1, FEAT), lambda i: (0, 0)),
        ],
        out_specs=[
            pl.BlockSpec((rows, FEAT // 2), lambda i: (i, 0)),
            pl.BlockSpec((rows, FEAT // 2), lambda i: (i, 0)),
        ],
        out_shape=[
            jax.ShapeDtypeStruct((x.shape[0], FEAT // 2), jnp.int32),
            jax.ShapeDtypeStruct((x.shape[0], FEAT // 2), jnp.int32),
        ],
    )(x, w1a, w1b, b1r)


def _edge_scores(a_tab, b_tab, edge_index, w2r, b2v):
    mesh = plsc.VectorSubcoreMesh(core_axis_name="c", subcore_axis_name="s")

    @functools.partial(
        pl.kernel,
        mesh=mesh,
        out_type=jax.ShapeDtypeStruct((N_EDGES,), jnp.float32),
        scratch_types=[
            pltpu.VMEM((E_PER_W,), jnp.int32),
            pltpu.VMEM((E_PER_W,), jnp.int32),
            pltpu.VMEM((2, CHUNK, FEAT // 2), jnp.int32),
            pltpu.VMEM((2, CHUNK, FEAT // 2), jnp.int32),
            pltpu.VMEM_SHARED((N_NODES, FEAT // 2), jnp.int32),
            pltpu.VMEM_SHARED((N_NODES, FEAT // 2), jnp.int32),
            pltpu.VMEM((2, CHUNK), jnp.float32),
            pltpu.VMEM((KBLK, 2 * LANES), jnp.bfloat16),
            pltpu.VMEM((LANES,), jnp.float32),
            pltpu.SemaphoreType.DMA,
            (pltpu.SemaphoreType.DMA,) * 2,
            (pltpu.SemaphoreType.DMA,) * 2,
            (pltpu.SemaphoreType.DMA,) * 2,
        ],
        compiler_params=pltpu.CompilerParams(
            needs_layout_passes=False, use_tc_tiling_on_sc=False
        ),
    )
    def k(a_hbm, b_hbm, ei_hbm, w2_hbm, b2_hbm, out_hbm,
          sidx, didx, arows, brows, aspm, bspm, outv, w2v, b2vv,
          sem_i, sems_a, sems_b, sems_o):
        sid = lax.axis_index("s")
        wid = sid * 2 + lax.axis_index("c")
        base0 = wid * E_PER_W
        ci1 = pltpu.async_copy(ei_hbm.at[0, pl.ds(base0, E_PER_W)], sidx, sem_i)
        ci2 = pltpu.async_copy(ei_hbm.at[1, pl.ds(base0, E_PER_W)], didx, sem_i)
        rpt = N_NODES // 16
        stage = pl.ds(sid * rpt, rpt)
        pltpu.sync_copy(a_hbm.at[stage], aspm.at[stage])
        pltpu.sync_copy(b_hbm.at[stage], bspm.at[stage])
        pltpu.sync_copy(w2_hbm, w2v)
        pltpu.sync_copy(b2_hbm, b2vv)
        ci1.wait()
        ci2.wait()
        plsc.subcore_barrier()
        b2vec = b2vv[...]
        w2k = [w2v[kk, :] for kk in range(KBLK)]
        lane_iota = lax.broadcasted_iota(jnp.int32, (LANES,), 0)
        last_mask = lane_iota == (LANES - 1)
        rot_idx = [(lane_iota + r) & (LANES - 1) for r in (8, 4, 2, 1)]

        def issue(c, buf):
            off = c * CHUNK
            pltpu.async_copy(
                aspm.at[sidx.at[pl.ds(off, CHUNK)]], arows.at[buf], sems_a[buf]
            )
            pltpu.async_copy(
                bspm.at[didx.at[pl.ds(off, CHUNK)]], brows.at[buf], sems_b[buf]
            )

        def wait_rows(buf):
            pltpu.make_async_copy(
                aspm.at[sidx.at[pl.ds(0, CHUNK)]], arows.at[buf], sems_a[buf]
            ).wait()
            pltpu.make_async_copy(
                bspm.at[didx.at[pl.ds(0, CHUNK)]], brows.at[buf], sems_b[buf]
            ).wait()

        def drain_out(buf):
            pltpu.make_async_copy(
                outv.at[buf], out_hbm.at[pl.ds(0, CHUNK)], sems_o[buf]
            ).wait()

        def compute(c, buf):
            ar = arows.at[buf]
            br = brows.at[buf]
            ov = outv.at[buf]

            @pl.when(c >= 2)
            def _():
                drain_out(buf)

            @plsc.parallel_loop(0, CHUNK, unroll=4)
            def edge_body(e):
                prods = []
                for kk in range(KBLK):
                    sl = pl.ds(kk * LANES, LANES)
                    va = plsc.bitcast(ar[e, sl], jnp.bfloat16)
                    vb = plsc.bitcast(br[e, sl], jnp.bfloat16)
                    r = jnp.maximum(va + vb, jnp.bfloat16(0.0))
                    prods.append(r * w2k[kk])
                t = (prods[0] + prods[1]) + (prods[2] + prods[3])
                ti = plsc.bitcast(t, jnp.int32)
                lo = plsc.bitcast(ti << 16, jnp.float32)
                hi = plsc.bitcast(ti & jnp.int32(-65536), jnp.float32)
                tot = lo + hi
                for ridx in rot_idx:
                    tot = tot + tot[ridx]
                plsc.store_scatter(
                    ov,
                    [jnp.full((LANES,), 0, jnp.int32) + e],
                    tot,
                    mask=last_mask,
                )

            for j in range(CHUNK // LANES):
                sl = pl.ds(j * LANES, LANES)
                ov[sl] = 1.0 / (1.0 + jnp.exp(-(ov[sl] + b2vec)))
            pltpu.async_copy(
                ov, out_hbm.at[pl.ds(base0 + c * CHUNK, CHUNK)], sems_o[buf]
            )

        issue(0, 0)

        def pair_body(p, carry):
            c0 = 2 * p
            wait_rows(0)
            issue(c0 + 1, 1)
            compute(c0, 0)
            wait_rows(1)
            issue(c0 + 2, 0)
            compute(c0 + 1, 1)
            return carry

        lax.fori_loop(0, N_PAIRS, pair_body, 0)
        wait_rows(0)
        compute(jnp.int32(N_CHUNKS - 1), 0)
        drain_out(0)
        drain_out(1)

    return k(a_tab, b_tab, edge_index, w2r, b2v)


def kernel(x, edge_index, W1, b1, W2, b2):
    w1a = W1[:FEAT]
    w1b = W1[FEAT:]
    b1r = b1.reshape(1, FEAT)
    a_tab, b_tab = _precompute_tables(x, w1a, w1b, b1r)
    w2f = W2.reshape(FEAT)
    w2r = jnp.stack(
        [w2f[: FEAT // 2].reshape(KBLK, LANES), w2f[FEAT // 2 :].reshape(KBLK, LANES)],
        axis=-1,
    ).reshape(KBLK, 2 * LANES).astype(jnp.bfloat16)
    b2v = jnp.broadcast_to(b2, (LANES,))
    return _edge_scores(a_tab, b_tab, edge_index, w2r, b2v)

# --- scband reference (transcript-rebuilt; emitter-appended) ---
"""Pipeline reference for scband-simple-struct-learner-70377334113124 (READ-ONLY COPY).

The authoritative reference and input builder live on the scoring server;
editing this copy changes nothing except your own understanding.
"""

import jax, jax.numpy as jnp
import numpy as np

FEAT_DIM = 128
HIDDEN_DIM = 128
N_NODES = 10000
N_EDGES = 320000


def setup_inputs(seed: int = 0) -> dict:
    key = jax.random.key(seed)
    k_x, k_e, k_w1, k_b1, k_w2, k_b2 = jax.random.split(key, 6)
    x = jax.random.normal(k_x, (N_NODES, FEAT_DIM), dtype=jnp.float32)
    edge_index = jax.random.randint(k_e, (2, N_EDGES), 0, N_NODES, dtype=jnp.int64 if jax.config.jax_enable_x64 else jnp.int32)
    lim1 = 1.0 / np.sqrt(2 * FEAT_DIM)
    W1 = jax.random.uniform(k_w1, (2 * FEAT_DIM, HIDDEN_DIM), dtype=jnp.float32, minval=-lim1, maxval=lim1)
    b1 = jax.random.uniform(k_b1, (HIDDEN_DIM,), dtype=jnp.float32, minval=-lim1, maxval=lim1)
    lim2 = 1.0 / np.sqrt(HIDDEN_DIM)
    W2 = jax.random.uniform(k_w2, (HIDDEN_DIM, 1), dtype=jnp.float32, minval=-lim2, maxval=lim2)
    b2 = jax.random.uniform(k_b2, (1,), dtype=jnp.float32, minval=-lim2, maxval=lim2)
    return {"x": x, "edge_index": edge_index, "W1": W1, "b1": b1, "W2": W2, "b2": b2}


def reference(x, edge_index, W1, b1, W2, b2):
    src = edge_index[0]
    dst = edge_index[1]
    h_edge = jnp.concatenate([jnp.take(x, src, axis=0), jnp.take(x, dst, axis=0)], axis=1)
    h = jax.nn.relu(h_edge @ W1 + b1)
    logits = jnp.squeeze(h @ W2 + b2)
    w = jax.nn.sigmoid(logits)
    return w

if __name__ == "__main__":
    import jax
    _d = setup_inputs()
    print(jax.jit(kernel)(*tuple(_d.values())))

</pallas_src>

<mosaic_0001>
#map = affine_map<(d0, d1) -> (0, 0)>
#map1 = affine_map<(d0, d1) -> (0)>
module attributes {stable_mosaic.version = 14 : i64} {
  func.func @k(%arg0: i32, %arg1: i32, %arg2: memref<10000x64xi32, #tpu.memory_space<hbm>>, %arg3: memref<10000x64xi32, #tpu.memory_space<hbm>>, %arg4: memref<2x320000xi32, #tpu.memory_space<hbm>>, %arg5: memref<4x32xbf16, #tpu.memory_space<hbm>>, %arg6: memref<16xf32, #tpu.memory_space<hbm>>, %arg7: memref<320000xf32, #tpu.memory_space<hbm>>, %arg8: memref<10000xi32, #tpu.memory_space<vmem>>, %arg9: memref<10000xi32, #tpu.memory_space<vmem>>, %arg10: memref<2x80x64xi32, #tpu.memory_space<vmem>>, %arg11: memref<2x80x64xi32, #tpu.memory_space<vmem>>, %arg12: memref<10000x64xi32, #tpu.memory_space<vmem_shared>>, %arg13: memref<10000x64xi32, #tpu.memory_space<vmem_shared>>, %arg14: memref<2x80xf32, #tpu.memory_space<vmem>>, %arg15: memref<4x32xbf16, #tpu.memory_space<vmem>>, %arg16: memref<16xf32, #tpu.memory_space<vmem>>, %arg17: memref<!tpu.dma_semaphore, #tpu.memory_space<semaphore_mem>>, %arg18: memref<!tpu.dma_semaphore, #tpu.memory_space<semaphore_mem>>, %arg19: memref<!tpu.dma_semaphore, #tpu.memory_space<semaphore_mem>>, %arg20: memref<!tpu.dma_semaphore, #tpu.memory_space<semaphore_mem>>, %arg21: memref<!tpu.dma_semaphore, #tpu.memory_space<semaphore_mem>>, %arg22: memref<!tpu.dma_semaphore, #tpu.memory_space<semaphore_mem>>, %arg23: memref<!tpu.dma_semaphore, #tpu.memory_space<semaphore_mem>>) attributes {dimension_semantics = [#tpu.dimension_semantics<core_parallel>, #tpu.dimension_semantics<subcore_parallel>], iteration_bounds = array<i64: 2, 16>, scalar_prefetch = 0 : i64, scratch_operands = 16 : i64, tpu.core_type = #tpu.core_type<sc_vector_subcore>, window_params = [{transform_indices = #map}, {transform_indices = #map}, {transform_indices = #map}, {transform_indices = #map}, {transform_indices = #map1}, {transform_indices = #map1}]} {
    %mul3A = arith.constant 2 : i32
    %mul3A_0 = arith.muli %arg1, %mul3A : i32
    %add3A = arith.addi %mul3A_0, %arg0 : i32
    %mul3A_1 = arith.constant 10000 : i32
    %mul3A_2 = arith.muli %add3A, %mul3A_1 : i32
    %dma_start3A = arith.constant 0 : i32
    %dma_start3A_3 = tpu.memref_slice %arg4[%dma_start3A, %mul3A_2] : memref<2x320000xi32, #tpu.memory_space<hbm>> -> memref<1x10000xi32, #tpu.memory_space<hbm>>
    %dma_start3A_4 = tpu.memref_squeeze %dma_start3A_3 : memref<1x10000xi32, #tpu.memory_space<hbm>> -> memref<10000xi32, #tpu.memory_space<hbm>>
    %dma_start3A_5 = tpu.memref_slice %arg4[%dma_start3A, %mul3A_2] : memref<2x320000xi32, #tpu.memory_space<hbm>> -> memref<1x10000xi32, #tpu.memory_space<hbm>>
    %dma_start3A_6 = tpu.memref_squeeze %dma_start3A_5 : memref<1x10000xi32, #tpu.memory_space<hbm>> -> memref<10000xi32, #tpu.memory_space<hbm>>
    tpu.enqueue_dma source(%dma_start3A_6 : memref<10000xi32, #tpu.memory_space<hbm>>) target(%arg8 : memref<10000xi32, #tpu.memory_space<vmem>>) target_semaphore(%arg17 : memref<!tpu.dma_semaphore, #tpu.memory_space<semaphore_mem>>)
    %dma_start3A_7 = arith.constant 1 : i32
    %dma_start3A_8 = tpu.memref_slice %arg4[%dma_start3A_7, %mul3A_2] : memref<2x320000xi32, #tpu.memory_space<hbm>> -> memref<1x10000xi32, #tpu.memory_space<hbm>>
    %dma_start3A_9 = tpu.memref_squeeze %dma_start3A_8 : memref<1x10000xi32, #tpu.memory_space<hbm>> -> memref<10000xi32, #tpu.memory_space<hbm>>
    %dma_start3A_10 = tpu.memref_slice %arg4[%dma_start3A_7, %mul3A_2] : memref<2x320000xi32, #tpu.memory_space<hbm>> -> memref<1x10000xi32, #tpu.memory_space<hbm>>
    %dma_start3A_11 = tpu.memref_squeeze %dma_start3A_10 : memref<1x10000xi32, #tpu.memory_space<hbm>> -> memref<10000xi32, #tpu.memory_space<hbm>>
    tpu.enqueue_dma source(%dma_start3A_11 : memref<10000xi32, #tpu.memory_space<hbm>>) target(%arg9 : memref<10000xi32, #tpu.memory_space<vmem>>) target_semaphore(%arg17 : memref<!tpu.dma_semaphore, #tpu.memory_space<semaphore_mem>>)
    %mul3A_12 = arith.constant 625 : i32
    %mul3A_13 = arith.muli %arg1, %mul3A_12 : i32
    "tpu.region"() ({
      %run_scoped3A = tpu.sem_alloc : memref<!tpu.dma_semaphore, #tpu.memory_space<semaphore_mem>>
      %dma_start3A_264 = arith.constant 0 : i32
      %dma_start3A_265 = tpu.memref_slice %arg12[%mul3A_13, %dma_start3A_264] : memref<10000x64xi32, #tpu.memory_space<vmem_shared>> -> memref<625x64xi32, #tpu.memory_space<vmem_shared>>
      %dma_start3A_266 = arith.constant 0 : i32
      %dma_start3A_267 = tpu.memref_slice %arg2[%mul3A_13, %dma_start3A_266] : memref<10000x64xi32, #tpu.memory_space<hbm>> -> memref<625x64xi32, #tpu.memory_space<hbm>>
      tpu.enqueue_dma source(%dma_start3A_267 : memref<625x64xi32, #tpu.memory_space<hbm>>) target(%dma_start3A_265 : memref<625x64xi32, #tpu.memory_space<vmem_shared>>) target_semaphore(%run_scoped3A : memref<!tpu.dma_semaphore, #tpu.memory_space<semaphore_mem>>)
      %dma_wait3A_268 = arith.constant 0 : i32
      %dma_wait3A_269 = tpu.memref_slice %arg12[%mul3A_13, %dma_wait3A_268] : memref<10000x64xi32, #tpu.memory_space<vmem_shared>> -> memref<625x64xi32, #tpu.memory_space<vmem_shared>>
      %dma_wait3A_270 = arith.constant 0 : i32
      %dma_wait3A_271 = tpu.memref_slice %arg2[%mul3A_13, %dma_wait3A_270] : memref<10000x64xi32, #tpu.memory_space<hbm>> -> memref<625x64xi32, #tpu.memory_space<hbm>>
      tpu.wait_dma2 semaphore(%run_scoped3A : memref<!tpu.dma_semaphore, #tpu.memory_space<semaphore_mem>>) src(%dma_wait3A_271 : memref<625x64xi32, #tpu.memory_space<hbm>>) dst(%dma_wait3A_269 : memref<625x64xi32, #tpu.memory_space<vmem_shared>>)
      tpu.yield
    }) : () -> ()
    "tpu.region"() ({
      %run_scoped3A = tpu.sem_alloc : memref<!tpu.dma_semaphore, #tpu.memory_space<semaphore_mem>>
      %dma_start3A_264 = arith.constant 0 : i32
      %dma_start3A_265 = tpu.memref_slice %arg13[%mul3A_13, %dma_start3A_264] : memref<10000x64xi32, #tpu.memory_space<vmem_shared>> -> memref<625x64xi32, #tpu.memory_space<vmem_shared>>
      %dma_start3A_266 = arith.constant 0 : i32
      %dma_start3A_267 = tpu.memref_slice %arg3[%mul3A_13, %dma_start3A_266] : memref<10000x64xi32, #tpu.memory_space<hbm>> -> memref<625x64xi32, #tpu.memory_space<hbm>>
      tpu.enqueue_dma source(%dma_start3A_267 : memref<625x64xi32, #tpu.memory_space<hbm>>) target(%dma_start3A_265 : memref<625x64xi32, #tpu.memory_space<vmem_shared>>) target_semaphore(%run_scoped3A : memref<!tpu.dma_semaphore, #tpu.memory_space<semaphore_mem>>)
      %dma_wait3A_268 = arith.constant 0 : i32
      %dma_wait3A_269 = tpu.memref_slice %arg13[%mul3A_13, %dma_wait3A_268] : memref<10000x64xi32, #tpu.memory_space<vmem_shared>> -> memref<625x64xi32, #tpu.memory_space<vmem_shared>>
      %dma_wait3A_270 = arith.constant 0 : i32
      %dma_wait3A_271 = tpu.memref_slice %arg3[%mul3A_13, %dma_wait3A_270] : memref<10000x64xi32, #tpu.memory_space<hbm>> -> memref<625x64xi32, #tpu.memory_space<hbm>>
      tpu.wait_dma2 semaphore(%run_scoped3A : memref<!tpu.dma_semaphore, #tpu.memory_space<semaphore_mem>>) src(%dma_wait3A_271 : memref<625x64xi32, #tpu.memory_space<hbm>>) dst(%dma_wait3A_269 : memref<625x64xi32, #tpu.memory_space<vmem_shared>>)
      tpu.yield
    }) : () -> ()
    "tpu.region"() ({
      %run_scoped3A = tpu.sem_alloc : memref<!tpu.dma_semaphore, #tpu.memory_space<semaphore_mem>>
      tpu.enqueue_dma source(%arg5 : memref<4x32xbf16, #tpu.memory_space<hbm>>) target(%arg15 : memref<4x32xbf16, #tpu.memory_space<vmem>>) target_semaphore(%run_scoped3A : memref<!tpu.dma_semaphore, #tpu.memory_space<semaphore_mem>>)
      tpu.wait_dma2 semaphore(%run_scoped3A : memref<!tpu.dma_semaphore, #tpu.memory_space<semaphore_mem>>) src(%arg5 : memref<4x32xbf16, #tpu.memory_space<hbm>>) dst(%arg15 : memref<4x32xbf16, #tpu.memory_space<vmem>>)
      tpu.yield
    }) : () -> ()
    "tpu.region"() ({
      %run_scoped3A = tpu.sem_alloc : memref<!tpu.dma_semaphore, #tpu.memory_space<semaphore_mem>>
      tpu.enqueue_dma source(%arg6 : memref<16xf32, #tpu.memory_space<hbm>>) target(%arg16 : memref<16xf32, #tpu.memory_space<vmem>>) target_semaphore(%run_scoped3A : memref<!tpu.dma_semaphore, #tpu.memory_space<semaphore_mem>>)
      tpu.wait_dma2 semaphore(%run_scoped3A : memref<!tpu.dma_semaphore, #tpu.memory_space<semaphore_mem>>) src(%arg6 : memref<16xf32, #tpu.memory_space<hbm>>) dst(%arg16 : memref<16xf32, #tpu.memory_space<vmem>>)
      tpu.yield
    }) : () -> ()
    %dma_wait3A = arith.constant 0 : i32
    %dma_wait3A_14 = tpu.memref_slice %arg4[%dma_wait3A, %mul3A_2] : memref<2x320000xi32, #tpu.memory_space<hbm>> -> memref<1x10000xi32, #tpu.memory_space<hbm>>
    %dma_wait3A_15 = tpu.memref_squeeze %dma_wait3A_14 : memref<1x10000xi32, #tpu.memory_space<hbm>> -> memref<10000xi32, #tpu.memory_space<hbm>>
    %dma_wait3A_16 = tpu.memref_slice %arg4[%dma_wait3A, %mul3A_2] : memref<2x320000xi32, #tpu.memory_space<hbm>> -> memref<1x10000xi32, #tpu.memory_space<hbm>>
    %dma_wait3A_17 = tpu.memref_squeeze %dma_wait3A_16 : memref<1x10000xi32, #tpu.memory_space<hbm>> -> memref<10000xi32, #tpu.memory_space<hbm>>
    tpu.wait_dma2 semaphore(%arg17 : memref<!tpu.dma_semaphore, #tpu.memory_space<semaphore_mem>>) src(%dma_wait3A_17 : memref<10000xi32, #tpu.memory_space<hbm>>) dst(%arg8 : memref<10000xi32, #tpu.memory_space<vmem>>)
    %dma_wait3A_18 = arith.constant 1 : i32
    %dma_wait3A_19 = tpu.memref_slice %arg4[%dma_wait3A_18, %mul3A_2] : memref<2x320000xi32, #tpu.memory_space<hbm>> -> memref<1x10000xi32, #tpu.memory_space<hbm>>
    %dma_wait3A_20 = tpu.memref_squeeze %dma_wait3A_19 : memref<1x10000xi32, #tpu.memory_space<hbm>> -> memref<10000xi32, #tpu.memory_space<hbm>>
    %dma_wait3A_21 = tpu.memref_slice %arg4[%dma_wait3A_18, %mul3A_2] : memref<2x320000xi32, #tpu.memory_space<hbm>> -> memref<1x10000xi32, #tpu.memory_space<hbm>>
    %dma_wait3A_22 = tpu.memref_squeeze %dma_wait3A_21 : memref<1x10000xi32, #tpu.memory_space<hbm>> -> memref<10000xi32, #tpu.memory_space<hbm>>
    tpu.wait_dma2 semaphore(%arg17 : memref<!tpu.dma_semaphore, #tpu.memory_space<semaphore_mem>>) src(%dma_wait3A_22 : memref<10000xi32, #tpu.memory_space<hbm>>) dst(%arg9 : memref<10000xi32, #tpu.memory_space<vmem>>)
    %barrier3A = arith.constant 0 : index
    tpu.barrier barrier_id(%barrier3A)
    %get3A = arith.constant 0 : index
    %get3A_23 = tpu.vector_load %arg16[%get3A] {strides = array<i32>} : memref<16xf32, #tpu.memory_space<vmem>>, vector<16xf32>,
    %get3A_24 = arith.constant 0 : i32
    %get3A_25 = arith.index_cast %get3A_24 : i32 to index
    %get3A_26 = arith.constant 0 : index
    %get3A_27 = tpu.vector_load %arg15[%get3A_25, %get3A_26] {strides = array<i32>} : memref<4x32xbf16, #tpu.memory_space<vmem>>, vector<32xbf16>,
    %get3A_28 = arith.constant 1 : i32
    %get3A_29 = arith.index_cast %get3A_28 : i32 to index
    %get3A_30 = arith.constant 0 : index
    %get3A_31 = tpu.vector_load %arg15[%get3A_29, %get3A_30] {strides = array<i32>} : memref<4x32xbf16, #tpu.memory_space<vmem>>, vector<32xbf16>,
    %get3A_32 = arith.constant 2 : i32
    %get3A_33 = arith.index_cast %get3A_32 : i32 to index
    %get3A_34 = arith.constant 0 : index
    %get3A_35 = tpu.vector_load %arg15[%get3A_33, %get3A_34] {strides = array<i32>} : memref<4x32xbf16, #tpu.memory_space<vmem>>, vector<32xbf16>,
    %get3A_36 = arith.constant 3 : i32
    %get3A_37 = arith.index_cast %get3A_36 : i32 to index
    %get3A_38 = arith.constant 0 : index
    %get3A_39 = tpu.vector_load %arg15[%get3A_37, %get3A_38] {strides = array<i32>} : memref<4x32xbf16, #tpu.memory_space<vmem>>, vector<32xbf16>,
    %iota3A = tpu.iota {dimensions = array<i32: 0>} : vector<16xi32>
    %eq3A = arith.constant 15 : i32
    %eq3A_40 = vector.broadcast %eq3A : i32 to vector<16xi32>
    %eq3A_41 = arith.cmpi eq, %iota3A, %eq3A_40 : vector<16xi32>
    %add3A_42 = arith.constant 8 : i32
    %add3A_43 = vector.broadcast %add3A_42 : i32 to vector<16xi32>
    %add3A_44 = arith.addi %iota3A, %add3A_43 : vector<16xi32>
    %and3A = arith.constant 15 : i32
    %and3A_45 = vector.broadcast %and3A : i32 to vector<16xi32>
    %and3A_46 = arith.andi %add3A_44, %and3A_45 : vector<16xi32>
    %add3A_47 = arith.constant 4 : i32
    %add3A_48 = vector.broadcast %add3A_47 : i32 to vector<16xi32>
    %add3A_49 = arith.addi %iota3A, %add3A_48 : vector<16xi32>
    %and3A_50 = arith.constant 15 : i32
    %and3A_51 = vector.broadcast %and3A_50 : i32 to vector<16xi32>
    %and3A_52 = arith.andi %add3A_49, %and3A_51 : vector<16xi32>
    %add3A_53 = arith.constant 2 : i32
    %add3A_54 = vector.broadcast %add3A_53 : i32 to vector<16xi32>
    %add3A_55 = arith.addi %iota3A, %add3A_54 : vector<16xi32>
    %and3A_56 = arith.constant 15 : i32
    %and3A_57 = vector.broadcast %and3A_56 : i32 to vector<16xi32>
    %and3A_58 = arith.andi %add3A_55, %and3A_57 : vector<16xi32>
    %add3A_59 = arith.constant 1 : i32
    %add3A_60 = vector.broadcast %add3A_59 : i32 to vector<16xi32>
    %add3A_61 = arith.addi %iota3A, %add3A_60 : vector<16xi32>
    %and3A_62 = arith.constant 15 : i32
    %and3A_63 = vector.broadcast %and3A_62 : i32 to vector<16xi32>
    %and3A_64 = arith.andi %add3A_61, %and3A_63 : vector<16xi32>
    %dma_start3A_65 = arith.constant 0 : i32
    %dma_start3A_66 = arith.constant 0 : i32
    %dma_start3A_67 = arith.constant 0 : i32
    %dma_start3A_68 = tpu.memref_slice %arg10[%dma_start3A_65, %dma_start3A_66, %dma_start3A_67] : memref<2x80x64xi32, #tpu.memory_space<vmem>> -> memref<1x80x64xi32, #tpu.memory_space<vmem>>
    %dma_start3A_69 = tpu.memref_squeeze %dma_start3A_68 : memref<1x80x64xi32, #tpu.memory_space<vmem>> -> memref<80x64xi32, #tpu.memory_space<vmem>>
    %dma_start3A_70 = arith.constant 0 : i32
    %dma_start3A_71 = tpu.memref_slice %arg8[%dma_start3A_70] : memref<10000xi32, #tpu.memory_space<vmem>> -> memref<80xi32, #tpu.memory_space<vmem>>
    %dma_start3A_72 = arith.constant 0 : i32
    %dma_start3A_73 = arith.constant 0 : i32
    %dma_start3A_74 = tpu.memref_slice %arg12[%dma_start3A_72, %dma_start3A_73] : memref<10000x64xi32, #tpu.memory_space<vmem_shared>> -> memref<10000x64xi32, #tpu.memory_space<vmem_shared>>
    tpu.enqueue_indirect_dma source(%dma_start3A_74 : memref<10000x64xi32, #tpu.memory_space<vmem_shared>>) target(%dma_start3A_69 : memref<80x64xi32, #tpu.memory_space<vmem>>) offsets(%dma_start3A_71 : memref<80xi32, #tpu.memory_space<vmem>>) semaphore(%arg18 : memref<!tpu.dma_semaphore, #tpu.memory_space<semaphore_mem>>)
    %dma_start3A_75 = arith.constant 0 : i32
    %dma_start3A_76 = arith.constant 0 : i32
    %dma_start3A_77 = arith.constant 0 : i32
    %dma_start3A_78 = tpu.memref_slice %arg11[%dma_start3A_75, %dma_start3A_76, %dma_start3A_77] : memref<2x80x64xi32, #tpu.memory_space<vmem>> -> memref<1x80x64xi32, #tpu.memory_space<vmem>>
    %dma_start3A_79 = tpu.memref_squeeze %dma_start3A_78 : memref<1x80x64xi32, #tpu.memory_space<vmem>> -> memref<80x64xi32, #tpu.memory_space<vmem>>
    %dma_start3A_80 = arith.constant 0 : i32
    %dma_start3A_81 = tpu.memref_slice %arg9[%dma_start3A_80] : memref<10000xi32, #tpu.memory_space<vmem>> -> memref<80xi32, #tpu.memory_space<vmem>>
    %dma_start3A_82 = arith.constant 0 : i32
    %dma_start3A_83 = arith.constant 0 : i32
    %dma_start3A_84 = tpu.memref_slice %arg13[%dma_start3A_82, %dma_start3A_83] : memref<10000x64xi32, #tpu.memory_space<vmem_shared>> -> memref<10000x64xi32, #tpu.memory_space<vmem_shared>>
    tpu.enqueue_indirect_dma source(%dma_start3A_84 : memref<10000x64xi32, #tpu.memory_space<vmem_shared>>) target(%dma_start3A_79 : memref<80x64xi32, #tpu.memory_space<vmem>>) offsets(%dma_start3A_81 : memref<80xi32, #tpu.memory_space<vmem>>) semaphore(%arg20 : memref<!tpu.dma_semaphore, #tpu.memory_space<semaphore_mem>>)
    %scan3A = arith.constant 0 : i32
    %scan3A_85 = arith.constant 0 : i32
    %scan3A_86 = arith.constant 62 : i32
    %scan3A_87 = arith.addi %scan3A_85, %scan3A_86 : i32
    %scan3A_88 = arith.constant 1 : i32
    scf.for %scan3A_264 = %scan3A_85 to %scan3A_87 step %scan3A_88  : i32 {
      %mul3A_265 = arith.constant 2 : i32
      %mul3A_266 = arith.muli %mul3A_265, %scan3A_264 : i32
      %dma_wait3A_267 = arith.constant 0 : i32
      %dma_wait3A_268 = arith.constant 0 : i32
      %dma_wait3A_269 = arith.constant 0 : i32
      %dma_wait3A_270 = tpu.memref_slice %arg10[%dma_wait3A_267, %dma_wait3A_268, %dma_wait3A_269] : memref<2x80x64xi32, #tpu.memory_space<vmem>> -> memref<1x80x64xi32, #tpu.memory_space<vmem>>
      %dma_wait3A_271 = tpu.memref_squeeze %dma_wait3A_270 : memref<1x80x64xi32, #tpu.memory_space<vmem>> -> memref<80x64xi32, #tpu.memory_space<vmem>>
      %dma_wait3A_272 = arith.constant 0 : i32
      %dma_wait3A_273 = tpu.memref_slice %arg8[%dma_wait3A_272] : memref<10000xi32, #tpu.memory_space<vmem>> -> memref<80xi32, #tpu.memory_space<vmem>>
      %dma_wait3A_274 = arith.constant 0 : i32
      %dma_wait3A_275 = arith.constant 0 : i32
      %dma_wait3A_276 = tpu.memref_slice %arg12[%dma_wait3A_274, %dma_wait3A_275] : memref<10000x64xi32, #tpu.memory_space<vmem_shared>> -> memref<10000x64xi32, #tpu.memory_space<vmem_shared>>
      tpu.wait_indirect_dma semaphore(%arg18 : memref<!tpu.dma_semaphore, #tpu.memory_space<semaphore_mem>>) src(%dma_wait3A_276 : memref<10000x64xi32, #tpu.memory_space<vmem_shared>>) dst(%dma_wait3A_271 : memref<80x64xi32, #tpu.memory_space<vmem>>)
      %dma_wait3A_277 = arith.constant 0 : i32
      %dma_wait3A_278 = arith.constant 0 : i32
      %dma_wait3A_279 = arith.constant 0 : i32
      %dma_wait3A_280 = tpu.memref_slice %arg11[%dma_wait3A_277, %dma_wait3A_278, %dma_wait3A_279] : memref<2x80x64xi32, #tpu.memory_space<vmem>> -> memref<1x80x64xi32, #tpu.memory_space<vmem>>
      %dma_wait3A_281 = tpu.memref_squeeze %dma_wait3A_280 : memref<1x80x64xi32, #tpu.memory_space<vmem>> -> memref<80x64xi32, #tpu.memory_space<vmem>>
      %dma_wait3A_282 = arith.constant 0 : i32
      %dma_wait3A_283 = tpu.memref_slice %arg9[%dma_wait3A_282] : memref<10000xi32, #tpu.memory_space<vmem>> -> memref<80xi32, #tpu.memory_space<vmem>>
      %dma_wait3A_284 = arith.constant 0 : i32
      %dma_wait3A_285 = arith.constant 0 : i32
      %dma_wait3A_286 = tpu.memref_slice %arg13[%dma_wait3A_284, %dma_wait3A_285] : memref<10000x64xi32, #tpu.memory_space<vmem_shared>> -> memref<10000x64xi32, #tpu.memory_space<vmem_shared>>
      tpu.wait_indirect_dma semaphore(%arg20 : memref<!tpu.dma_semaphore, #tpu.memory_space<semaphore_mem>>) src(%dma_wait3A_286 : memref<10000x64xi32, #tpu.memory_space<vmem_shared>>) dst(%dma_wait3A_281 : memref<80x64xi32, #tpu.memory_space<vmem>>)
      %add3A_287 = arith.constant 1 : i32
      %add3A_288 = arith.addi %mul3A_266, %add3A_287 : i32
      %mul3A_289 = arith.constant 80 : i32
      %mul3A_290 = arith.muli %add3A_288, %mul3A_289 : i32
      %dma_start3A_291 = arith.constant 1 : i32
      %dma_start3A_292 = arith.constant 0 : i32
      %dma_start3A_293 = arith.constant 0 : i32
      %dma_start3A_294 = tpu.memref_slice %arg10[%dma_start3A_291, %dma_start3A_292, %dma_start3A_293] : memref<2x80x64xi32, #tpu.memory_space<vmem>> -> memref<1x80x64xi32, #tpu.memory_space<vmem>>
      %dma_start3A_295 = tpu.memref_squeeze %dma_start3A_294 : memref<1x80x64xi32, #tpu.memory_space<vmem>> -> memref<80x64xi32, #tpu.memory_space<vmem>>
      %dma_start3A_296 = tpu.memref_slice %arg8[%mul3A_290] : memref<10000xi32, #tpu.memory_space<vmem>> -> memref<80xi32, #tpu.memory_space<vmem>>
      %dma_start3A_297 = arith.constant 0 : i32
      %dma_start3A_298 = arith.constant 0 : i32
      %dma_start3A_299 = tpu.memref_slice %arg12[%dma_start3A_297, %dma_start3A_298] : memref<10000x64xi32, #tpu.memory_space<vmem_shared>> -> memref<10000x64xi32, #tpu.memory_space<vmem_shared>>
      tpu.enqueue_indirect_dma source(%dma_start3A_299 : memref<10000x64xi32, #tpu.memory_space<vmem_shared>>) target(%dma_start3A_295 : memref<80x64xi32, #tpu.memory_space<vmem>>) offsets(%dma_start3A_296 : memref<80xi32, #tpu.memory_space<vmem>>) semaphore(%arg19 : memref<!tpu.dma_semaphore, #tpu.memory_space<semaphore_mem>>)
      %dma_start3A_300 = arith.constant 1 : i32
      %dma_start3A_301 = arith.constant 0 : i32
      %dma_start3A_302 = arith.constant 0 : i32
      %dma_start3A_303 = tpu.memref_slice %arg11[%dma_start3A_300, %dma_start3A_301, %dma_start3A_302] : memref<2x80x64xi32, #tpu.memory_space<vmem>> -> memref<1x80x64xi32, #tpu.memory_space<vmem>>
      %dma_start3A_304 = tpu.memref_squeeze %dma_start3A_303 : memref<1x80x64xi32, #tpu.memory_space<vmem>> -> memref<80x64xi32, #tpu.memory_space<vmem>>
      %dma_start3A_305 = tpu.memref_slice %arg9[%mul3A_290] : memref<10000xi32, #tpu.memory_space<vmem>> -> memref<80xi32, #tpu.memory_space<vmem>>
      %dma_start3A_306 = arith.constant 0 : i32
      %dma_start3A_307 = arith.constant 0 : i32
      %dma_start3A_308 = tpu.memref_slice %arg13[%dma_start3A_306, %dma_start3A_307] : memref<10000x64xi32, #tpu.memory_space<vmem_shared>> -> memref<10000x64xi32, #tpu.memory_space<vmem_shared>>
      tpu.enqueue_indirect_dma source(%dma_start3A_308 : memref<10000x64xi32, #tpu.memory_space<vmem_shared>>) target(%dma_start3A_304 : memref<80x64xi32, #tpu.memory_space<vmem>>) offsets(%dma_start3A_305 : memref<80xi32, #tpu.memory_space<vmem>>) semaphore(%arg21 : memref<!tpu.dma_semaphore, #tpu.memory_space<semaphore_mem>>)
      %ge3A_309 = arith.constant 2 : i32
      %ge3A_310 = arith.cmpi sge, %mul3A_266, %ge3A_309 : i32
      %convert_element_type3A_311 = arith.extui %ge3A_310 : i1 to i32
      %cond3A_312 = arith.constant 0 : i32
      %cond3A_313 = arith.cmpi ne, %convert_element_type3A_311, %cond3A_312 : i32
      scf.if %cond3A_313 {
        %dma_wait3A_629 = arith.constant 0 : i32
        %dma_wait3A_630 = arith.constant 0 : i32
        %dma_wait3A_631 = tpu.memref_slice %arg14[%dma_wait3A_629, %dma_wait3A_630] : memref<2x80xf32, #tpu.memory_space<vmem>> -> memref<1x80xf32, #tpu.memory_space<vmem>>
        %dma_wait3A_632 = tpu.memref_squeeze %dma_wait3A_631 : memref<1x80xf32, #tpu.memory_space<vmem>> -> memref<80xf32, #tpu.memory_space<vmem>>
        %dma_wait3A_633 = arith.constant 0 : i32
        %dma_wait3A_634 = tpu.memref_slice %arg7[%dma_wait3A_633] : memref<320000xf32, #tpu.memory_space<hbm>> -> memref<80xf32, #tpu.memory_space<hbm>>
        %dma_wait3A_635 = arith.constant 0 : i32
        %dma_wait3A_636 = tpu.memref_slice %arg7[%dma_wait3A_635] : memref<320000xf32, #tpu.memory_space<hbm>> -> memref<80xf32, #tpu.memory_space<hbm>>
        %dma_wait3A_637 = arith.constant 0 : i32
        %dma_wait3A_638 = tpu.memref_slice %arg14[%dma_wait3A_629, %dma_wait3A_637] : memref<2x80xf32, #tpu.memory_space<vmem>> -> memref<1x80xf32, #tpu.memory_space<vmem>>
        %dma_wait3A_639 = tpu.memref_squeeze %dma_wait3A_638 : memref<1x80xf32, #tpu.memory_space<vmem>> -> memref<80xf32, #tpu.memory_space<vmem>>
        tpu.wait_dma2 semaphore(%arg22 : memref<!tpu.dma_semaphore, #tpu.memory_space<semaphore_mem>>) src(%dma_wait3A_639 : memref<80xf32, #tpu.memory_space<vmem>>) dst(%dma_wait3A_636 : memref<80xf32, #tpu.memory_space<hbm>>)
      } else {
      }
      %parallel_loop3A_314 = arith.constant 0 : i32
      %parallel_loop3A_315 = arith.constant 80 : i32
      %parallel_loop3A_316 = arith.constant 1 : i32
      %parallel_loop3A_317 = arith.constant 0 : i32
      %parallel_loop3A_318 = arith.constant 0 : i32
      %parallel_loop3A_319 = arith.constant 0 : i32
      scf.for %parallel_loop3A_629 = %parallel_loop3A_314 to %parallel_loop3A_315 step %parallel_loop3A_316  : i32 {
        %parallel_loop3A_630 = arith.constant 0 : i32
        %parallel_loop3A_631 = arith.constant 0 : i32
        %parallel_loop3A_632 = tpu.memref_slice %arg10[%parallel_loop3A_317, %parallel_loop3A_630, %parallel_loop3A_631] : memref<2x80x64xi32, #tpu.memory_space<vmem>> -> memref<1x80x64xi32, #tpu.memory_space<vmem>>
        %parallel_loop3A_633 = tpu.memref_squeeze %parallel_loop3A_632 : memref<1x80x64xi32, #tpu.memory_space<vmem>> -> memref<80x64xi32, #tpu.memory_space<vmem>>
        %parallel_loop3A_634 = arith.index_cast %parallel_loop3A_629 : i32 to index
        %parallel_loop3A_635 = arith.constant 0 : index
        %parallel_loop3A_636 = tpu.vector_load %parallel_loop3A_633[%parallel_loop3A_634, %parallel_loop3A_635] {strides = array<i32>} : memref<80x64xi32, #tpu.memory_space<vmem>>, vector<16xi32>,
        %parallel_loop3A_637 = vector.bitcast %parallel_loop3A_636 : vector<16xi32> to vector<32xbf16>
        %parallel_loop3A_638 = arith.constant 0 : i32
        %parallel_loop3A_639 = arith.constant 0 : i32
        %parallel_loop3A_640 = tpu.memref_slice %arg11[%parallel_loop3A_318, %parallel_loop3A_638, %parallel_loop3A_639] : memref<2x80x64xi32, #tpu.memory_space<vmem>> -> memref<1x80x64xi32, #tpu.memory_space<vmem>>
        %parallel_loop3A_641 = tpu.memref_squeeze %parallel_loop3A_640 : memref<1x80x64xi32, #tpu.memory_space<vmem>> -> memref<80x64xi32, #tpu.memory_space<vmem>>
        %parallel_loop3A_642 = arith.index_cast %parallel_loop3A_629 : i32 to index
        %parallel_loop3A_643 = arith.constant 0 : index
        %parallel_loop3A_644 = tpu.vector_load %parallel_loop3A_641[%parallel_loop3A_642, %parallel_loop3A_643] {strides = array<i32>} : memref<80x64xi32, #tpu.memory_space<vmem>>, vector<16xi32>,
        %parallel_loop3A_645 = vector.bitcast %parallel_loop3A_644 : vector<16xi32> to vector<32xbf16>
        %parallel_loop3A_646 = arith.addf %parallel_loop3A_637, %parallel_loop3A_645 : vector<32xbf16>
        %parallel_loop3A_647 = arith.constant 0.000000e+00 : bf16
        %parallel_loop3A_648 = vector.broadcast %parallel_loop3A_647 : bf16 to vector<32xbf16>
        %parallel_loop3A_649 = arith.maximumf %parallel_loop3A_646, %parallel_loop3A_648 : vector<32xbf16>
        %parallel_loop3A_650 = arith.mulf %parallel_loop3A_649, %get3A_27 : vector<32xbf16>
        %parallel_loop3A_651 = arith.constant 0 : i32
        %parallel_loop3A_652 = arith.constant 0 : i32
        %parallel_loop3A_653 = tpu.memref_slice %arg10[%parallel_loop3A_317, %parallel_loop3A_651, %parallel_loop3A_652] : memref<2x80x64xi32, #tpu.memory_space<vmem>> -> memref<1x80x64xi32, #tpu.memory_space<vmem>>
        %parallel_loop3A_654 = tpu.memref_squeeze %parallel_loop3A_653 : memref<1x80x64xi32, #tpu.memory_space<vmem>> -> memref<80x64xi32, #tpu.memory_space<vmem>>
        %parallel_loop3A_655 = arith.index_cast %parallel_loop3A_629 : i32 to index
        %parallel_loop3A_656 = arith.constant 16 : index
        %parallel_loop3A_657 = tpu.vector_load %parallel_loop3A_654[%parallel_loop3A_655, %parallel_loop3A_656] {strides = array<i32>} : memref<80x64xi32, #tpu.memory_space<vmem>>, vector<16xi32>,
        %parallel_loop3A_658 = vector.bitcast %parallel_loop3A_657 : vector<16xi32> to vector<32xbf16>
        %parallel_loop3A_659 = arith.constant 0 : i32
        %parallel_loop3A_660 = arith.constant 0 : i32
        %parallel_loop3A_661 = tpu.memref_slice %arg11[%parallel_loop3A_318, %parallel_loop3A_659, %parallel_loop3A_660] : memref<2x80x64xi32, #tpu.memory_space<vmem>> -> memref<1x80x64xi32, #tpu.memory_space<vmem>>
        %parallel_loop3A_662 = tpu.memref_squeeze %parallel_loop3A_661 : memref<1x80x64xi32, #tpu.memory_space<vmem>> -> memref<80x64xi32, #tpu.memory_space<vmem>>
        %parallel_loop3A_663 = arith.index_cast %parallel_loop3A_629 : i32 to index
        %parallel_loop3A_664 = arith.constant 16 : index
        %parallel_loop3A_665 = tpu.vector_load %parallel_loop3A_662[%parallel_loop3A_663, %parallel_loop3A_664] {strides = array<i32>} : memref<80x64xi32, #tpu.memory_space<vmem>>, vector<16xi32>,
        %parallel_loop3A_666 = vector.bitcast %parallel_loop3A_665 : vector<16xi32> to vector<32xbf16>
        %parallel_loop3A_667 = arith.addf %parallel_loop3A_658, %parallel_loop3A_666 : vector<32xbf16>
        %parallel_loop3A_668 = arith.constant 0.000000e+00 : bf16
        %parallel_loop3A_669 = vector.broadcast %parallel_loop3A_668 : bf16 to vector<32xbf16>
        %parallel_loop3A_670 = arith.maximumf %parallel_loop3A_667, %parallel_loop3A_669 : vector<32xbf16>
        %parallel_loop3A_671 = arith.mulf %parallel_loop3A_670, %get3A_31 : vector<32xbf16>
        %parallel_loop3A_672 = arith.constant 0 : i32
        %parallel_loop3A_673 = arith.constant 0 : i32
        %parallel_loop3A_674 = tpu.memref_slice %arg10[%parallel_loop3A_317, %parallel_loop3A_672, %parallel_loop3A_673] : memref<2x80x64xi32, #tpu.memory_space<vmem>> -> memref<1x80x64xi32, #tpu.memory_space<vmem>>
        %parallel_loop3A_675 = tpu.memref_squeeze %parallel_loop3A_674 : memref<1x80x64xi32, #tpu.memory_space<vmem>> -> memref<80x64xi32, #tpu.memory_space<vmem>>
        %parallel_loop3A_676 = arith.index_cast %parallel_loop3A_629 : i32 to index
        %parallel_loop3A_677 = arith.constant 32 : index
        %parallel_loop3A_678 = tpu.vector_load %parallel_loop3A_675[%parallel_loop3A_676, %parallel_loop3A_677] {strides = array<i32>} : memref<80x64xi32, #tpu.memory_space<vmem>>, vector<16xi32>,
        %parallel_loop3A_679 = vector.bitcast %parallel_loop3A_678 : vector<16xi32> to vector<32xbf16>
        %parallel_loop3A_680 = arith.constant 0 : i32
        %parallel_loop3A_681 = arith.constant 0 : i32
        %parallel_loop3A_682 = tpu.memref_slice %arg11[%parallel_loop3A_318, %parallel_loop3A_680, %parallel_loop3A_681] : memref<2x80x64xi32, #tpu.memory_space<vmem>> -> memref<1x80x64xi32, #tpu.memory_space<vmem>>
        %parallel_loop3A_683 = tpu.memref_squeeze %parallel_loop3A_682 : memref<1x80x64xi32, #tpu.memory_space<vmem>> -> memref<80x64xi32, #tpu.memory_space<vmem>>
        %parallel_loop3A_684 = arith.index_cast %parallel_loop3A_629 : i32 to index
        %parallel_loop3A_685 = arith.constant 32 : index
        %parallel_loop3A_686 = tpu.vector_load %parallel_loop3A_683[%parallel_loop3A_684, %parallel_loop3A_685] {strides = array<i32>} : memref<80x64xi32, #tpu.memory_space<vmem>>, vector<16xi32>,
        %parallel_loop3A_687 = vector.bitcast %parallel_loop3A_686 : vector<16xi32> to vector<32xbf16>
        %parallel_loop3A_688 = arith.addf %parallel_loop3A_679, %parallel_loop3A_687 : vector<32xbf16>
        %parallel_loop3A_689 = arith.constant 0.000000e+00 : bf16
        %parallel_loop3A_690 = vector.broadcast %parallel_loop3A_689 : bf16 to vector<32xbf16>
        %parallel_loop3A_691 = arith.maximumf %parallel_loop3A_688, %parallel_loop3A_690 : vector<32xbf16>
        %parallel_loop3A_692 = arith.mulf %parallel_loop3A_691, %get3A_35 : vector<32xbf16>
        %parallel_loop3A_693 = arith.constant 0 : i32
        %parallel_loop3A_694 = arith.constant 0 : i32
        %parallel_loop3A_695 = tpu.memref_slice %arg10[%parallel_loop3A_317, %parallel_loop3A_693, %parallel_loop3A_694] : memref<2x80x64xi32, #tpu.memory_space<vmem>> -> memref<1x80x64xi32, #tpu.memory_space<vmem>>
        %parallel_loop3A_696 = tpu.memref_squeeze %parallel_loop3A_695 : memref<1x80x64xi32, #tpu.memory_space<vmem>> -> memref<80x64xi32, #tpu.memory_space<vmem>>
        %parallel_loop3A_697 = arith.index_cast %parallel_loop3A_629 : i32 to index
        %parallel_loop3A_698 = arith.constant 48 : index
        %parallel_loop3A_699 = tpu.vector_load %parallel_loop3A_696[%parallel_loop3A_697, %parallel_loop3A_698] {strides = array<i32>} : memref<80x64xi32, #tpu.memory_space<vmem>>, vector<16xi32>,
        %parallel_loop3A_700 = vector.bitcast %parallel_loop3A_699 : vector<16xi32> to vector<32xbf16>
        %parallel_loop3A_701 = arith.constant 0 : i32
        %parallel_loop3A_702 = arith.constant 0 : i32
        %parallel_loop3A_703 = tpu.memref_slice %arg11[%parallel_loop3A_318, %parallel_loop3A_701, %parallel_loop3A_702] : memref<2x80x64xi32, #tpu.memory_space<vmem>> -> memref<1x80x64xi32, #tpu.memory_space<vmem>>
        %parallel_loop3A_704 = tpu.memref_squeeze %parallel_loop3A_703 : memref<1x80x64xi32, #tpu.memory_space<vmem>> -> memref<80x64xi32, #tpu.memory_space<vmem>>
        %parallel_loop3A_705 = arith.index_cast %parallel_loop3A_629 : i32 to index
        %parallel_loop3A_706 = arith.constant 48 : index
        %parallel_loop3A_707 = tpu.vector_load %parallel_loop3A_704[%parallel_loop3A_705, %parallel_loop3A_706] {strides = array<i32>} : memref<80x64xi32, #tpu.memory_space<vmem>>, vector<16xi32>,
        %parallel_loop3A_708 = vector.bitcast %parallel_loop3A_707 : vector<16xi32> to vector<32xbf16>
        %parallel_loop3A_709 = arith.addf %parallel_loop3A_700, %parallel_loop3A_708 : vector<32xbf16>
        %parallel_loop3A_710 = arith.constant 0.000000e+00 : bf16
        %parallel_loop3A_711 = vector.broadcast %parallel_loop3A_710 : bf16 to vector<32xbf16>
        %parallel_loop3A_712 = arith.maximumf %parallel_loop3A_709, %parallel_loop3A_711 : vector<32xbf16>
        %parallel_loop3A_713 = arith.mulf %parallel_loop3A_712, %get3A_39 : vector<32xbf16>
        %parallel_loop3A_714 = arith.addf %parallel_loop3A_650, %parallel_loop3A_671 : vector<32xbf16>
        %parallel_loop3A_715 = arith.addf %parallel_loop3A_692, %parallel_loop3A_713 : vector<32xbf16>
        %parallel_loop3A_716 = arith.addf %parallel_loop3A_714, %parallel_loop3A_715 : vector<32xbf16>
        %parallel_loop3A_717 = vector.bitcast %parallel_loop3A_716 : vector<32xbf16> to vector<16xi32>
        %parallel_loop3A_718 = arith.constant 16 : i32
        %parallel_loop3A_719 = vector.broadcast %parallel_loop3A_718 : i32 to vector<16xi32>
        %parallel_loop3A_720 = arith.shli %parallel_loop3A_717, %parallel_loop3A_719 : vector<16xi32>
        %parallel_loop3A_721 = vector.bitcast %parallel_loop3A_720 : vector<16xi32> to vector<16xf32>
        %parallel_loop3A_722 = arith.constant -65536 : i32
        %parallel_loop3A_723 = vector.broadcast %parallel_loop3A_722 : i32 to vector<16xi32>
        %parallel_loop3A_724 = arith.andi %parallel_loop3A_717, %parallel_loop3A_723 : vector<16xi32>
        %parallel_loop3A_725 = vector.bitcast %parallel_loop3A_724 : vector<16xi32> to vector<16xf32>
        %parallel_loop3A_726 = arith.addf %parallel_loop3A_721, %parallel_loop3A_725 : vector<16xf32>
        %parallel_loop3A_727 = arith.constant 0 : i32
        %parallel_loop3A_728 = vector.broadcast %parallel_loop3A_727 : i32 to vector<16xi32>
        %parallel_loop3A_729 = arith.cmpi slt, %and3A_46, %parallel_loop3A_728 : vector<16xi32>
        %parallel_loop3A_730 = arith.constant 16 : i32
        %parallel_loop3A_731 = vector.broadcast %parallel_loop3A_730 : i32 to vector<16xi32>
        %parallel_loop3A_732 = arith.addi %and3A_46, %parallel_loop3A_731 : vector<16xi32>
        %parallel_loop3A_733 = arith.select %parallel_loop3A_729, %parallel_loop3A_732, %and3A_46 : vector<16xi1>, vector<16xi32>
        %parallel_loop3A_734 = vector.shape_cast %parallel_loop3A_733 : vector<16xi32> to vector<16x1xi32>
        %parallel_loop3A_735 = vector.shape_cast %parallel_loop3A_734 : vector<16x1xi32> to vector<16xi32>
        %parallel_loop3A_736 = tpu.dynamic_gather %parallel_loop3A_726[%parallel_loop3A_735] in [0] : vector<16xf32>, vector<16xi32> -> vector<16xf32>
        %parallel_loop3A_737 = arith.addf %parallel_loop3A_726, %parallel_loop3A_736 : vector<16xf32>
        %parallel_loop3A_738 = arith.constant 0 : i32
        %parallel_loop3A_739 = vector.broadcast %parallel_loop3A_738 : i32 to vector<16xi32>
        %parallel_loop3A_740 = arith.cmpi slt, %and3A_52, %parallel_loop3A_739 : vector<16xi32>
        %parallel_loop3A_741 = arith.constant 16 : i32
        %parallel_loop3A_742 = vector.broadcast %parallel_loop3A_741 : i32 to vector<16xi32>
        %parallel_loop3A_743 = arith.addi %and3A_52, %parallel_loop3A_742 : vector<16xi32>
        %parallel_loop3A_744 = arith.select %parallel_loop3A_740, %parallel_loop3A_743, %and3A_52 : vector<16xi1>, vector<16xi32>
        %parallel_loop3A_745 = vector.shape_cast %parallel_loop3A_744 : vector<16xi32> to vector<16x1xi32>
        %parallel_loop3A_746 = vector.shape_cast %parallel_loop3A_745 : vector<16x1xi32> to vector<16xi32>
        %parallel_loop3A_747 = tpu.dynamic_gather %parallel_loop3A_737[%parallel_loop3A_746] in [0] : vector<16xf32>, vector<16xi32> -> vector<16xf32>
        %parallel_loop3A_748 = arith.addf %parallel_loop3A_737, %parallel_loop3A_747 : vector<16xf32>
        %parallel_loop3A_749 = arith.constant 0 : i32
        %parallel_loop3A_750 = vector.broadcast %parallel_loop3A_749 : i32 to vector<16xi32>
        %parallel_loop3A_751 = arith.cmpi slt, %and3A_58, %parallel_loop3A_750 : vector<16xi32>
        %parallel_loop3A_752 = arith.constant 16 : i32
        %parallel_loop3A_753 = vector.broadcast %parallel_loop3A_752 : i32 to vector<16xi32>
        %parallel_loop3A_754 = arith.addi %and3A_58, %parallel_loop3A_753 : vector<16xi32>
        %parallel_loop3A_755 = arith.select %parallel_loop3A_751, %parallel_loop3A_754, %and3A_58 : vector<16xi1>, vector<16xi32>
        %parallel_loop3A_756 = vector.shape_cast %parallel_loop3A_755 : vector<16xi32> to vector<16x1xi32>
        %parallel_loop3A_757 = vector.shape_cast %parallel_loop3A_756 : vector<16x1xi32> to vector<16xi32>
        %parallel_loop3A_758 = tpu.dynamic_gather %parallel_loop3A_748[%parallel_loop3A_757] in [0] : vector<16xf32>, vector<16xi32> -> vector<16xf32>
        %parallel_loop3A_759 = arith.addf %parallel_loop3A_748, %parallel_loop3A_758 : vector<16xf32>
        %parallel_loop3A_760 = arith.constant 0 : i32
        %parallel_loop3A_761 = vector.broadcast %parallel_loop3A_760 : i32 to vector<16xi32>
        %parallel_loop3A_762 = arith.cmpi slt, %and3A_64, %parallel_loop3A_761 : vector<16xi32>
        %parallel_loop3A_763 = arith.constant 16 : i32
        %parallel_loop3A_764 = vector.broadcast %parallel_loop3A_763 : i32 to vector<16xi32>
        %parallel_loop3A_765 = arith.addi %and3A_64, %parallel_loop3A_764 : vector<16xi32>
        %parallel_loop3A_766 = arith.select %parallel_loop3A_762, %parallel_loop3A_765, %and3A_64 : vector<16xi1>, vector<16xi32>
        %parallel_loop3A_767 = vector.shape_cast %parallel_loop3A_766 : vector<16xi32> to vector<16x1xi32>
        %parallel_loop3A_768 = vector.shape_cast %parallel_loop3A_767 : vector<16x1xi32> to vector<16xi32>
        %parallel_loop3A_769 = tpu.dynamic_gather %parallel_loop3A_759[%parallel_loop3A_768] in [0] : vector<16xf32>, vector<16xi32> -> vector<16xf32>
        %parallel_loop3A_770 = arith.addf %parallel_loop3A_759, %parallel_loop3A_769 : vector<16xf32>
        %parallel_loop3A_771 = arith.constant 0 : i32
        %parallel_loop3A_772 = vector.broadcast %parallel_loop3A_771 : i32 to vector<16xi32>
        %parallel_loop3A_773 = vector.broadcast %parallel_loop3A_629 : i32 to vector<16xi32>
        %parallel_loop3A_774 = arith.addi %parallel_loop3A_772, %parallel_loop3A_773 : vector<16xi32>
        %parallel_loop3A_775 = arith.constant 0 : i32
        %parallel_loop3A_776 = tpu.memref_slice %arg14[%parallel_loop3A_319, %parallel_loop3A_775] : memref<2x80xf32, #tpu.memory_space<vmem>> -> memref<1x80xf32, #tpu.memory_space<vmem>>
        %parallel_loop3A_777 = tpu.memref_squeeze %parallel_loop3A_776 : memref<1x80xf32, #tpu.memory_space<vmem>> -> memref<80xf32, #tpu.memory_space<vmem>>
        tpu.vector_store_idx %parallel_loop3A_777[%parallel_loop3A_774], %parallel_loop3A_770 masked %eq3A_41 : memref<80xf32, #tpu.memory_space<vmem>>[vector<16xi32>], vector<16xf32>, vector<16xi1>
      } {sc.loop_unroll_factor = 4 : i64, sc.parallel_access}
      %get3A_320 = arith.constant 0 : i32
      %get3A_321 = arith.constant 0 : i32
      %get3A_322 = tpu.memref_slice %arg14[%get3A_320, %get3A_321] : memref<2x80xf32, #tpu.memory_space<vmem>> -> memref<1x80xf32, #tpu.memory_space<vmem>>
      %get3A_323 = tpu.memref_squeeze %get3A_322 : memref<1x80xf32, #tpu.memory_space<vmem>> -> memref<80xf32, #tpu.memory_space<vmem>>
      %get3A_324 = arith.constant 0 : index
      %get3A_325 = tpu.vector_load %get3A_323[%get3A_324] {strides = array<i32>} : memref<80xf32, #tpu.memory_space<vmem>>, vector<16xf32>,
      %add3A_326 = arith.addf %get3A_325, %get3A_23 : vector<16xf32>
      %neg3A_327 = arith.constant 0.000000e+00 : f32
      %neg3A_328 = vector.broadcast %neg3A_327 : f32 to vector<16xf32>
      %neg3A_329 = arith.subf %neg3A_328, %add3A_326 : vector<16xf32>
      %exp3A_330 = math.exp %neg3A_329 : vector<16xf32>
      %add3A_331 = arith.constant 1.000000e+00 : f32
      %add3A_332 = vector.broadcast %add3A_331 : f32 to vector<16xf32>
      %add3A_333 = arith.addf %add3A_332, %exp3A_330 : vector<16xf32>
      %div3A_334 = arith.constant 1.000000e+00 : f32
      %div3A_335 = vector.broadcast %div3A_334 : f32 to vector<16xf32>
      %div3A_336 = arith.divf %div3A_335, %add3A_333 : vector<16xf32>
      %swap3A_337 = arith.constant 0 : i32
      %swap3A_338 = arith.constant 0 : i32
      %swap3A_339 = tpu.memref_slice %arg14[%swap3A_337, %swap3A_338] : memref<2x80xf32, #tpu.memory_space<vmem>> -> memref<1x80xf32, #tpu.memory_space<vmem>>
      %swap3A_340 = tpu.memref_squeeze %swap3A_339 : memref<1x80xf32, #tpu.memory_space<vmem>> -> memref<80xf32, #tpu.memory_space<vmem>>
      %swap3A_341 = arith.constant 0 : index
      %swap3A_342 = tpu.vector_load %swap3A_340[%swap3A_341] {strides = array<i32>} : memref<80xf32, #tpu.memory_space<vmem>>, vector<16xf32>,
      tpu.vector_store %swap3A_340[%swap3A_341], %div3A_336 {strides = array<i32>} : memref<80xf32, #tpu.memory_space<vmem>>, vector<16xf32>,
      %get3A_343 = arith.constant 0 : i32
      %get3A_344 = arith.constant 0 : i32
      %get3A_345 = tpu.memref_slice %arg14[%get3A_343, %get3A_344] : memref<2x80xf32, #tpu.memory_space<vmem>> -> memref<1x80xf32, #tpu.memory_space<vmem>>
      %get3A_346 = tpu.memref_squeeze %get3A_345 : memref<1x80xf32, #tpu.memory_space<vmem>> -> memref<80xf32, #tpu.memory_space<vmem>>
      %get3A_347 = arith.constant 16 : index
      %get3A_348 = tpu.vector_load %get3A_346[%get3A_347] {strides = array<i32>} : memref<80xf32, #tpu.memory_space<vmem>>, vector<16xf32>,
      %add3A_349 = arith.addf %get3A_348, %get3A_23 : vector<16xf32>
      %neg3A_350 = arith.constant 0.000000e+00 : f32
      %neg3A_351 = vector.broadcast %neg3A_350 : f32 to vector<16xf32>
      %neg3A_352 = arith.subf %neg3A_351, %add3A_349 : vector<16xf32>
      %exp3A_353 = math.exp %neg3A_352 : vector<16xf32>
      %add3A_354 = arith.constant 1.000000e+00 : f32
      %add3A_355 = vector.broadcast %add3A_354 : f32 to vector<16xf32>
      %add3A_356 = arith.addf %add3A_355, %exp3A_353 : vector<16xf32>
      %div3A_357 = arith.constant 1.000000e+00 : f32
      %div3A_358 = vector.broadcast %div3A_357 : f32 to vector<16xf32>
      %div3A_359 = arith.divf %div3A_358, %add3A_356 : vector<16xf32>
      %swap3A_360 = arith.constant 0 : i32
      %swap3A_361 = arith.constant 0 : i32
      %swap3A_362 = tpu.memref_slice %arg14[%swap3A_360, %swap3A_361] : memref<2x80xf32, #tpu.memory_space<vmem>> -> memref<1x80xf32, #tpu.memory_space<vmem>>
      %swap3A_363 = tpu.memref_squeeze %swap3A_362 : memref<1x80xf32, #tpu.memory_space<vmem>> -> memref<80xf32, #tpu.memory_space<vmem>>
      %swap3A_364 = arith.constant 16 : index
      %swap3A_365 = tpu.vector_load %swap3A_363[%swap3A_364] {strides = array<i32>} : memref<80xf32, #tpu.memory_space<vmem>>, vector<16xf32>,
      tpu.vector_store %swap3A_363[%swap3A_364], %div3A_359 {strides = array<i32>} : memref<80xf32, #tpu.memory_space<vmem>>, vector<16xf32>,
      %get3A_366 = arith.constant 0 : i32
      %get3A_367 = arith.constant 0 : i32
      %get3A_368 = tpu.memref_slice %arg14[%get3A_366, %get3A_367] : memref<2x80xf32, #tpu.memory_space<vmem>> -> memref<1x80xf32, #tpu.memory_space<vmem>>
      %get3A_369 = tpu.memref_squeeze %get3A_368 : memref<1x80xf32, #tpu.memory_space<vmem>> -> memref<80xf32, #tpu.memory_space<vmem>>
      %get3A_370 = arith.constant 32 : index
      %get3A_371 = tpu.vector_load %get3A_369[%get3A_370] {strides = array<i32>} : memref<80xf32, #tpu.memory_space<vmem>>, vector<16xf32>,
      %add3A_372 = arith.addf %get3A_371, %get3A_23 : vector<16xf32>
      %neg3A_373 = arith.constant 0.000000e+00 : f32
      %neg3A_374 = vector.broadcast %neg3A_373 : f32 to vector<16xf32>
      %neg3A_375 = arith.subf %neg3A_374, %add3A_372 : vector<16xf32>
      %exp3A_376 = math.exp %neg3A_375 : vector<16xf32>
      %add3A_377 = arith.constant 1.000000e+00 : f32
      %add3A_378 = vector.broadcast %add3A_377 : f32 to vector<16xf32>
      %add3A_379 = arith.addf %add3A_378, %exp3A_376 : vector<16xf32>
      %div3A_380 = arith.constant 1.000000e+00 : f32
      %div3A_381 = vector.broadcast %div3A_380 : f32 to vector<16xf32>
      %div3A_382 = arith.divf %div3A_381, %add3A_379 : vector<16xf32>
      %swap3A_383 = arith.constant 0 : i32
      %swap3A_384 = arith.constant 0 : i32
      %swap3A_385 = tpu.memref_slice %arg14[%swap3A_383, %swap3A_384] : memref<2x80xf32, #tpu.memory_space<vmem>> -> memref<1x80xf32, #tpu.memory_space<vmem>>
      %swap3A_386 = tpu.memref_squeeze %swap3A_385 : memref<1x80xf32, #tpu.memory_space<vmem>> -> memref<80xf32, #tpu.memory_space<vmem>>
      %swap3A_387 = arith.constant 32 : index
      %swap3A_388 = tpu.vector_load %swap3A_386[%swap3A_387] {strides = array<i32>} : memref<80xf32, #tpu.memory_space<vmem>>, vector<16xf32>,
      tpu.vector_store %swap3A_386[%swap3A_387], %div3A_382 {strides = array<i32>} : memref<80xf32, #tpu.memory_space<vmem>>, vector<16xf32>,
      %get3A_389 = arith.constant 0 : i32
      %get3A_390 = arith.constant 0 : i32
      %get3A_391 = tpu.memref_slice %arg14[%get3A_389, %get3A_390] : memref<2x80xf32, #tpu.memory_space<vmem>> -> memref<1x80xf32, #tpu.memory_space<vmem>>
      %get3A_392 = tpu.memref_squeeze %get3A_391 : memref<1x80xf32, #tpu.memory_space<vmem>> -> memref<80xf32, #tpu.memory_space<vmem>>
      %get3A_393 = arith.constant 48 : index
      %get3A_394 = tpu.vector_load %get3A_392[%get3A_393] {strides = array<i32>} : memref<80xf32, #tpu.memory_space<vmem>>, vector<16xf32>,
      %add3A_395 = arith.addf %get3A_394, %get3A_23 : vector<16xf32>
      %neg3A_396 = arith.constant 0.000000e+00 : f32
      %neg3A_397 = vector.broadcast %neg3A_396 : f32 to vector<16xf32>
      %neg3A_398 = arith.subf %neg3A_397, %add3A_395 : vector<16xf32>
      %exp3A_399 = math.exp %neg3A_398 : vector<16xf32>
      %add3A_400 = arith.constant 1.000000e+00 : f32
      %add3A_401 = vector.broadcast %add3A_400 : f32 to vector<16xf32>
      %add3A_402 = arith.addf %add3A_401, %exp3A_399 : vector<16xf32>
      %div3A_403 = arith.constant 1.000000e+00 : f32
      %div3A_404 = vector.broadcast %div3A_403 : f32 to vector<16xf32>
      %div3A_405 = arith.divf %div3A_404, %add3A_402 : vector<16xf32>
      %swap3A_406 = arith.constant 0 : i32
      %swap3A_407 = arith.constant 0 : i32
      %swap3A_408 = tpu.memref_slice %arg14[%swap3A_406, %swap3A_407] : memref<2x80xf32, #tpu.memory_space<vmem>> -> memref<1x80xf32, #tpu.memory_space<vmem>>
      %swap3A_409 = tpu.memref_squeeze %swap3A_408 : memref<1x80xf32, #tpu.memory_space<vmem>> -> memref<80xf32, #tpu.memory_space<vmem>>
      %swap3A_410 = arith.constant 48 : index
      %swap3A_411 = tpu.vector_load %swap3A_409[%swap3A_410] {strides = array<i32>} : memref<80xf32, #tpu.memory_space<vmem>>, vector<16xf32>,
      tpu.vector_store %swap3A_409[%swap3A_410], %div3A_405 {strides = array<i32>} : memref<80xf32, #tpu.memory_space<vmem>>, vector<16xf32>,
      %get3A_412 = arith.constant 0 : i32
      %get3A_413 = arith.constant 0 : i32
      %get3A_414 = tpu.memref_slice %arg14[%get3A_412, %get3A_413] : memref<2x80xf32, #tpu.memory_space<vmem>> -> memref<1x80xf32, #tpu.memory_space<vmem>>
      %get3A_415 = tpu.memref_squeeze %get3A_414 : memref<1x80xf32, #tpu.memory_space<vmem>> -> memref<80xf32, #tpu.memory_space<vmem>>
      %get3A_416 = arith.constant 64 : index
      %get3A_417 = tpu.vector_load %get3A_415[%get3A_416] {strides = array<i32>} : memref<80xf32, #tpu.memory_space<vmem>>, vector<16xf32>,
      %add3A_418 = arith.addf %get3A_417, %get3A_23 : vector<16xf32>
      %neg3A_419 = arith.constant 0.000000e+00 : f32
      %neg3A_420 = vector.broadcast %neg3A_419 : f32 to vector<16xf32>
      %neg3A_421 = arith.subf %neg3A_420, %add3A_418 : vector<16xf32>
      %exp3A_422 = math.exp %neg3A_421 : vector<16xf32>
      %add3A_423 = arith.constant 1.000000e+00 : f32
      %add3A_424 = vector.broadcast %add3A_423 : f32 to vector<16xf32>
      %add3A_425 = arith.addf %add3A_424, %exp3A_422 : vector<16xf32>
      %div3A_426 = arith.constant 1.000000e+00 : f32
      %div3A_427 = vector.broadcast %div3A_426 : f32 to vector<16xf32>
      %div3A_428 = arith.divf %div3A_427, %add3A_425 : vector<16xf32>
      %swap3A_429 = arith.constant 0 : i32
      %swap3A_430 = arith.constant 0 : i32
      %swap3A_431 = tpu.memref_slice %arg14[%swap3A_429, %swap3A_430] : memref<2x80xf32, #tpu.memory_space<vmem>> -> memref<1x80xf32, #tpu.memory_space<vmem>>
      %swap3A_432 = tpu.memref_squeeze %swap3A_431 : memref<1x80xf32, #tpu.memory_space<vmem>> -> memref<80xf32, #tpu.memory_space<vmem>>
      %swap3A_433 = arith.constant 64 : index
      %swap3A_434 = tpu.vector_load %swap3A_432[%swap3A_433] {strides = array<i32>} : memref<80xf32, #tpu.memory_space<vmem>>, vector<16xf32>,
      tpu.vector_store %swap3A_432[%swap3A_433], %div3A_428 {strides = array<i32>} : memref<80xf32, #tpu.memory_space<vmem>>, vector<16xf32>,
      %mul3A_435 = arith.constant 80 : i32
      %mul3A_436 = arith.muli %mul3A_266, %mul3A_435 : i32
      %add3A_437 = arith.addi %mul3A_2, %mul3A_436 : i32
      %dma_start3A_438 = arith.constant 0 : i32
      %dma_start3A_439 = arith.constant 0 : i32
      %dma_start3A_440 = tpu.memref_slice %arg14[%dma_start3A_438, %dma_start3A_439] : memref<2x80xf32, #tpu.memory_space<vmem>> -> memref<1x80xf32, #tpu.memory_space<vmem>>
      %dma_start3A_441 = tpu.memref_squeeze %dma_start3A_440 : memref<1x80xf32, #tpu.memory_space<vmem>> -> memref<80xf32, #tpu.memory_space<vmem>>
      %dma_start3A_442 = tpu.memref_slice %arg7[%add3A_437] : memref<320000xf32, #tpu.memory_space<hbm>> -> memref<80xf32, #tpu.memory_space<hbm>>
      %dma_start3A_443 = tpu.memref_slice %arg7[%add3A_437] : memref<320000xf32, #tpu.memory_space<hbm>> -> memref<80xf32, #tpu.memory_space<hbm>>
      %dma_start3A_444 = arith.constant 0 : i32
      %dma_start3A_445 = tpu.memref_slice %arg14[%dma_start3A_438, %dma_start3A_444] : memref<2x80xf32, #tpu.memory_space<vmem>> -> memref<1x80xf32, #tpu.memory_space<vmem>>
      %dma_start3A_446 = tpu.memref_squeeze %dma_start3A_445 : memref<1x80xf32, #tpu.memory_space<vmem>> -> memref<80xf32, #tpu.memory_space<vmem>>
      tpu.enqueue_dma source(%dma_start3A_446 : memref<80xf32, #tpu.memory_space<vmem>>) target(%dma_start3A_443 : memref<80xf32, #tpu.memory_space<hbm>>) target_semaphore(%arg22 : memref<!tpu.dma_semaphore, #tpu.memory_space<semaphore_mem>>)
      %dma_wait3A_447 = arith.constant 1 : i32
      %dma_wait3A_448 = arith.constant 0 : i32
      %dma_wait3A_449 = arith.constant 0 : i32
      %dma_wait3A_450 = tpu.memref_slice %arg10[%dma_wait3A_447, %dma_wait3A_448, %dma_wait3A_449] : memref<2x80x64xi32, #tpu.memory_space<vmem>> -> memref<1x80x64xi32, #tpu.memory_space<vmem>>
      %dma_wait3A_451 = tpu.memref_squeeze %dma_wait3A_450 : memref<1x80x64xi32, #tpu.memory_space<vmem>> -> memref<80x64xi32, #tpu.memory_space<vmem>>
      %dma_wait3A_452 = arith.constant 0 : i32
      %dma_wait3A_453 = tpu.memref_slice %arg8[%dma_wait3A_452] : memref<10000xi32, #tpu.memory_space<vmem>> -> memref<80xi32, #tpu.memory_space<vmem>>
      %dma_wait3A_454 = arith.constant 0 : i32
      %dma_wait3A_455 = arith.constant 0 : i32
      %dma_wait3A_456 = tpu.memref_slice %arg12[%dma_wait3A_454, %dma_wait3A_455] : memref<10000x64xi32, #tpu.memory_space<vmem_shared>> -> memref<10000x64xi32, #tpu.memory_space<vmem_shared>>
      tpu.wait_indirect_dma semaphore(%arg19 : memref<!tpu.dma_semaphore, #tpu.memory_space<semaphore_mem>>) src(%dma_wait3A_456 : memref<10000x64xi32, #tpu.memory_space<vmem_shared>>) dst(%dma_wait3A_451 : memref<80x64xi32, #tpu.memory_space<vmem>>)
      %dma_wait3A_457 = arith.constant 1 : i32
      %dma_wait3A_458 = arith.constant 0 : i32
      %dma_wait3A_459 = arith.constant 0 : i32
      %dma_wait3A_460 = tpu.memref_slice %arg11[%dma_wait3A_457, %dma_wait3A_458, %dma_wait3A_459] : memref<2x80x64xi32, #tpu.memory_space<vmem>> -> memref<1x80x64xi32, #tpu.memory_space<vmem>>
      %dma_wait3A_461 = tpu.memref_squeeze %dma_wait3A_460 : memref<1x80x64xi32, #tpu.memory_space<vmem>> -> memref<80x64xi32, #tpu.memory_space<vmem>>
      %dma_wait3A_462 = arith.constant 0 : i32
      %dma_wait3A_463 = tpu.memref_slice %arg9[%dma_wait3A_462] : memref<10000xi32, #tpu.memory_space<vmem>> -> memref<80xi32, #tpu.memory_space<vmem>>
      %dma_wait3A_464 = arith.constant 0 : i32
      %dma_wait3A_465 = arith.constant 0 : i32
      %dma_wait3A_466 = tpu.memref_slice %arg13[%dma_wait3A_464, %dma_wait3A_465] : memref<10000x64xi32, #tpu.memory_space<vmem_shared>> -> memref<10000x64xi32, #tpu.memory_space<vmem_shared>>
      tpu.wait_indirect_dma semaphore(%arg21 : memref<!tpu.dma_semaphore, #tpu.memory_space<semaphore_mem>>) src(%dma_wait3A_466 : memref<10000x64xi32, #tpu.memory_space<vmem_shared>>) dst(%dma_wait3A_461 : memref<80x64xi32, #tpu.memory_space<vmem>>)
      %add3A_467 = arith.constant 2 : i32
      %add3A_468 = arith.addi %mul3A_266, %add3A_467 : i32
      %mul3A_469 = arith.constant 80 : i32
      %mul3A_470 = arith.muli %add3A_468, %mul3A_469 : i32
      %dma_start3A_471 = arith.constant 0 : i32
      %dma_start3A_472 = arith.constant 0 : i32
      %dma_start3A_473 = arith.constant 0 : i32
      %dma_start3A_474 = tpu.memref_slice %arg10[%dma_start3A_471, %dma_start3A_472, %dma_start3A_473] : memref<2x80x64xi32, #tpu.memory_space<vmem>> -> memref<1x80x64xi32, #tpu.memory_space<vmem>>
      %dma_start3A_475 = tpu.memref_squeeze %dma_start3A_474 : memref<1x80x64xi32, #tpu.memory_space<vmem>> -> memref<80x64xi32, #tpu.memory_space<vmem>>
      %dma_start3A_476 = tpu.memref_slice %arg8[%mul3A_470] : memref<10000xi32, #tpu.memory_space<vmem>> -> memref<80xi32, #tpu.memory_space<vmem>>
      %dma_start3A_477 = arith.constant 0 : i32
      %dma_start3A_478 = arith.constant 0 : i32
      %dma_start3A_479 = tpu.memref_slice %arg12[%dma_start3A_477, %dma_start3A_478] : memref<10000x64xi32, #tpu.memory_space<vmem_shared>> -> memref<10000x64xi32, #tpu.memory_space<vmem_shared>>
      tpu.enqueue_indirect_dma source(%dma_start3A_479 : memref<10000x64xi32, #tpu.memory_space<vmem_shared>>) target(%dma_start3A_475 : memref<80x64xi32, #tpu.memory_space<vmem>>) offsets(%dma_start3A_476 : memref<80xi32, #tpu.memory_space<vmem>>) semaphore(%arg18 : memref<!tpu.dma_semaphore, #tpu.memory_space<semaphore_mem>>)
      %dma_start3A_480 = arith.constant 0 : i32
      %dma_start3A_481 = arith.constant 0 : i32
      %dma_start3A_482 = arith.constant 0 : i32
      %dma_start3A_483 = tpu.memref_slice %arg11[%dma_start3A_480, %dma_start3A_481, %dma_start3A_482] : memref<2x80x64xi32, #tpu.memory_space<vmem>> -> memref<1x80x64xi32, #tpu.memory_space<vmem>>
      %dma_start3A_484 = tpu.memref_squeeze %dma_start3A_483 : memref<1x80x64xi32, #tpu.memory_space<vmem>> -> memref<80x64xi32, #tpu.memory_space<vmem>>
      %dma_start3A_485 = tpu.memref_slice %arg9[%mul3A_470] : memref<10000xi32, #tpu.memory_space<vmem>> -> memref<80xi32, #tpu.memory_space<vmem>>
      %dma_start3A_486 = arith.constant 0 : i32
      %dma_start3A_487 = arith.constant 0 : i32
      %dma_start3A_488 = tpu.memref_slice %arg13[%dma_start3A_486, %dma_start3A_487] : memref<10000x64xi32, #tpu.memory_space<vmem_shared>> -> memref<10000x64xi32, #tpu.memory_space<vmem_shared>>
      tpu.enqueue_indirect_dma source(%dma_start3A_488 : memref<10000x64xi32, #tpu.memory_space<vmem_shared>>) target(%dma_start3A_484 : memref<80x64xi32, #tpu.memory_space<vmem>>) offsets(%dma_start3A_485 : memref<80xi32, #tpu.memory_space<vmem>>) semaphore(%arg20 : memref<!tpu.dma_semaphore, #tpu.memory_space<semaphore_mem>>)
      %add3A_489 = arith.constant 1 : i32
      %add3A_490 = arith.addi %mul3A_266, %add3A_489 : i32
      %ge3A_491 = arith.constant 2 : i32
      %ge3A_492 = arith.cmpi sge, %add3A_490, %ge3A_491 : i32
      %convert_element_type3A_493 = arith.extui %ge3A_492 : i1 to i32
      %cond3A_494 = arith.constant 0 : i32
      %cond3A_495 = arith.cmpi ne, %convert_element_type3A_493, %cond3A_494 : i32
      scf.if %cond3A_495 {
        %dma_wait3A_629 = arith.constant 1 : i32
        %dma_wait3A_630 = arith.constant 0 : i32
        %dma_wait3A_631 = tpu.memref_slice %arg14[%dma_wait3A_629, %dma_wait3A_630] : memref<2x80xf32, #tpu.memory_space<vmem>> -> memref<1x80xf32, #tpu.memory_space<vmem>>
        %dma_wait3A_632 = tpu.memref_squeeze %dma_wait3A_631 : memref<1x80xf32, #tpu.memory_space<vmem>> -> memref<80xf32, #tpu.memory_space<vmem>>
        %dma_wait3A_633 = arith.constant 0 : i32
        %dma_wait3A_634 = tpu.memref_slice %arg7[%dma_wait3A_633] : memref<320000xf32, #tpu.memory_space<hbm>> -> memref<80xf32, #tpu.memory_space<hbm>>
        %dma_wait3A_635 = arith.constant 0 : i32
        %dma_wait3A_636 = tpu.memref_slice %arg7[%dma_wait3A_635] : memref<320000xf32, #tpu.memory_space<hbm>> -> memref<80xf32, #tpu.memory_space<hbm>>
        %dma_wait3A_637 = arith.constant 0 : i32
        %dma_wait3A_638 = tpu.memref_slice %arg14[%dma_wait3A_629, %dma_wait3A_637] : memref<2x80xf32, #tpu.memory_space<vmem>> -> memref<1x80xf32, #tpu.memory_space<vmem>>
        %dma_wait3A_639 = tpu.memref_squeeze %dma_wait3A_638 : memref<1x80xf32, #tpu.memory_space<vmem>> -> memref<80xf32, #tpu.memory_space<vmem>>
        tpu.wait_dma2 semaphore(%arg23 : memref<!tpu.dma_semaphore, #tpu.memory_space<semaphore_mem>>) src(%dma_wait3A_639 : memref<80xf32, #tpu.memory_space<vmem>>) dst(%dma_wait3A_636 : memref<80xf32, #tpu.memory_space<hbm>>)
      } else {
      }
      %parallel_loop3A_496 = arith.constant 0 : i32
      %parallel_loop3A_497 = arith.constant 80 : i32
      %parallel_loop3A_498 = arith.constant 1 : i32
      %parallel_loop3A_499 = arith.constant 1 : i32
      %parallel_loop3A_500 = arith.constant 1 : i32
      %parallel_loop3A_501 = arith.constant 1 : i32
      scf.for %parallel_loop3A_629 = %parallel_loop3A_496 to %parallel_loop3A_497 step %parallel_loop3A_498  : i32 {
        %parallel_loop3A_630 = arith.constant 0 : i32
        %parallel_loop3A_631 = arith.constant 0 : i32
        %parallel_loop3A_632 = tpu.memref_slice %arg10[%parallel_loop3A_499, %parallel_loop3A_630, %parallel_loop3A_631] : memref<2x80x64xi32, #tpu.memory_space<vmem>> -> memref<1x80x64xi32, #tpu.memory_space<vmem>>
        %parallel_loop3A_633 = tpu.memref_squeeze %parallel_loop3A_632 : memref<1x80x64xi32, #tpu.memory_space<vmem>> -> memref<80x64xi32, #tpu.memory_space<vmem>>
        %parallel_loop3A_634 = arith.index_cast %parallel_loop3A_629 : i32 to index
        %parallel_loop3A_635 = arith.constant 0 : index
        %parallel_loop3A_636 = tpu.vector_load %parallel_loop3A_633[%parallel_loop3A_634, %parallel_loop3A_635] {strides = array<i32>} : memref<80x64xi32, #tpu.memory_space<vmem>>, vector<16xi32>,
        %parallel_loop3A_637 = vector.bitcast %parallel_loop3A_636 : vector<16xi32> to vector<32xbf16>
        %parallel_loop3A_638 = arith.constant 0 : i32
        %parallel_loop3A_639 = arith.constant 0 : i32
        %parallel_loop3A_640 = tpu.memref_slice %arg11[%parallel_loop3A_500, %parallel_loop3A_638, %parallel_loop3A_639] : memref<2x80x64xi32, #tpu.memory_space<vmem>> -> memref<1x80x64xi32, #tpu.memory_space<vmem>>
        %parallel_loop3A_641 = tpu.memref_squeeze %parallel_loop3A_640 : memref<1x80x64xi32, #tpu.memory_space<vmem>> -> memref<80x64xi32, #tpu.memory_space<vmem>>
        %parallel_loop3A_642 = arith.index_cast %parallel_loop3A_629 : i32 to index
        %parallel_loop3A_643 = arith.constant 0 : index
        %parallel_loop3A_644 = tpu.vector_load %parallel_loop3A_641[%parallel_loop3A_642, %parallel_loop3A_643] {strides = array<i32>} : memref<80x64xi32, #tpu.memory_space<vmem>>, vector<16xi32>,
        %parallel_loop3A_645 = vector.bitcast %parallel_loop3A_644 : vector<16xi32> to vector<32xbf16>
        %parallel_loop3A_646 = arith.addf %parallel_loop3A_637, %parallel_loop3A_645 : vector<32xbf16>
        %parallel_loop3A_647 = arith.constant 0.000000e+00 : bf16
        %parallel_loop3A_648 = vector.broadcast %parallel_loop3A_647 : bf16 to vector<32xbf16>
        %parallel_loop3A_649 = arith.maximumf %parallel_loop3A_646, %parallel_loop3A_648 : vector<32xbf16>
        %parallel_loop3A_650 = arith.mulf %parallel_loop3A_649, %get3A_27 : vector<32xbf16>
        %parallel_loop3A_651 = arith.constant 0 : i32
        %parallel_loop3A_652 = arith.constant 0 : i32
        %parallel_loop3A_653 = tpu.memref_slice %arg10[%parallel_loop3A_499, %parallel_loop3A_651, %parallel_loop3A_652] : memref<2x80x64xi32, #tpu.memory_space<vmem>> -> memref<1x80x64xi32, #tpu.memory_space<vmem>>
        %parallel_loop3A_654 = tpu.memref_squeeze %parallel_loop3A_653 : memref<1x80x64xi32, #tpu.memory_space<vmem>> -> memref<80x64xi32, #tpu.memory_space<vmem>>
        %parallel_loop3A_655 = arith.index_cast %parallel_loop3A_629 : i32 to index
        %parallel_loop3A_656 = arith.constant 16 : index
        %parallel_loop3A_657 = tpu.vector_load %parallel_loop3A_654[%parallel_loop3A_655, %parallel_loop3A_656] {strides = array<i32>} : memref<80x64xi32, #tpu.memory_space<vmem>>, vector<16xi32>,
        %parallel_loop3A_658 = vector.bitcast %parallel_loop3A_657 : vector<16xi32> to vector<32xbf16>
        %parallel_loop3A_659 = arith.constant 0 : i32
        %parallel_loop3A_660 = arith.constant 0 : i32
        %parallel_loop3A_661 = tpu.memref_slice %arg11[%parallel_loop3A_500, %parallel_loop3A_659, %parallel_loop3A_660] : memref<2x80x64xi32, #tpu.memory_space<vmem>> -> memref<1x80x64xi32, #tpu.memory_space<vmem>>
        %parallel_loop3A_662 = tpu.memref_squeeze %parallel_loop3A_661 : memref<1x80x64xi32, #tpu.memory_space<vmem>> -> memref<80x64xi32, #tpu.memory_space<vmem>>
        %parallel_loop3A_663 = arith.index_cast %parallel_loop3A_629 : i32 to index
        %parallel_loop3A_664 = arith.constant 16 : index
        %parallel_loop3A_665 = tpu.vector_load %parallel_loop3A_662[%parallel_loop3A_663, %parallel_loop3A_664] {strides = array<i32>} : memref<80x64xi32, #tpu.memory_space<vmem>>, vector<16xi32>,
        %parallel_loop3A_666 = vector.bitcast %parallel_loop3A_665 : vector<16xi32> to vector<32xbf16>
        %parallel_loop3A_667 = arith.addf %parallel_loop3A_658, %parallel_loop3A_666 : vector<32xbf16>
        %parallel_loop3A_668 = arith.constant 0.000000e+00 : bf16
        %parallel_loop3A_669 = vector.broadcast %parallel_loop3A_668 : bf16 to vector<32xbf16>
        %parallel_loop3A_670 = arith.maximumf %parallel_loop3A_667, %parallel_loop3A_669 : vector<32xbf16>
        %parallel_loop3A_671 = arith.mulf %parallel_loop3A_670, %get3A_31 : vector<32xbf16>
        %parallel_loop3A_672 = arith.constant 0 : i32
        %parallel_loop3A_673 = arith.constant 0 : i32
        %parallel_loop3A_674 = tpu.memref_slice %arg10[%parallel_loop3A_499, %parallel_loop3A_672, %parallel_loop3A_673] : memref<2x80x64xi32, #tpu.memory_space<vmem>> -> memref<1x80x64xi32, #tpu.memory_space<vmem>>
        %parallel_loop3A_675 = tpu.memref_squeeze %parallel_loop3A_674 : memref<1x80x64xi32, #tpu.memory_space<vmem>> -> memref<80x64xi32, #tpu.memory_space<vmem>>
        %parallel_loop3A_676 = arith.index_cast %parallel_loop3A_629 : i32 to index
        %parallel_loop3A_677 = arith.constant 32 : index
        %parallel_loop3A_678 = tpu.vector_load %parallel_loop3A_675[%parallel_loop3A_676, %parallel_loop3A_677] {strides = array<i32>} : memref<80x64xi32, #tpu.memory_space<vmem>>, vector<16xi32>,
        %parallel_loop3A_679 = vector.bitcast %parallel_loop3A_678 : vector<16xi32> to vector<32xbf16>
        %parallel_loop3A_680 = arith.constant 0 : i32
        %parallel_loop3A_681 = arith.constant 0 : i32
        %parallel_loop3A_682 = tpu.memref_slice %arg11[%parallel_loop3A_500, %parallel_loop3A_680, %parallel_loop3A_681] : memref<2x80x64xi32, #tpu.memory_space<vmem>> -> memref<1x80x64xi32, #tpu.memory_space<vmem>>
        %parallel_loop3A_683 = tpu.memref_squeeze %parallel_loop3A_682 : memref<1x80x64xi32, #tpu.memory_space<vmem>> -> memref<80x64xi32, #tpu.memory_space<vmem>>
        %parallel_loop3A_684 = arith.index_cast %parallel_loop3A_629 : i32 to index
        %parallel_loop3A_685 = arith.constant 32 : index
        %parallel_loop3A_686 = tpu.vector_load %parallel_loop3A_683[%parallel_loop3A_684, %parallel_loop3A_685] {strides = array<i32>} : memref<80x64xi32, #tpu.memory_space<vmem>>, vector<16xi32>,
        %parallel_loop3A_687 = vector.bitcast %parallel_loop3A_686 : vector<16xi32> to vector<32xbf16>
        %parallel_loop3A_688 = arith.addf %parallel_loop3A_679, %parallel_loop3A_687 : vector<32xbf16>
        %parallel_loop3A_689 = arith.constant 0.000000e+00 : bf16
        %parallel_loop3A_690 = vector.broadcast %parallel_loop3A_689 : bf16 to vector<32xbf16>
        %parallel_loop3A_691 = arith.maximumf %parallel_loop3A_688, %parallel_loop3A_690 : vector<32xbf16>
        %parallel_loop3A_692 = arith.mulf %parallel_loop3A_691, %get3A_35 : vector<32xbf16>
        %parallel_loop3A_693 = arith.constant 0 : i32
        %parallel_loop3A_694 = arith.constant 0 : i32
        %parallel_loop3A_695 = tpu.memref_slice %arg10[%parallel_loop3A_499, %parallel_loop3A_693, %parallel_loop3A_694] : memref<2x80x64xi32, #tpu.memory_space<vmem>> -> memref<1x80x64xi32, #tpu.memory_space<vmem>>
        %parallel_loop3A_696 = tpu.memref_squeeze %parallel_loop3A_695 : memref<1x80x64xi32, #tpu.memory_space<vmem>> -> memref<80x64xi32, #tpu.memory_space<vmem>>
        %parallel_loop3A_697 = arith.index_cast %parallel_loop3A_629 : i32 to index
        %parallel_loop3A_698 = arith.constant 48 : index
        %parallel_loop3A_699 = tpu.vector_load %parallel_loop3A_696[%parallel_loop3A_697, %parallel_loop3A_698] {strides = array<i32>} : memref<80x64xi32, #tpu.memory_space<vmem>>, vector<16xi32>,
        %parallel_loop3A_700 = vector.bitcast %parallel_loop3A_699 : vector<16xi32> to vector<32xbf16>
        %parallel_loop3A_701 = arith.constant 0 : i32
        %parallel_loop3A_702 = arith.constant 0 : i32
        %parallel_loop3A_703 = tpu.memref_slice %arg11[%parallel_loop3A_500, %parallel_loop3A_701, %parallel_loop3A_702] : memref<2x80x64xi32, #tpu.memory_space<vmem>> -> memref<1x80x64xi32, #tpu.memory_space<vmem>>
        %parallel_loop3A_704 = tpu.memref_squeeze %parallel_loop3A_703 : memref<1x80x64xi32, #tpu.memory_space<vmem>> -> memref<80x64xi32, #tpu.memory_space<vmem>>
        %parallel_loop3A_705 = arith.index_cast %parallel_loop3A_629 : i32 to index
        %parallel_loop3A_706 = arith.constant 48 : index
        %parallel_loop3A_707 = tpu.vector_load %parallel_loop3A_704[%parallel_loop3A_705, %parallel_loop3A_706] {strides = array<i32>} : memref<80x64xi32, #tpu.memory_space<vmem>>, vector<16xi32>,
        %parallel_loop3A_708 = vector.bitcast %parallel_loop3A_707 : vector<16xi32> to vector<32xbf16>
        %parallel_loop3A_709 = arith.addf %parallel_loop3A_700, %parallel_loop3A_708 : vector<32xbf16>
        %parallel_loop3A_710 = arith.constant 0.000000e+00 : bf16
        %parallel_loop3A_711 = vector.broadcast %parallel_loop3A_710 : bf16 to vector<32xbf16>
        %parallel_loop3A_712 = arith.maximumf %parallel_loop3A_709, %parallel_loop3A_711 : vector<32xbf16>
        %parallel_loop3A_713 = arith.mulf %parallel_loop3A_712, %get3A_39 : vector<32xbf16>
        %parallel_loop3A_714 = arith.addf %parallel_loop3A_650, %parallel_loop3A_671 : vector<32xbf16>
        %parallel_loop3A_715 = arith.addf %parallel_loop3A_692, %parallel_loop3A_713 : vector<32xbf16>
        %parallel_loop3A_716 = arith.addf %parallel_loop3A_714, %parallel_loop3A_715 : vector<32xbf16>
        %parallel_loop3A_717 = vector.bitcast %parallel_loop3A_716 : vector<32xbf16> to vector<16xi32>
        %parallel_loop3A_718 = arith.constant 16 : i32
        %parallel_loop3A_719 = vector.broadcast %parallel_loop3A_718 : i32 to vector<16xi32>
        %parallel_loop3A_720 = arith.shli %parallel_loop3A_717, %parallel_loop3A_719 : vector<16xi32>
        %parallel_loop3A_721 = vector.bitcast %parallel_loop3A_720 : vector<16xi32> to vector<16xf32>
        %parallel_loop3A_722 = arith.constant -65536 : i32
        %parallel_loop3A_723 = vector.broadcast %parallel_loop3A_722 : i32 to vector<16xi32>
        %parallel_loop3A_724 = arith.andi %parallel_loop3A_717, %parallel_loop3A_723 : vector<16xi32>
        %parallel_loop3A_725 = vector.bitcast %parallel_loop3A_724 : vector<16xi32> to vector<16xf32>
        %parallel_loop3A_726 = arith.addf %parallel_loop3A_721, %parallel_loop3A_725 : vector<16xf32>
        %parallel_loop3A_727 = arith.constant 0 : i32
        %parallel_loop3A_728 = vector.broadcast %parallel_loop3A_727 : i32 to vector<16xi32>
        %parallel_loop3A_729 = arith.cmpi slt, %and3A_46, %parallel_loop3A_728 : vector<16xi32>
        %parallel_loop3A_730 = arith.constant 16 : i32
        %parallel_loop3A_731 = vector.broadcast %parallel_loop3A_730 : i32 to vector<16xi32>
        %parallel_loop3A_732 = arith.addi %and3A_46, %parallel_loop3A_731 : vector<16xi32>
        %parallel_loop3A_733 = arith.select %parallel_loop3A_729, %parallel_loop3A_732, %and3A_46 : vector<16xi1>, vector<16xi32>
        %parallel_loop3A_734 = vector.shape_cast %parallel_loop3A_733 : vector<16xi32> to vector<16x1xi32>
        %parallel_loop3A_735 = vector.shape_cast %parallel_loop3A_734 : vector<16x1xi32> to vector<16xi32>
        %parallel_loop3A_736 = tpu.dynamic_gather %parallel_loop3A_726[%parallel_loop3A_735] in [0] : vector<16xf32>, vector<16xi32> -> vector<16xf32>
        %parallel_loop3A_737 = arith.addf %parallel_loop3A_726, %parallel_loop3A_736 : vector<16xf32>
        %parallel_loop3A_738 = arith.constant 0 : i32
        %parallel_loop3A_739 = vector.broadcast %parallel_loop3A_738 : i32 to vector<16xi32>
        %parallel_loop3A_740 = arith.cmpi slt, %and3A_52, %parallel_loop3A_739 : vector<16xi32>
        %parallel_loop3A_741 = arith.constant 16 : i32
        %parallel_loop3A_742 = vector.broadcast %parallel_loop3A_741 : i32 to vector<16xi32>
        %parallel_loop3A_743 = arith.addi %and3A_52, %parallel_loop3A_742 : vector<16xi32>
        %parallel_loop3A_744 = arith.select %parallel_loop3A_740, %parallel_loop3A_743, %and3A_52 : vector<16xi1>, vector<16xi32>
        %parallel_loop3A_745 = vector.shape_cast %parallel_loop3A_744 : vector<16xi32> to vector<16x1xi32>
        %parallel_loop3A_746 = vector.shape_cast %parallel_loop3A_745 : vector<16x1xi32> to vector<16xi32>
        %parallel_loop3A_747 = tpu.dynamic_gather %parallel_loop3A_737[%parallel_loop3A_746] in [0] : vector<16xf32>, vector<16xi32> -> vector<16xf32>
        %parallel_loop3A_748 = arith.addf %parallel_loop3A_737, %parallel_loop3A_747 : vector<16xf32>
        %parallel_loop3A_749 = arith.constant 0 : i32
        %parallel_loop3A_750 = vector.broadcast %parallel_loop3A_749 : i32 to vector<16xi32>
        %parallel_loop3A_751 = arith.cmpi slt, %and3A_58, %parallel_loop3A_750 : vector<16xi32>
        %parallel_loop3A_752 = arith.constant 16 : i32
        %parallel_loop3A_753 = vector.broadcast %parallel_loop3A_752 : i32 to vector<16xi32>
        %parallel_loop3A_754 = arith.addi %and3A_58, %parallel_loop3A_753 : vector<16xi32>
        %parallel_loop3A_755 = arith.select %parallel_loop3A_751, %parallel_loop3A_754, %and3A_58 : vector<16xi1>, vector<16xi32>
        %parallel_loop3A_756 = vector.shape_cast %parallel_loop3A_755 : vector<16xi32> to vector<16x1xi32>
        %parallel_loop3A_757 = vector.shape_cast %parallel_loop3A_756 : vector<16x1xi32> to vector<16xi32>
        %parallel_loop3A_758 = tpu.dynamic_gather %parallel_loop3A_748[%parallel_loop3A_757] in [0] : vector<16xf32>, vector<16xi32> -> vector<16xf32>
        %parallel_loop3A_759 = arith.addf %parallel_loop3A_748, %parallel_loop3A_758 : vector<16xf32>
        %parallel_loop3A_760 = arith.constant 0 : i32
        %parallel_loop3A_761 = vector.broadcast %parallel_loop3A_760 : i32 to vector<16xi32>
        %parallel_loop3A_762 = arith.cmpi slt, %and3A_64, %parallel_loop3A_761 : vector<16xi32>
        %parallel_loop3A_763 = arith.constant 16 : i32
        %parallel_loop3A_764 = vector.broadcast %parallel_loop3A_763 : i32 to vector<16xi32>
        %parallel_loop3A_765 = arith.addi %and3A_64, %parallel_loop3A_764 : vector<16xi32>
        %parallel_loop3A_766 = arith.select %parallel_loop3A_762, %parallel_loop3A_765, %and3A_64 : vector<16xi1>, vector<16xi32>
        %parallel_loop3A_767 = vector.shape_cast %parallel_loop3A_766 : vector<16xi32> to vector<16x1xi32>
        %parallel_loop3A_768 = vector.shape_cast %parallel_loop3A_767 : vector<16x1xi32> to vector<16xi32>
        %parallel_loop3A_769 = tpu.dynamic_gather %parallel_loop3A_759[%parallel_loop3A_768] in [0] : vector<16xf32>, vector<16xi32> -> vector<16xf32>
        %parallel_loop3A_770 = arith.addf %parallel_loop3A_759, %parallel_loop3A_769 : vector<16xf32>
        %parallel_loop3A_771 = arith.constant 0 : i32
        %parallel_loop3A_772 = vector.broadcast %parallel_loop3A_771 : i32 to vector<16xi32>
        %parallel_loop3A_773 = vector.broadcast %parallel_loop3A_629 : i32 to vector<16xi32>
        %parallel_loop3A_774 = arith.addi %parallel_loop3A_772, %parallel_loop3A_773 : vector<16xi32>
        %parallel_loop3A_775 = arith.constant 0 : i32
        %parallel_loop3A_776 = tpu.memref_slice %arg14[%parallel_loop3A_501, %parallel_loop3A_775] : memref<2x80xf32, #tpu.memory_space<vmem>> -> memref<1x80xf32, #tpu.memory_space<vmem>>
        %parallel_loop3A_777 = tpu.memref_squeeze %parallel_loop3A_776 : memref<1x80xf32, #tpu.memory_space<vmem>> -> memref<80xf32, #tpu.memory_space<vmem>>
        tpu.vector_store_idx %parallel_loop3A_777[%parallel_loop3A_774], %parallel_loop3A_770 masked %eq3A_41 : memref<80xf32, #tpu.memory_space<vmem>>[vector<16xi32>], vector<16xf32>, vector<16xi1>
      } {sc.loop_unroll_factor = 4 : i64, sc.parallel_access}
      %get3A_502 = arith.constant 1 : i32
      %get3A_503 = arith.constant 0 : i32
      %get3A_504 = tpu.memref_slice %arg14[%get3A_502, %get3A_503] : memref<2x80xf32, #tpu.memory_space<vmem>> -> memref<1x80xf32, #tpu.memory_space<vmem>>
      %get3A_505 = tpu.memref_squeeze %get3A_504 : memref<1x80xf32, #tpu.memory_space<vmem>> -> memref<80xf32, #tpu.memory_space<vmem>>
      %get3A_506 = arith.constant 0 : index
      %get3A_507 = tpu.vector_load %get3A_505[%get3A_506] {strides = array<i32>} : memref<80xf32, #tpu.memory_space<vmem>>, vector<16xf32>,
      %add3A_508 = arith.addf %get3A_507, %get3A_23 : vector<16xf32>
      %neg3A_509 = arith.constant 0.000000e+00 : f32
      %neg3A_510 = vector.broadcast %neg3A_509 : f32 to vector<16xf32>
      %neg3A_511 = arith.subf %neg3A_510, %add3A_508 : vector<16xf32>
      %exp3A_512 = math.exp %neg3A_511 : vector<16xf32>
      %add3A_513 = arith.constant 1.000000e+00 : f32
      %add3A_514 = vector.broadcast %add3A_513 : f32 to vector<16xf32>
      %add3A_515 = arith.addf %add3A_514, %exp3A_512 : vector<16xf32>
      %div3A_516 = arith.constant 1.000000e+00 : f32
      %div3A_517 = vector.broadcast %div3A_516 : f32 to vector<16xf32>
      %div3A_518 = arith.divf %div3A_517, %add3A_515 : vector<16xf32>
      %swap3A_519 = arith.constant 1 : i32
      %swap3A_520 = arith.constant 0 : i32
      %swap3A_521 = tpu.memref_slice %arg14[%swap3A_519, %swap3A_520] : memref<2x80xf32, #tpu.memory_space<vmem>> -> memref<1x80xf32, #tpu.memory_space<vmem>>
      %swap3A_522 = tpu.memref_squeeze %swap3A_521 : memref<1x80xf32, #tpu.memory_space<vmem>> -> memref<80xf32, #tpu.memory_space<vmem>>
      %swap3A_523 = arith.constant 0 : index
      %swap3A_524 = tpu.vector_load %swap3A_522[%swap3A_523] {strides = array<i32>} : memref<80xf32, #tpu.memory_space<vmem>>, vector<16xf32>,
      tpu.vector_store %swap3A_522[%swap3A_523], %div3A_518 {strides = array<i32>} : memref<80xf32, #tpu.memory_space<vmem>>, vector<16xf32>,
      %get3A_525 = arith.constant 1 : i32
      %get3A_526 = arith.constant 0 : i32
      %get3A_527 = tpu.memref_slice %arg14[%get3A_525, %get3A_526] : memref<2x80xf32, #tpu.memory_space<vmem>> -> memref<1x80xf32, #tpu.memory_space<vmem>>
      %get3A_528 = tpu.memref_squeeze %get3A_527 : memref<1x80xf32, #tpu.memory_space<vmem>> -> memref<80xf32, #tpu.memory_space<vmem>>
      %get3A_529 = arith.constant 16 : index
      %get3A_530 = tpu.vector_load %get3A_528[%get3A_529] {strides = array<i32>} : memref<80xf32, #tpu.memory_space<vmem>>, vector<16xf32>,
      %add3A_531 = arith.addf %get3A_530, %get3A_23 : vector<16xf32>
      %neg3A_532 = arith.constant 0.000000e+00 : f32
      %neg3A_533 = vector.broadcast %neg3A_532 : f32 to vector<16xf32>
      %neg3A_534 = arith.subf %neg3A_533, %add3A_531 : vector<16xf32>
      %exp3A_535 = math.exp %neg3A_534 : vector<16xf32>
      %add3A_536 = arith.constant 1.000000e+00 : f32
      %add3A_537 = vector.broadcast %add3A_536 : f32 to vector<16xf32>
      %add3A_538 = arith.addf %add3A_537, %exp3A_535 : vector<16xf32>
      %div3A_539 = arith.constant 1.000000e+00 : f32
      %div3A_540 = vector.broadcast %div3A_539 : f32 to vector<16xf32>
      %div3A_541 = arith.divf %div3A_540, %add3A_538 : vector<16xf32>
      %swap3A_542 = arith.constant 1 : i32
      %swap3A_543 = arith.constant 0 : i32
      %swap3A_544 = tpu.memref_slice %arg14[%swap3A_542, %swap3A_543] : memref<2x80xf32, #tpu.memory_space<vmem>> -> memref<1x80xf32, #tpu.memory_space<vmem>>
      %swap3A_545 = tpu.memref_squeeze %swap3A_544 : memref<1x80xf32, #tpu.memory_space<vmem>> -> memref<80xf32, #tpu.memory_space<vmem>>
      %swap3A_546 = arith.constant 16 : index
      %swap3A_547 = tpu.vector_load %swap3A_545[%swap3A_546] {strides = array<i32>} : memref<80xf32, #tpu.memory_space<vmem>>, vector<16xf32>,
      tpu.vector_store %swap3A_545[%swap3A_546], %div3A_541 {strides = array<i32>} : memref<80xf32, #tpu.memory_space<vmem>>, vector<16xf32>,
      %get3A_548 = arith.constant 1 : i32
      %get3A_549 = arith.constant 0 : i32
      %get3A_550 = tpu.memref_slice %arg14[%get3A_548, %get3A_549] : memref<2x80xf32, #tpu.memory_space<vmem>> -> memref<1x80xf32, #tpu.memory_space<vmem>>
      %get3A_551 = tpu.memref_squeeze %get3A_550 : memref<1x80xf32, #tpu.memory_space<vmem>> -> memref<80xf32, #tpu.memory_space<vmem>>
      %get3A_552 = arith.constant 32 : index
      %get3A_553 = tpu.vector_load %get3A_551[%get3A_552] {strides = array<i32>} : memref<80xf32, #tpu.memory_space<vmem>>, vector<16xf32>,
      %add3A_554 = arith.addf %get3A_553, %get3A_23 : vector<16xf32>
      %neg3A_555 = arith.constant 0.000000e+00 : f32
      %neg3A_556 = vector.broadcast %neg3A_555 : f32 to vector<16xf32>
      %neg3A_557 = arith.subf %neg3A_556, %add3A_554 : vector<16xf32>
      %exp3A_558 = math.exp %neg3A_557 : vector<16xf32>
      %add3A_559 = arith.constant 1.000000e+00 : f32
      %add3A_560 = vector.broadcast %add3A_559 : f32 to vector<16xf32>
      %add3A_561 = arith.addf %add3A_560, %exp3A_558 : vector<16xf32>
      %div3A_562 = arith.constant 1.000000e+00 : f32
      %div3A_563 = vector.broadcast %div3A_562 : f32 to vector<16xf32>
      %div3A_564 = arith.divf %div3A_563, %add3A_561 : vector<16xf32>
      %swap3A_565 = arith.constant 1 : i32
      %swap3A_566 = arith.constant 0 : i32
      %swap3A_567 = tpu.memref_slice %arg14[%swap3A_565, %swap3A_566] : memref<2x80xf32, #tpu.memory_space<vmem>> -> memref<1x80xf32, #tpu.memory_space<vmem>>
      %swap3A_568 = tpu.memref_squeeze %swap3A_567 : memref<1x80xf32, #tpu.memory_space<vmem>> -> memref<80xf32, #tpu.memory_space<vmem>>
      %swap3A_569 = arith.constant 32 : index
      %swap3A_570 = tpu.vector_load %swap3A_568[%swap3A_569] {strides = array<i32>} : memref<80xf32, #tpu.memory_space<vmem>>, vector<16xf32>,
      tpu.vector_store %swap3A_568[%swap3A_569], %div3A_564 {strides = array<i32>} : memref<80xf32, #tpu.memory_space<vmem>>, vector<16xf32>,
      %get3A_571 = arith.constant 1 : i32
      %get3A_572 = arith.constant 0 : i32
      %get3A_573 = tpu.memref_slice %arg14[%get3A_571, %get3A_572] : memref<2x80xf32, #tpu.memory_space<vmem>> -> memref<1x80xf32, #tpu.memory_space<vmem>>
      %get3A_574 = tpu.memref_squeeze %get3A_573 : memref<1x80xf32, #tpu.memory_space<vmem>> -> memref<80xf32, #tpu.memory_space<vmem>>
      %get3A_575 = arith.constant 48 : index
      %get3A_576 = tpu.vector_load %get3A_574[%get3A_575] {strides = array<i32>} : memref<80xf32, #tpu.memory_space<vmem>>, vector<16xf32>,
      %add3A_577 = arith.addf %get3A_576, %get3A_23 : vector<16xf32>
      %neg3A_578 = arith.constant 0.000000e+00 : f32
      %neg3A_579 = vector.broadcast %neg3A_578 : f32 to vector<16xf32>
      %neg3A_580 = arith.subf %neg3A_579, %add3A_577 : vector<16xf32>
      %exp3A_581 = math.exp %neg3A_580 : vector<16xf32>
      %add3A_582 = arith.constant 1.000000e+00 : f32
      %add3A_583 = vector.broadcast %add3A_582 : f32 to vector<16xf32>
      %add3A_584 = arith.addf %add3A_583, %exp3A_581 : vector<16xf32>
      %div3A_585 = arith.constant 1.000000e+00 : f32
      %div3A_586 = vector.broadcast %div3A_585 : f32 to vector<16xf32>
      %div3A_587 = arith.divf %div3A_586, %add3A_584 : vector<16xf32>
      %swap3A_588 = arith.constant 1 : i32
      %swap3A_589 = arith.constant 0 : i32
      %swap3A_590 = tpu.memref_slice %arg14[%swap3A_588, %swap3A_589] : memref<2x80xf32, #tpu.memory_space<vmem>> -> memref<1x80xf32, #tpu.memory_space<vmem>>
      %swap3A_591 = tpu.memref_squeeze %swap3A_590 : memref<1x80xf32, #tpu.memory_space<vmem>> -> memref<80xf32, #tpu.memory_space<vmem>>
      %swap3A_592 = arith.constant 48 : index
      %swap3A_593 = tpu.vector_load %swap3A_591[%swap3A_592] {strides = array<i32>} : memref<80xf32, #tpu.memory_space<vmem>>, vector<16xf32>,
      tpu.vector_store %swap3A_591[%swap3A_592], %div3A_587 {strides = array<i32>} : memref<80xf32, #tpu.memory_space<vmem>>, vector<16xf32>,
      %get3A_594 = arith.constant 1 : i32
      %get3A_595 = arith.constant 0 : i32
      %get3A_596 = tpu.memref_slice %arg14[%get3A_594, %get3A_595] : memref<2x80xf32, #tpu.memory_space<vmem>> -> memref<1x80xf32, #tpu.memory_space<vmem>>
      %get3A_597 = tpu.memref_squeeze %get3A_596 : memref<1x80xf32, #tpu.memory_space<vmem>> -> memref<80xf32, #tpu.memory_space<vmem>>
      %get3A_598 = arith.constant 64 : index
      %get3A_599 = tpu.vector_load %get3A_597[%get3A_598] {strides = array<i32>} : memref<80xf32, #tpu.memory_space<vmem>>, vector<16xf32>,
      %add3A_600 = arith.addf %get3A_599, %get3A_23 : vector<16xf32>
      %neg3A_601 = arith.constant 0.000000e+00 : f32
      %neg3A_602 = vector.broadcast %neg3A_601 : f32 to vector<16xf32>
      %neg3A_603 = arith.subf %neg3A_602, %add3A_600 : vector<16xf32>
      %exp3A_604 = math.exp %neg3A_603 : vector<16xf32>
      %add3A_605 = arith.constant 1.000000e+00 : f32
      %add3A_606 = vector.broadcast %add3A_605 : f32 to vector<16xf32>
      %add3A_607 = arith.addf %add3A_606, %exp3A_604 : vector<16xf32>
      %div3A_608 = arith.constant 1.000000e+00 : f32
      %div3A_609 = vector.broadcast %div3A_608 : f32 to vector<16xf32>
      %div3A_610 = arith.divf %div3A_609, %add3A_607 : vector<16xf32>
      %swap3A_611 = arith.constant 1 : i32
      %swap3A_612 = arith.constant 0 : i32
      %swap3A_613 = tpu.memref_slice %arg14[%swap3A_611, %swap3A_612] : memref<2x80xf32, #tpu.memory_space<vmem>> -> memref<1x80xf32, #tpu.memory_space<vmem>>
      %swap3A_614 = tpu.memref_squeeze %swap3A_613 : memref<1x80xf32, #tpu.memory_space<vmem>> -> memref<80xf32, #tpu.memory_space<vmem>>
      %swap3A_615 = arith.constant 64 : index
      %swap3A_616 = tpu.vector_load %swap3A_614[%swap3A_615] {strides = array<i32>} : memref<80xf32, #tpu.memory_space<vmem>>, vector<16xf32>,
      tpu.vector_store %swap3A_614[%swap3A_615], %div3A_610 {strides = array<i32>} : memref<80xf32, #tpu.memory_space<vmem>>, vector<16xf32>,
      %mul3A_617 = arith.constant 80 : i32
      %mul3A_618 = arith.muli %add3A_490, %mul3A_617 : i32
      %add3A_619 = arith.addi %mul3A_2, %mul3A_618 : i32
      %dma_start3A_620 = arith.constant 1 : i32
      %dma_start3A_621 = arith.constant 0 : i32
      %dma_start3A_622 = tpu.memref_slice %arg14[%dma_start3A_620, %dma_start3A_621] : memref<2x80xf32, #tpu.memory_space<vmem>> -> memref<1x80xf32, #tpu.memory_space<vmem>>
      %dma_start3A_623 = tpu.memref_squeeze %dma_start3A_622 : memref<1x80xf32, #tpu.memory_space<vmem>> -> memref<80xf32, #tpu.memory_space<vmem>>
      %dma_start3A_624 = tpu.memref_slice %arg7[%add3A_619] : memref<320000xf32, #tpu.memory_space<hbm>> -> memref<80xf32, #tpu.memory_space<hbm>>
      %dma_start3A_625 = tpu.memref_slice %arg7[%add3A_619] : memref<320000xf32, #tpu.memory_space<hbm>> -> memref<80xf32, #tpu.memory_space<hbm>>
      %dma_start3A_626 = arith.constant 0 : i32
      %dma_start3A_627 = tpu.memref_slice %arg14[%dma_start3A_620, %dma_start3A_626] : memref<2x80xf32, #tpu.memory_space<vmem>> -> memref<1x80xf32, #tpu.memory_space<vmem>>
      %dma_start3A_628 = tpu.memref_squeeze %dma_start3A_627 : memref<1x80xf32, #tpu.memory_space<vmem>> -> memref<80xf32, #tpu.memory_space<vmem>>
      tpu.enqueue_dma source(%dma_start3A_628 : memref<80xf32, #tpu.memory_space<vmem>>) target(%dma_start3A_625 : memref<80xf32, #tpu.memory_space<hbm>>) target_semaphore(%arg23 : memref<!tpu.dma_semaphore, #tpu.memory_space<semaphore_mem>>)
    }
    %scan3A_89 = arith.constant 62 : i32
    %dma_wait3A_90 = arith.constant 0 : i32
    %dma_wait3A_91 = arith.constant 0 : i32
    %dma_wait3A_92 = arith.constant 0 : i32
    %dma_wait3A_93 = tpu.memref_slice %arg10[%dma_wait3A_90, %dma_wait3A_91, %dma_wait3A_92] : memref<2x80x64xi32, #tpu.memory_space<vmem>> -> memref<1x80x64xi32, #tpu.memory_space<vmem>>
    %dma_wait3A_94 = tpu.memref_squeeze %dma_wait3A_93 : memref<1x80x64xi32, #tpu.memory_space<vmem>> -> memref<80x64xi32, #tpu.memory_space<vmem>>
    %dma_wait3A_95 = arith.constant 0 : i32
    %dma_wait3A_96 = tpu.memref_slice %arg8[%dma_wait3A_95] : memref<10000xi32, #tpu.memory_space<vmem>> -> memref<80xi32, #tpu.memory_space<vmem>>
    %dma_wait3A_97 = arith.constant 0 : i32
    %dma_wait3A_98 = arith.constant 0 : i32
    %dma_wait3A_99 = tpu.memref_slice %arg12[%dma_wait3A_97, %dma_wait3A_98] : memref<10000x64xi32, #tpu.memory_space<vmem_shared>> -> memref<10000x64xi32, #tpu.memory_space<vmem_shared>>
    tpu.wait_indirect_dma semaphore(%arg18 : memref<!tpu.dma_semaphore, #tpu.memory_space<semaphore_mem>>) src(%dma_wait3A_99 : memref<10000x64xi32, #tpu.memory_space<vmem_shared>>) dst(%dma_wait3A_94 : memref<80x64xi32, #tpu.memory_space<vmem>>)
    %dma_wait3A_100 = arith.constant 0 : i32
    %dma_wait3A_101 = arith.constant 0 : i32
    %dma_wait3A_102 = arith.constant 0 : i32
    %dma_wait3A_103 = tpu.memref_slice %arg11[%dma_wait3A_100, %dma_wait3A_101, %dma_wait3A_102] : memref<2x80x64xi32, #tpu.memory_space<vmem>> -> memref<1x80x64xi32, #tpu.memory_space<vmem>>
    %dma_wait3A_104 = tpu.memref_squeeze %dma_wait3A_103 : memref<1x80x64xi32, #tpu.memory_space<vmem>> -> memref<80x64xi32, #tpu.memory_space<vmem>>
    %dma_wait3A_105 = arith.constant 0 : i32
    %dma_wait3A_106 = tpu.memref_slice %arg9[%dma_wait3A_105] : memref<10000xi32, #tpu.memory_space<vmem>> -> memref<80xi32, #tpu.memory_space<vmem>>
    %dma_wait3A_107 = arith.constant 0 : i32
    %dma_wait3A_108 = arith.constant 0 : i32
    %dma_wait3A_109 = tpu.memref_slice %arg13[%dma_wait3A_107, %dma_wait3A_108] : memref<10000x64xi32, #tpu.memory_space<vmem_shared>> -> memref<10000x64xi32, #tpu.memory_space<vmem_shared>>
    tpu.wait_indirect_dma semaphore(%arg20 : memref<!tpu.dma_semaphore, #tpu.memory_space<semaphore_mem>>) src(%dma_wait3A_109 : memref<10000x64xi32, #tpu.memory_space<vmem_shared>>) dst(%dma_wait3A_104 : memref<80x64xi32, #tpu.memory_space<vmem>>)
    %ge3A = arith.constant 124 : i32
    %ge3A_110 = arith.constant 2 : i32
    %ge3A_111 = arith.cmpi sge, %ge3A, %ge3A_110 : i32
    %convert_element_type3A = arith.extui %ge3A_111 : i1 to i32
    %cond3A = arith.constant 0 : i32
    %cond3A_112 = arith.cmpi ne, %convert_element_type3A, %cond3A : i32
    scf.if %cond3A_112 {
      %dma_wait3A_264 = arith.constant 0 : i32
      %dma_wait3A_265 = arith.constant 0 : i32
      %dma_wait3A_266 = tpu.memref_slice %arg14[%dma_wait3A_264, %dma_wait3A_265] : memref<2x80xf32, #tpu.memory_space<vmem>> -> memref<1x80xf32, #tpu.memory_space<vmem>>
      %dma_wait3A_267 = tpu.memref_squeeze %dma_wait3A_266 : memref<1x80xf32, #tpu.memory_space<vmem>> -> memref<80xf32, #tpu.memory_space<vmem>>
      %dma_wait3A_268 = arith.constant 0 : i32
      %dma_wait3A_269 = tpu.memref_slice %arg7[%dma_wait3A_268] : memref<320000xf32, #tpu.memory_space<hbm>> -> memref<80xf32, #tpu.memory_space<hbm>>
      %dma_wait3A_270 = arith.constant 0 : i32
      %dma_wait3A_271 = tpu.memref_slice %arg7[%dma_wait3A_270] : memref<320000xf32, #tpu.memory_space<hbm>> -> memref<80xf32, #tpu.memory_space<hbm>>
      %dma_wait3A_272 = arith.constant 0 : i32
      %dma_wait3A_273 = tpu.memref_slice %arg14[%dma_wait3A_264, %dma_wait3A_272] : memref<2x80xf32, #tpu.memory_space<vmem>> -> memref<1x80xf32, #tpu.memory_space<vmem>>
      %dma_wait3A_274 = tpu.memref_squeeze %dma_wait3A_273 : memref<1x80xf32, #tpu.memory_space<vmem>> -> memref<80xf32, #tpu.memory_space<vmem>>
      tpu.wait_dma2 semaphore(%arg22 : memref<!tpu.dma_semaphore, #tpu.memory_space<semaphore_mem>>) src(%dma_wait3A_274 : memref<80xf32, #tpu.memory_space<vmem>>) dst(%dma_wait3A_271 : memref<80xf32, #tpu.memory_space<hbm>>)
    } else {
    }
    %parallel_loop3A = arith.constant 0 : i32
    %parallel_loop3A_113 = arith.constant 80 : i32
    %parallel_loop3A_114 = arith.constant 1 : i32
    %parallel_loop3A_115 = arith.constant 0 : i32
    %parallel_loop3A_116 = arith.constant 0 : i32
    %parallel_loop3A_117 = arith.constant 0 : i32
    scf.for %parallel_loop3A_264 = %parallel_loop3A to %parallel_loop3A_113 step %parallel_loop3A_114  : i32 {
      %parallel_loop3A_265 = arith.constant 0 : i32
      %parallel_loop3A_266 = arith.constant 0 : i32
      %parallel_loop3A_267 = tpu.memref_slice %arg10[%parallel_loop3A_115, %parallel_loop3A_265, %parallel_loop3A_266] : memref<2x80x64xi32, #tpu.memory_space<vmem>> -> memref<1x80x64xi32, #tpu.memory_space<vmem>>
      %parallel_loop3A_268 = tpu.memref_squeeze %parallel_loop3A_267 : memref<1x80x64xi32, #tpu.memory_space<vmem>> -> memref<80x64xi32, #tpu.memory_space<vmem>>
      %parallel_loop3A_269 = arith.index_cast %parallel_loop3A_264 : i32 to index
      %parallel_loop3A_270 = arith.constant 0 : index
      %parallel_loop3A_271 = tpu.vector_load %parallel_loop3A_268[%parallel_loop3A_269, %parallel_loop3A_270] {strides = array<i32>} : memref<80x64xi32, #tpu.memory_space<vmem>>, vector<16xi32>,
      %parallel_loop3A_272 = vector.bitcast %parallel_loop3A_271 : vector<16xi32> to vector<32xbf16>
      %parallel_loop3A_273 = arith.constant 0 : i32
      %parallel_loop3A_274 = arith.constant 0 : i32
      %parallel_loop3A_275 = tpu.memref_slice %arg11[%parallel_loop3A_116, %parallel_loop3A_273, %parallel_loop3A_274] : memref<2x80x64xi32, #tpu.memory_space<vmem>> -> memref<1x80x64xi32, #tpu.memory_space<vmem>>
      %parallel_loop3A_276 = tpu.memref_squeeze %parallel_loop3A_275 : memref<1x80x64xi32, #tpu.memory_space<vmem>> -> memref<80x64xi32, #tpu.memory_space<vmem>>
      %parallel_loop3A_277 = arith.index_cast %parallel_loop3A_264 : i32 to index
      %parallel_loop3A_278 = arith.constant 0 : index
      %parallel_loop3A_279 = tpu.vector_load %parallel_loop3A_276[%parallel_loop3A_277, %parallel_loop3A_278] {strides = array<i32>} : memref<80x64xi32, #tpu.memory_space<vmem>>, vector<16xi32>,
      %parallel_loop3A_280 = vector.bitcast %parallel_loop3A_279 : vector<16xi32> to vector<32xbf16>
      %parallel_loop3A_281 = arith.addf %parallel_loop3A_272, %parallel_loop3A_280 : vector<32xbf16>
      %parallel_loop3A_282 = arith.constant 0.000000e+00 : bf16
      %parallel_loop3A_283 = vector.broadcast %parallel_loop3A_282 : bf16 to vector<32xbf16>
      %parallel_loop3A_284 = arith.maximumf %parallel_loop3A_281, %parallel_loop3A_283 : vector<32xbf16>
      %parallel_loop3A_285 = arith.mulf %parallel_loop3A_284, %get3A_27 : vector<32xbf16>
      %parallel_loop3A_286 = arith.constant 0 : i32
      %parallel_loop3A_287 = arith.constant 0 : i32
      %parallel_loop3A_288 = tpu.memref_slice %arg10[%parallel_loop3A_115, %parallel_loop3A_286, %parallel_loop3A_287] : memref<2x80x64xi32, #tpu.memory_space<vmem>> -> memref<1x80x64xi32, #tpu.memory_space<vmem>>
      %parallel_loop3A_289 = tpu.memref_squeeze %parallel_loop3A_288 : memref<1x80x64xi32, #tpu.memory_space<vmem>> -> memref<80x64xi32, #tpu.memory_space<vmem>>
      %parallel_loop3A_290 = arith.index_cast %parallel_loop3A_264 : i32 to index
      %parallel_loop3A_291 = arith.constant 16 : index
      %parallel_loop3A_292 = tpu.vector_load %parallel_loop3A_289[%parallel_loop3A_290, %parallel_loop3A_291] {strides = array<i32>} : memref<80x64xi32, #tpu.memory_space<vmem>>, vector<16xi32>,
      %parallel_loop3A_293 = vector.bitcast %parallel_loop3A_292 : vector<16xi32> to vector<32xbf16>
      %parallel_loop3A_294 = arith.constant 0 : i32
      %parallel_loop3A_295 = arith.constant 0 : i32
      %parallel_loop3A_296 = tpu.memref_slice %arg11[%parallel_loop3A_116, %parallel_loop3A_294, %parallel_loop3A_295] : memref<2x80x64xi32, #tpu.memory_space<vmem>> -> memref<1x80x64xi32, #tpu.memory_space<vmem>>
      %parallel_loop3A_297 = tpu.memref_squeeze %parallel_loop3A_296 : memref<1x80x64xi32, #tpu.memory_space<vmem>> -> memref<80x64xi32, #tpu.memory_space<vmem>>
      %parallel_loop3A_298 = arith.index_cast %parallel_loop3A_264 : i32 to index
      %parallel_loop3A_299 = arith.constant 16 : index
      %parallel_loop3A_300 = tpu.vector_load %parallel_loop3A_297[%parallel_loop3A_298, %parallel_loop3A_299] {strides = array<i32>} : memref<80x64xi32, #tpu.memory_space<vmem>>, vector<16xi32>,
      %parallel_loop3A_301 = vector.bitcast %parallel_loop3A_300 : vector<16xi32> to vector<32xbf16>
      %parallel_loop3A_302 = arith.addf %parallel_loop3A_293, %parallel_loop3A_301 : vector<32xbf16>
      %parallel_loop3A_303 = arith.constant 0.000000e+00 : bf16
      %parallel_loop3A_304 = vector.broadcast %parallel_loop3A_303 : bf16 to vector<32xbf16>
      %parallel_loop3A_305 = arith.maximumf %parallel_loop3A_302, %parallel_loop3A_304 : vector<32xbf16>
      %parallel_loop3A_306 = arith.mulf %parallel_loop3A_305, %get3A_31 : vector<32xbf16>
      %parallel_loop3A_307 = arith.constant 0 : i32
      %parallel_loop3A_308 = arith.constant 0 : i32
      %parallel_loop3A_309 = tpu.memref_slice %arg10[%parallel_loop3A_115, %parallel_loop3A_307, %parallel_loop3A_308] : memref<2x80x64xi32, #tpu.memory_space<vmem>> -> memref<1x80x64xi32, #tpu.memory_space<vmem>>
      %parallel_loop3A_310 = tpu.memref_squeeze %parallel_loop3A_309 : memref<1x80x64xi32, #tpu.memory_space<vmem>> -> memref<80x64xi32, #tpu.memory_space<vmem>>
      %parallel_loop3A_311 = arith.index_cast %parallel_loop3A_264 : i32 to index
      %parallel_loop3A_312 = arith.constant 32 : index
      %parallel_loop3A_313 = tpu.vector_load %parallel_loop3A_310[%parallel_loop3A_311, %parallel_loop3A_312] {strides = array<i32>} : memref<80x64xi32, #tpu.memory_space<vmem>>, vector<16xi32>,
      %parallel_loop3A_314 = vector.bitcast %parallel_loop3A_313 : vector<16xi32> to vector<32xbf16>
      %parallel_loop3A_315 = arith.constant 0 : i32
      %parallel_loop3A_316 = arith.constant 0 : i32
      %parallel_loop3A_317 = tpu.memref_slice %arg11[%parallel_loop3A_116, %parallel_loop3A_315, %parallel_loop3A_316] : memref<2x80x64xi32, #tpu.memory_space<vmem>> -> memref<1x80x64xi32, #tpu.memory_space<vmem>>
      %parallel_loop3A_318 = tpu.memref_squeeze %parallel_loop3A_317 : memref<1x80x64xi32, #tpu.memory_space<vmem>> -> memref<80x64xi32, #tpu.memory_space<vmem>>
      %parallel_loop3A_319 = arith.index_cast %parallel_loop3A_264 : i32 to index
      %parallel_loop3A_320 = arith.constant 32 : index
      %parallel_loop3A_321 = tpu.vector_load %parallel_loop3A_318[%parallel_loop3A_319, %parallel_loop3A_320] {strides = array<i32>} : memref<80x64xi32, #tpu.memory_space<vmem>>, vector<16xi32>,
      %parallel_loop3A_322 = vector.bitcast %parallel_loop3A_321 : vector<16xi32> to vector<32xbf16>
      %parallel_loop3A_323 = arith.addf %parallel_loop3A_314, %parallel_loop3A_322 : vector<32xbf16>
      %parallel_loop3A_324 = arith.constant 0.000000e+00 : bf16
      %parallel_loop3A_325 = vector.broadcast %parallel_loop3A_324 : bf16 to vector<32xbf16>
      %parallel_loop3A_326 = arith.maximumf %parallel_loop3A_323, %parallel_loop3A_325 : vector<32xbf16>
      %parallel_loop3A_327 = arith.mulf %parallel_loop3A_326, %get3A_35 : vector<32xbf16>
      %parallel_loop3A_328 = arith.constant 0 : i32
      %parallel_loop3A_329 = arith.constant 0 : i32
      %parallel_loop3A_330 = tpu.memref_slice %arg10[%parallel_loop3A_115, %parallel_loop3A_328, %parallel_loop3A_329] : memref<2x80x64xi32, #tpu.memory_space<vmem>> -> memref<1x80x64xi32, #tpu.memory_space<vmem>>
      %parallel_loop3A_331 = tpu.memref_squeeze %parallel_loop3A_330 : memref<1x80x64xi32, #tpu.memory_space<vmem>> -> memref<80x64xi32, #tpu.memory_space<vmem>>
      %parallel_loop3A_332 = arith.index_cast %parallel_loop3A_264 : i32 to index
      %parallel_loop3A_333 = arith.constant 48 : index
      %parallel_loop3A_334 = tpu.vector_load %parallel_loop3A_331[%parallel_loop3A_332, %parallel_loop3A_333] {strides = array<i32>} : memref<80x64xi32, #tpu.memory_space<vmem>>, vector<16xi32>,
      %parallel_loop3A_335 = vector.bitcast %parallel_loop3A_334 : vector<16xi32> to vector<32xbf16>
      %parallel_loop3A_336 = arith.constant 0 : i32
      %parallel_loop3A_337 = arith.constant 0 : i32
      %parallel_loop3A_338 = tpu.memref_slice %arg11[%parallel_loop3A_116, %parallel_loop3A_336, %parallel_loop3A_337] : memref<2x80x64xi32, #tpu.memory_space<vmem>> -> memref<1x80x64xi32, #tpu.memory_space<vmem>>
      %parallel_loop3A_339 = tpu.memref_squeeze %parallel_loop3A_338 : memref<1x80x64xi32, #tpu.memory_space<vmem>> -> memref<80x64xi32, #tpu.memory_space<vmem>>
      %parallel_loop3A_340 = arith.index_cast %parallel_loop3A_264 : i32 to index
      %parallel_loop3A_341 = arith.constant 48 : index
      %parallel_loop3A_342 = tpu.vector_load %parallel_loop3A_339[%parallel_loop3A_340, %parallel_loop3A_341] {strides = array<i32>} : memref<80x64xi32, #tpu.memory_space<vmem>>, vector<16xi32>,
      %parallel_loop3A_343 = vector.bitcast %parallel_loop3A_342 : vector<16xi32> to vector<32xbf16>
      %parallel_loop3A_344 = arith.addf %parallel_loop3A_335, %parallel_loop3A_343 : vector<32xbf16>
      %parallel_loop3A_345 = arith.constant 0.000000e+00 : bf16
      %parallel_loop3A_346 = vector.broadcast %parallel_loop3A_345 : bf16 to vector<32xbf16>
      %parallel_loop3A_347 = arith.maximumf %parallel_loop3A_344, %parallel_loop3A_346 : vector<32xbf16>
      %parallel_loop3A_348 = arith.mulf %parallel_loop3A_347, %get3A_39 : vector<32xbf16>
      %parallel_loop3A_349 = arith.addf %parallel_loop3A_285, %parallel_loop3A_306 : vector<32xbf16>
      %parallel_loop3A_350 = arith.addf %parallel_loop3A_327, %parallel_loop3A_348 : vector<32xbf16>
      %parallel_loop3A_351 = arith.addf %parallel_loop3A_349, %parallel_loop3A_350 : vector<32xbf16>
      %parallel_loop3A_352 = vector.bitcast %parallel_loop3A_351 : vector<32xbf16> to vector<16xi32>
      %parallel_loop3A_353 = arith.constant 16 : i32
      %parallel_loop3A_354 = vector.broadcast %parallel_loop3A_353 : i32 to vector<16xi32>
      %parallel_loop3A_355 = arith.shli %parallel_loop3A_352, %parallel_loop3A_354 : vector<16xi32>
      %parallel_loop3A_356 = vector.bitcast %parallel_loop3A_355 : vector<16xi32> to vector<16xf32>
      %parallel_loop3A_357 = arith.constant -65536 : i32
      %parallel_loop3A_358 = vector.broadcast %parallel_loop3A_357 : i32 to vector<16xi32>
      %parallel_loop3A_359 = arith.andi %parallel_loop3A_352, %parallel_loop3A_358 : vector<16xi32>
      %parallel_loop3A_360 = vector.bitcast %parallel_loop3A_359 : vector<16xi32> to vector<16xf32>
      %parallel_loop3A_361 = arith.addf %parallel_loop3A_356, %parallel_loop3A_360 : vector<16xf32>
      %parallel_loop3A_362 = arith.constant 0 : i32
      %parallel_loop3A_363 = vector.broadcast %parallel_loop3A_362 : i32 to vector<16xi32>
      %parallel_loop3A_364 = arith.cmpi slt, %and3A_46, %parallel_loop3A_363 : vector<16xi32>
      %parallel_loop3A_365 = arith.constant 16 : i32
      %parallel_loop3A_366 = vector.broadcast %parallel_loop3A_365 : i32 to vector<16xi32>
      %parallel_loop3A_367 = arith.addi %and3A_46, %parallel_loop3A_366 : vector<16xi32>
      %parallel_loop3A_368 = arith.select %parallel_loop3A_364, %parallel_loop3A_367, %and3A_46 : vector<16xi1>, vector<16xi32>
      %parallel_loop3A_369 = vector.shape_cast %parallel_loop3A_368 : vector<16xi32> to vector<16x1xi32>
      %parallel_loop3A_370 = vector.shape_cast %parallel_loop3A_369 : vector<16x1xi32> to vector<16xi32>
      %parallel_loop3A_371 = tpu.dynamic_gather %parallel_loop3A_361[%parallel_loop3A_370] in [0] : vector<16xf32>, vector<16xi32> -> vector<16xf32>
      %parallel_loop3A_372 = arith.addf %parallel_loop3A_361, %parallel_loop3A_371 : vector<16xf32>
      %parallel_loop3A_373 = arith.constant 0 : i32
      %parallel_loop3A_374 = vector.broadcast %parallel_loop3A_373 : i32 to vector<16xi32>
      %parallel_loop3A_375 = arith.cmpi slt, %and3A_52, %parallel_loop3A_374 : vector<16xi32>
      %parallel_loop3A_376 = arith.constant 16 : i32
      %parallel_loop3A_377 = vector.broadcast %parallel_loop3A_376 : i32 to vector<16xi32>
      %parallel_loop3A_378 = arith.addi %and3A_52, %parallel_loop3A_377 : vector<16xi32>
      %parallel_loop3A_379 = arith.select %parallel_loop3A_375, %parallel_loop3A_378, %and3A_52 : vector<16xi1>, vector<16xi32>
      %parallel_loop3A_380 = vector.shape_cast %parallel_loop3A_379 : vector<16xi32> to vector<16x1xi32>
      %parallel_loop3A_381 = vector.shape_cast %parallel_loop3A_380 : vector<16x1xi32> to vector<16xi32>
      %parallel_loop3A_382 = tpu.dynamic_gather %parallel_loop3A_372[%parallel_loop3A_381] in [0] : vector<16xf32>, vector<16xi32> -> vector<16xf32>
      %parallel_loop3A_383 = arith.addf %parallel_loop3A_372, %parallel_loop3A_382 : vector<16xf32>
      %parallel_loop3A_384 = arith.constant 0 : i32
      %parallel_loop3A_385 = vector.broadcast %parallel_loop3A_384 : i32 to vector<16xi32>
      %parallel_loop3A_386 = arith.cmpi slt, %and3A_58, %parallel_loop3A_385 : vector<16xi32>
      %parallel_loop3A_387 = arith.constant 16 : i32
      %parallel_loop3A_388 = vector.broadcast %parallel_loop3A_387 : i32 to vector<16xi32>
      %parallel_loop3A_389 = arith.addi %and3A_58, %parallel_loop3A_388 : vector<16xi32>
      %parallel_loop3A_390 = arith.select %parallel_loop3A_386, %parallel_loop3A_389, %and3A_58 : vector<16xi1>, vector<16xi32>
      %parallel_loop3A_391 = vector.shape_cast %parallel_loop3A_390 : vector<16xi32> to vector<16x1xi32>
      %parallel_loop3A_392 = vector.shape_cast %parallel_loop3A_391 : vector<16x1xi32> to vector<16xi32>
      %parallel_loop3A_393 = tpu.dynamic_gather %parallel_loop3A_383[%parallel_loop3A_392] in [0] : vector<16xf32>, vector<16xi32> -> vector<16xf32>
      %parallel_loop3A_394 = arith.addf %parallel_loop3A_383, %parallel_loop3A_393 : vector<16xf32>
      %parallel_loop3A_395 = arith.constant 0 : i32
      %parallel_loop3A_396 = vector.broadcast %parallel_loop3A_395 : i32 to vector<16xi32>
      %parallel_loop3A_397 = arith.cmpi slt, %and3A_64, %parallel_loop3A_396 : vector<16xi32>
      %parallel_loop3A_398 = arith.constant 16 : i32
      %parallel_loop3A_399 = vector.broadcast %parallel_loop3A_398 : i32 to vector<16xi32>
      %parallel_loop3A_400 = arith.addi %and3A_64, %parallel_loop3A_399 : vector<16xi32>
      %parallel_loop3A_401 = arith.select %parallel_loop3A_397, %parallel_loop3A_400, %and3A_64 : vector<16xi1>, vector<16xi32>
      %parallel_loop3A_402 = vector.shape_cast %parallel_loop3A_401 : vector<16xi32> to vector<16x1xi32>
      %parallel_loop3A_403 = vector.shape_cast %parallel_loop3A_402 : vector<16x1xi32> to vector<16xi32>
      %parallel_loop3A_404 = tpu.dynamic_gather %parallel_loop3A_394[%parallel_loop3A_403] in [0] : vector<16xf32>, vector<16xi32> -> vector<16xf32>
      %parallel_loop3A_405 = arith.addf %parallel_loop3A_394, %parallel_loop3A_404 : vector<16xf32>
      %parallel_loop3A_406 = arith.constant 0 : i32
      %parallel_loop3A_407 = vector.broadcast %parallel_loop3A_406 : i32 to vector<16xi32>
      %parallel_loop3A_408 = vector.broadcast %parallel_loop3A_264 : i32 to vector<16xi32>
      %parallel_loop3A_409 = arith.addi %parallel_loop3A_407, %parallel_loop3A_408 : vector<16xi32>
      %parallel_loop3A_410 = arith.constant 0 : i32
      %parallel_loop3A_411 = tpu.memref_slice %arg14[%parallel_loop3A_117, %parallel_loop3A_410] : memref<2x80xf32, #tpu.memory_space<vmem>> -> memref<1x80xf32, #tpu.memory_space<vmem>>
      %parallel_loop3A_412 = tpu.memref_squeeze %parallel_loop3A_411 : memref<1x80xf32, #tpu.memory_space<vmem>> -> memref<80xf32, #tpu.memory_space<vmem>>
      tpu.vector_store_idx %parallel_loop3A_412[%parallel_loop3A_409], %parallel_loop3A_405 masked %eq3A_41 : memref<80xf32, #tpu.memory_space<vmem>>[vector<16xi32>], vector<16xf32>, vector<16xi1>
    } {sc.loop_unroll_factor = 4 : i64, sc.parallel_access}
    %get3A_118 = arith.constant 0 : i32
    %get3A_119 = arith.constant 0 : i32
    %get3A_120 = tpu.memref_slice %arg14[%get3A_118, %get3A_119] : memref<2x80xf32, #tpu.memory_space<vmem>> -> memref<1x80xf32, #tpu.memory_space<vmem>>
    %get3A_121 = tpu.memref_squeeze %get3A_120 : memref<1x80xf32, #tpu.memory_space<vmem>> -> memref<80xf32, #tpu.memory_space<vmem>>
    %get3A_122 = arith.constant 0 : index
    %get3A_123 = tpu.vector_load %get3A_121[%get3A_122] {strides = array<i32>} : memref<80xf32, #tpu.memory_space<vmem>>, vector<16xf32>,
    %add3A_124 = arith.addf %get3A_123, %get3A_23 : vector<16xf32>
    %neg3A = arith.constant 0.000000e+00 : f32
    %neg3A_125 = vector.broadcast %neg3A : f32 to vector<16xf32>
    %neg3A_126 = arith.subf %neg3A_125, %add3A_124 : vector<16xf32>
    %exp3A = math.exp %neg3A_126 : vector<16xf32>
    %add3A_127 = arith.constant 1.000000e+00 : f32
    %add3A_128 = vector.broadcast %add3A_127 : f32 to vector<16xf32>
    %add3A_129 = arith.addf %add3A_128, %exp3A : vector<16xf32>
    %div3A = arith.constant 1.000000e+00 : f32
    %div3A_130 = vector.broadcast %div3A : f32 to vector<16xf32>
    %div3A_131 = arith.divf %div3A_130, %add3A_129 : vector<16xf32>
    %swap3A = arith.constant 0 : i32
    %swap3A_132 = arith.constant 0 : i32
    %swap3A_133 = tpu.memref_slice %arg14[%swap3A, %swap3A_132] : memref<2x80xf32, #tpu.memory_space<vmem>> -> memref<1x80xf32, #tpu.memory_space<vmem>>
    %swap3A_134 = tpu.memref_squeeze %swap3A_133 : memref<1x80xf32, #tpu.memory_space<vmem>> -> memref<80xf32, #tpu.memory_space<vmem>>
    %swap3A_135 = arith.constant 0 : index
    %swap3A_136 = tpu.vector_load %swap3A_134[%swap3A_135] {strides = array<i32>} : memref<80xf32, #tpu.memory_space<vmem>>, vector<16xf32>,
    tpu.vector_store %swap3A_134[%swap3A_135], %div3A_131 {strides = array<i32>} : memref<80xf32, #tpu.memory_space<vmem>>, vector<16xf32>,
    %get3A_137 = arith.constant 0 : i32
    %get3A_138 = arith.constant 0 : i32
    %get3A_139 = tpu.memref_slice %arg14[%get3A_137, %get3A_138] : memref<2x80xf32, #tpu.memory_space<vmem>> -> memref<1x80xf32, #tpu.memory_space<vmem>>
    %get3A_140 = tpu.memref_squeeze %get3A_139 : memref<1x80xf32, #tpu.memory_space<vmem>> -> memref<80xf32, #tpu.memory_space<vmem>>
    %get3A_141 = arith.constant 16 : index
    %get3A_142 = tpu.vector_load %get3A_140[%get3A_141] {strides = array<i32>} : memref<80xf32, #tpu.memory_space<vmem>>, vector<16xf32>,
    %add3A_143 = arith.addf %get3A_142, %get3A_23 : vector<16xf32>
    %neg3A_144 = arith.constant 0.000000e+00 : f32
    %neg3A_145 = vector.broadcast %neg3A_144 : f32 to vector<16xf32>
    %neg3A_146 = arith.subf %neg3A_145, %add3A_143 : vector<16xf32>
    %exp3A_147 = math.exp %neg3A_146 : vector<16xf32>
    %add3A_148 = arith.constant 1.000000e+00 : f32
    %add3A_149 = vector.broadcast %add3A_148 : f32 to vector<16xf32>
    %add3A_150 = arith.addf %add3A_149, %exp3A_147 : vector<16xf32>
    %div3A_151 = arith.constant 1.000000e+00 : f32
    %div3A_152 = vector.broadcast %div3A_151 : f32 to vector<16xf32>
    %div3A_153 = arith.divf %div3A_152, %add3A_150 : vector<16xf32>
    %swap3A_154 = arith.constant 0 : i32
    %swap3A_155 = arith.constant 0 : i32
    %swap3A_156 = tpu.memref_slice %arg14[%swap3A_154, %swap3A_155] : memref<2x80xf32, #tpu.memory_space<vmem>> -> memref<1x80xf32, #tpu.memory_space<vmem>>
    %swap3A_157 = tpu.memref_squeeze %swap3A_156 : memref<1x80xf32, #tpu.memory_space<vmem>> -> memref<80xf32, #tpu.memory_space<vmem>>
    %swap3A_158 = arith.constant 16 : index
    %swap3A_159 = tpu.vector_load %swap3A_157[%swap3A_158] {strides = array<i32>} : memref<80xf32, #tpu.memory_space<vmem>>, vector<16xf32>,
    tpu.vector_store %swap3A_157[%swap3A_158], %div3A_153 {strides = array<i32>} : memref<80xf32, #tpu.memory_space<vmem>>, vector<16xf32>,
    %get3A_160 = arith.constant 0 : i32
    %get3A_161 = arith.constant 0 : i32
    %get3A_162 = tpu.memref_slice %arg14[%get3A_160, %get3A_161] : memref<2x80xf32, #tpu.memory_space<vmem>> -> memref<1x80xf32, #tpu.memory_space<vmem>>
    %get3A_163 = tpu.memref_squeeze %get3A_162 : memref<1x80xf32, #tpu.memory_space<vmem>> -> memref<80xf32, #tpu.memory_space<vmem>>
    %get3A_164 = arith.constant 32 : index
    %get3A_165 = tpu.vector_load %get3A_163[%get3A_164] {strides = array<i32>} : memref<80xf32, #tpu.memory_space<vmem>>, vector<16xf32>,
    %add3A_166 = arith.addf %get3A_165, %get3A_23 : vector<16xf32>
    %neg3A_167 = arith.constant 0.000000e+00 : f32
    %neg3A_168 = vector.broadcast %neg3A_167 : f32 to vector<16xf32>
    %neg3A_169 = arith.subf %neg3A_168, %add3A_166 : vector<16xf32>
    %exp3A_170 = math.exp %neg3A_169 : vector<16xf32>
    %add3A_171 = arith.constant 1.000000e+00 : f32
    %add3A_172 = vector.broadcast %add3A_171 : f32 to vector<16xf32>
    %add3A_173 = arith.addf %add3A_172, %exp3A_170 : vector<16xf32>
    %div3A_174 = arith.constant 1.000000e+00 : f32
    %div3A_175 = vector.broadcast %div3A_174 : f32 to vector<16xf32>
    %div3A_176 = arith.divf %div3A_175, %add3A_173 : vector<16xf32>
    %swap3A_177 = arith.constant 0 : i32
    %swap3A_178 = arith.constant 0 : i32
    %swap3A_179 = tpu.memref_slice %arg14[%swap3A_177, %swap3A_178] : memref<2x80xf32, #tpu.memory_space<vmem>> -> memref<1x80xf32, #tpu.memory_space<vmem>>
    %swap3A_180 = tpu.memref_squeeze %swap3A_179 : memref<1x80xf32, #tpu.memory_space<vmem>> -> memref<80xf32, #tpu.memory_space<vmem>>
    %swap3A_181 = arith.constant 32 : index
    %swap3A_182 = tpu.vector_load %swap3A_180[%swap3A_181] {strides = array<i32>} : memref<80xf32, #tpu.memory_space<vmem>>, vector<16xf32>,
    tpu.vector_store %swap3A_180[%swap3A_181], %div3A_176 {strides = array<i32>} : memref<80xf32, #tpu.memory_space<vmem>>, vector<16xf32>,
    %get3A_183 = arith.constant 0 : i32
    %get3A_184 = arith.constant 0 : i32
    %get3A_185 = tpu.memref_slice %arg14[%get3A_183, %get3A_184] : memref<2x80xf32, #tpu.memory_space<vmem>> -> memref<1x80xf32, #tpu.memory_space<vmem>>
    %get3A_186 = tpu.memref_squeeze %get3A_185 : memref<1x80xf32, #tpu.memory_space<vmem>> -> memref<80xf32, #tpu.memory_space<vmem>>
    %get3A_187 = arith.constant 48 : index
    %get3A_188 = tpu.vector_load %get3A_186[%get3A_187] {strides = array<i32>} : memref<80xf32, #tpu.memory_space<vmem>>, vector<16xf32>,
    %add3A_189 = arith.addf %get3A_188, %get3A_23 : vector<16xf32>
    %neg3A_190 = arith.constant 0.000000e+00 : f32
    %neg3A_191 = vector.broadcast %neg3A_190 : f32 to vector<16xf32>
    %neg3A_192 = arith.subf %neg3A_191, %add3A_189 : vector<16xf32>
    %exp3A_193 = math.exp %neg3A_192 : vector<16xf32>
    %add3A_194 = arith.constant 1.000000e+00 : f32
    %add3A_195 = vector.broadcast %add3A_194 : f32 to vector<16xf32>
    %add3A_196 = arith.addf %add3A_195, %exp3A_193 : vector<16xf32>
    %div3A_197 = arith.constant 1.000000e+00 : f32
    %div3A_198 = vector.broadcast %div3A_197 : f32 to vector<16xf32>
    %div3A_199 = arith.divf %div3A_198, %add3A_196 : vector<16xf32>
    %swap3A_200 = arith.constant 0 : i32
    %swap3A_201 = arith.constant 0 : i32
    %swap3A_202 = tpu.memref_slice %arg14[%swap3A_200, %swap3A_201] : memref<2x80xf32, #tpu.memory_space<vmem>> -> memref<1x80xf32, #tpu.memory_space<vmem>>
    %swap3A_203 = tpu.memref_squeeze %swap3A_202 : memref<1x80xf32, #tpu.memory_space<vmem>> -> memref<80xf32, #tpu.memory_space<vmem>>
    %swap3A_204 = arith.constant 48 : index
    %swap3A_205 = tpu.vector_load %swap3A_203[%swap3A_204] {strides = array<i32>} : memref<80xf32, #tpu.memory_space<vmem>>, vector<16xf32>,
    tpu.vector_store %swap3A_203[%swap3A_204], %div3A_199 {strides = array<i32>} : memref<80xf32, #tpu.memory_space<vmem>>, vector<16xf32>,
    %get3A_206 = arith.constant 0 : i32
    %get3A_207 = arith.constant 0 : i32
    %get3A_208 = tpu.memref_slice %arg14[%get3A_206, %get3A_207] : memref<2x80xf32, #tpu.memory_space<vmem>> -> memref<1x80xf32, #tpu.memory_space<vmem>>
    %get3A_209 = tpu.memref_squeeze %get3A_208 : memref<1x80xf32, #tpu.memory_space<vmem>> -> memref<80xf32, #tpu.memory_space<vmem>>
    %get3A_210 = arith.constant 64 : index
    %get3A_211 = tpu.vector_load %get3A_209[%get3A_210] {strides = array<i32>} : memref<80xf32, #tpu.memory_space<vmem>>, vector<16xf32>,
    %add3A_212 = arith.addf %get3A_211, %get3A_23 : vector<16xf32>
    %neg3A_213 = arith.constant 0.000000e+00 : f32
    %neg3A_214 = vector.broadcast %neg3A_213 : f32 to vector<16xf32>
    %neg3A_215 = arith.subf %neg3A_214, %add3A_212 : vector<16xf32>
    %exp3A_216 = math.exp %neg3A_215 : vector<16xf32>
    %add3A_217 = arith.constant 1.000000e+00 : f32
    %add3A_218 = vector.broadcast %add3A_217 : f32 to vector<16xf32>
    %add3A_219 = arith.addf %add3A_218, %exp3A_216 : vector<16xf32>
    %div3A_220 = arith.constant 1.000000e+00 : f32
    %div3A_221 = vector.broadcast %div3A_220 : f32 to vector<16xf32>
    %div3A_222 = arith.divf %div3A_221, %add3A_219 : vector<16xf32>
    %swap3A_223 = arith.constant 0 : i32
    %swap3A_224 = arith.constant 0 : i32
    %swap3A_225 = tpu.memref_slice %arg14[%swap3A_223, %swap3A_224] : memref<2x80xf32, #tpu.memory_space<vmem>> -> memref<1x80xf32, #tpu.memory_space<vmem>>
    %swap3A_226 = tpu.memref_squeeze %swap3A_225 : memref<1x80xf32, #tpu.memory_space<vmem>> -> memref<80xf32, #tpu.memory_space<vmem>>
    %swap3A_227 = arith.constant 64 : index
    %swap3A_228 = tpu.vector_load %swap3A_226[%swap3A_227] {strides = array<i32>} : memref<80xf32, #tpu.memory_space<vmem>>, vector<16xf32>,
    tpu.vector_store %swap3A_226[%swap3A_227], %div3A_222 {strides = array<i32>} : memref<80xf32, #tpu.memory_space<vmem>>, vector<16xf32>,
    %mul3A_229 = arith.constant 124 : i32
    %mul3A_230 = arith.constant 80 : i32
    %mul3A_231 = arith.muli %mul3A_229, %mul3A_230 : i32
    %add3A_232 = arith.addi %mul3A_2, %mul3A_231 : i32
    %dma_start3A_233 = arith.constant 0 : i32
    %dma_start3A_234 = arith.constant 0 : i32
    %dma_start3A_235 = tpu.memref_slice %arg14[%dma_start3A_233, %dma_start3A_234] : memref<2x80xf32, #tpu.memory_space<vmem>> -> memref<1x80xf32, #tpu.memory_space<vmem>>
    %dma_start3A_236 = tpu.memref_squeeze %dma_start3A_235 : memref<1x80xf32, #tpu.memory_space<vmem>> -> memref<80xf32, #tpu.memory_space<vmem>>
    %dma_start3A_237 = tpu.memref_slice %arg7[%add3A_232] : memref<320000xf32, #tpu.memory_space<hbm>> -> memref<80xf32, #tpu.memory_space<hbm>>
    %dma_start3A_238 = tpu.memref_slice %arg7[%add3A_232] : memref<320000xf32, #tpu.memory_space<hbm>> -> memref<80xf32, #tpu.memory_space<hbm>>
    %dma_start3A_239 = arith.constant 0 : i32
    %dma_start3A_240 = tpu.memref_slice %arg14[%dma_start3A_233, %dma_start3A_239] : memref<2x80xf32, #tpu.memory_space<vmem>> -> memref<1x80xf32, #tpu.memory_space<vmem>>
    %dma_start3A_241 = tpu.memref_squeeze %dma_start3A_240 : memref<1x80xf32, #tpu.memory_space<vmem>> -> memref<80xf32, #tpu.memory_space<vmem>>
    tpu.enqueue_dma source(%dma_start3A_241 : memref<80xf32, #tpu.memory_space<vmem>>) target(%dma_start3A_238 : memref<80xf32, #tpu.memory_space<hbm>>) target_semaphore(%arg22 : memref<!tpu.dma_semaphore, #tpu.memory_space<semaphore_mem>>)
    %dma_wait3A_242 = arith.constant 0 : i32
    %dma_wait3A_243 = arith.constant 0 : i32
    %dma_wait3A_244 = tpu.memref_slice %arg14[%dma_wait3A_242, %dma_wait3A_243] : memref<2x80xf32, #tpu.memory_space<vmem>> -> memref<1x80xf32, #tpu.memory_space<vmem>>
    %dma_wait3A_245 = tpu.memref_squeeze %dma_wait3A_244 : memref<1x80xf32, #tpu.memory_space<vmem>> -> memref<80xf32, #tpu.memory_space<vmem>>
    %dma_wait3A_246 = arith.constant 0 : i32
    %dma_wait3A_247 = tpu.memref_slice %arg7[%dma_wait3A_246] : memref<320000xf32, #tpu.memory_space<hbm>> -> memref<80xf32, #tpu.memory_space<hbm>>
    %dma_wait3A_248 = arith.constant 0 : i32
    %dma_wait3A_249 = tpu.memref_slice %arg7[%dma_wait3A_248] : memref<320000xf32, #tpu.memory_space<hbm>> -> memref<80xf32, #tpu.memory_space<hbm>>
    %dma_wait3A_250 = arith.constant 0 : i32
    %dma_wait3A_251 = tpu.memref_slice %arg14[%dma_wait3A_242, %dma_wait3A_250] : memref<2x80xf32, #tpu.memory_space<vmem>> -> memref<1x80xf32, #tpu.memory_space<vmem>>
    %dma_wait3A_252 = tpu.memref_squeeze %dma_wait3A_251 : memref<1x80xf32, #tpu.memory_space<vmem>> -> memref<80xf32, #tpu.memory_space<vmem>>
    tpu.wait_dma2 semaphore(%arg22 : memref<!tpu.dma_semaphore, #tpu.memory_space<semaphore_mem>>) src(%dma_wait3A_252 : memref<80xf32, #tpu.memory_space<vmem>>) dst(%dma_wait3A_249 : memref<80xf32, #tpu.memory_space<hbm>>)
    %dma_wait3A_253 = arith.constant 1 : i32
    %dma_wait3A_254 = arith.constant 0 : i32
    %dma_wait3A_255 = tpu.memref_slice %arg14[%dma_wait3A_253, %dma_wait3A_254] : memref<2x80xf32, #tpu.memory_space<vmem>> -> memref<1x80xf32, #tpu.memory_space<vmem>>
    %dma_wait3A_256 = tpu.memref_squeeze %dma_wait3A_255 : memref<1x80xf32, #tpu.memory_space<vmem>> -> memref<80xf32, #tpu.memory_space<vmem>>
    %dma_wait3A_257 = arith.constant 0 : i32
    %dma_wait3A_258 = tpu.memref_slice %arg7[%dma_wait3A_257] : memref<320000xf32, #tpu.memory_space<hbm>> -> memref<80xf32, #tpu.memory_space<hbm>>
    %dma_wait3A_259 = arith.constant 0 : i32
    %dma_wait3A_260 = tpu.memref_slice %arg7[%dma_wait3A_259] : memref<320000xf32, #tpu.memory_space<hbm>> -> memref<80xf32, #tpu.memory_space<hbm>>
    %dma_wait3A_261 = arith.constant 0 : i32
    %dma_wait3A_262 = tpu.memref_slice %arg14[%dma_wait3A_253, %dma_wait3A_261] : memref<2x80xf32, #tpu.memory_space<vmem>> -> memref<1x80xf32, #tpu.memory_space<vmem>>
    %dma_wait3A_263 = tpu.memref_squeeze %dma_wait3A_262 : memref<1x80xf32, #tpu.memory_space<vmem>> -> memref<80xf32, #tpu.memory_space<vmem>>
    tpu.wait_dma2 semaphore(%arg23 : memref<!tpu.dma_semaphore, #tpu.memory_space<semaphore_mem>>) src(%dma_wait3A_263 : memref<80xf32, #tpu.memory_space<vmem>>) dst(%dma_wait3A_260 : memref<80xf32, #tpu.memory_space<hbm>>)
    return
  }
}

module attributes {stable_mosaic.version = 14 : i64} {
  func.func @body(%arg0: i32, %arg1: memref<2000x128xf32, #tpu.memory_space<vmem>>, %arg2: memref<128x128xf32, #tpu.memory_space<vmem>>, %arg3: memref<128x128xf32, #tpu.memory_space<vmem>>, %arg4: memref<1x128xf32, #tpu.memory_space<vmem>>, %arg5: memref<2000x64xi32, #tpu.memory_space<vmem>>, %arg6: memref<2000x64xi32, #tpu.memory_space<vmem>>) attributes {dimension_semantics = [#tpu.dimension_semantics<arbitrary>], iteration_bounds = array<i64: 5>, scalar_prefetch = 0 : i64, scratch_operands = 0 : i64, tpu.core_type = #tpu.core_type<tc>, window_params = [{transform_indices = @transform_0, window_bounds = array<i64: 2000, 128>}, {pipeline_mode = #tpu.pipeline_mode<synchronous>, transform_indices = @transform_1, window_bounds = array<i64: 128, 128>}, {pipeline_mode = #tpu.pipeline_mode<synchronous>, transform_indices = @transform_2, window_bounds = array<i64: 128, 128>}, {pipeline_mode = #tpu.pipeline_mode<synchronous>, transform_indices = @transform_3, window_bounds = array<i64: 1, 128>}, {transform_indices = @transform_4, window_bounds = array<i64: 2000, 64>}, {transform_indices = @transform_5, window_bounds = array<i64: 2000, 64>}]} {
    %get3A = arith.constant 0 : index
    %get3A_0 = arith.constant 0 : index
    %get3A_1 = vector.load %arg1[%get3A, %get3A_0] : memref<2000x128xf32, #tpu.memory_space<vmem>>, vector<2000x128xf32>
    %get3A_2 = arith.constant 0 : index
    %get3A_3 = arith.constant 0 : index
    %get3A_4 = vector.load %arg2[%get3A_2, %get3A_3] : memref<128x128xf32, #tpu.memory_space<vmem>>, vector<128x128xf32>
    %dot_general3A = arith.constant dense<0.000000e+00> : vector<2000x128xf32>
    %dot_general3A_5 = tpu.matmul %get3A_1, %get3A_4, %dot_general3A {dimension_numbers = #tpu.dot_dimension_numbers<[1], [0], [0], [1], [0, 0, 1, 1], [], []>, transpose_lhs_hint = false} : vector<2000x128xf32>, vector<128x128xf32>, vector<2000x128xf32> -> vector<2000x128xf32>
    %get3A_6 = arith.constant 0 : index
    %get3A_7 = arith.constant 0 : index
    %get3A_8 = vector.load %arg4[%get3A_6, %get3A_7] : memref<1x128xf32, #tpu.memory_space<vmem>>, vector<1x128xf32>
    %add3A = vector.broadcast %get3A_8 : vector<1x128xf32> to vector<2000x128xf32>
    %add3A_9 = arith.addf %dot_general3A_5, %add3A : vector<2000x128xf32>
    %convert_element_type3A = arith.truncf %add3A_9 : vector<2000x128xf32> to vector<2000x128xbf16>
    %slice3A = vector.extract_strided_slice %convert_element_type3A {offsets = [0, 0], sizes = [2000, 64], strides = [1, 1]} : vector<2000x128xbf16> to vector<2000x64xbf16>
    %bitcast_convert_type3A = tpu.bitcast %slice3A : vector<2000x64xbf16> -> vector<2000x64xi16>
    %slice3A_10 = vector.extract_strided_slice %convert_element_type3A {offsets = [0, 64], sizes = [2000, 64], strides = [1, 1]} : vector<2000x128xbf16> to vector<2000x64xbf16>
    %bitcast_convert_type3A_11 = tpu.bitcast %slice3A_10 : vector<2000x64xbf16> -> vector<2000x64xi16>
    %convert_element_type3A_12 = arith.extui %bitcast_convert_type3A : vector<2000x64xi16> to vector<2000x64xi32>
    %convert_element_type3A_13 = arith.extui %bitcast_convert_type3A_11 : vector<2000x64xi16> to vector<2000x64xi32>
    %shift_left3A = arith.constant 16 : i32
    %shift_left3A_14 = vector.broadcast %shift_left3A : i32 to vector<2000x64xi32>
    %shift_left3A_15 = arith.shli %convert_element_type3A_13, %shift_left3A_14 : vector<2000x64xi32>
    %or3A = arith.ori %convert_element_type3A_12, %shift_left3A_15 : vector<2000x64xi32>
    %swap3A = arith.constant 0 : index
    %swap3A_16 = arith.constant 0 : index
    %swap3A_17 = vector.load %arg5[%swap3A, %swap3A_16] : memref<2000x64xi32, #tpu.memory_space<vmem>>, vector<2000x64xi32>
    tpu.vector_store %arg5[%swap3A, %swap3A_16], %or3A {strides = array<i32>} : memref<2000x64xi32, #tpu.memory_space<vmem>>, vector<2000x64xi32>,
    %get3A_18 = arith.constant 0 : index
    %get3A_19 = arith.constant 0 : index
    %get3A_20 = vector.load %arg3[%get3A_18, %get3A_19] : memref<128x128xf32, #tpu.memory_space<vmem>>, vector<128x128xf32>
    %dot_general3A_21 = arith.constant dense<0.000000e+00> : vector<2000x128xf32>
    %dot_general3A_22 = tpu.matmul %get3A_1, %get3A_20, %dot_general3A_21 {dimension_numbers = #tpu.dot_dimension_numbers<[1], [0], [0], [1], [0, 0, 1, 1], [], []>, transpose_lhs_hint = false} : vector<2000x128xf32>, vector<128x128xf32>, vector<2000x128xf32> -> vector<2000x128xf32>
    %convert_element_type3A_23 = arith.truncf %dot_general3A_22 : vector<2000x128xf32> to vector<2000x128xbf16>
    %slice3A_24 = vector.extract_strided_slice %convert_element_type3A_23 {offsets = [0, 0], sizes = [2000, 64], strides = [1, 1]} : vector<2000x128xbf16> to vector<2000x64xbf16>
    %bitcast_convert_type3A_25 = tpu.bitcast %slice3A_24 : vector<2000x64xbf16> -> vector<2000x64xi16>
    %slice3A_26 = vector.extract_strided_slice %convert_element_type3A_23 {offsets = [0, 64], sizes = [2000, 64], strides = [1, 1]} : vector<2000x128xbf16> to vector<2000x64xbf16>
    %bitcast_convert_type3A_27 = tpu.bitcast %slice3A_26 : vector<2000x64xbf16> -> vector<2000x64xi16>
    %convert_element_type3A_28 = arith.extui %bitcast_convert_type3A_25 : vector<2000x64xi16> to vector<2000x64xi32>
    %convert_element_type3A_29 = arith.extui %bitcast_convert_type3A_27 : vector<2000x64xi16> to vector<2000x64xi32>
    %shift_left3A_30 = arith.constant 16 : i32
    %shift_left3A_31 = vector.broadcast %shift_left3A_30 : i32 to vector<2000x64xi32>
    %shift_left3A_32 = arith.shli %convert_element_type3A_29, %shift_left3A_31 : vector<2000x64xi32>
    %or3A_33 = arith.ori %convert_element_type3A_28, %shift_left3A_32 : vector<2000x64xi32>
    %swap3A_34 = arith.constant 0 : index
    %swap3A_35 = arith.constant 0 : index
    %swap3A_36 = vector.load %arg6[%swap3A_34, %swap3A_35] : memref<2000x64xi32, #tpu.memory_space<vmem>>, vector<2000x64xi32>
    tpu.vector_store %arg6[%swap3A_34, %swap3A_35], %or3A_33 {strides = array<i32>} : memref<2000x64xi32, #tpu.memory_space<vmem>>, vector<2000x64xi32>,
    return
  }
  func.func @transform_0(%arg0: i32) -> (i32, i32) {
    %c0_i32 = arith.constant 0 : i32
    %c0_i32_0 = arith.constant 0 : i32
    return %arg0, %c0_i32 : i32, i32
  }
  func.func @transform_1(%arg0: i32) -> (i32, i32) {
    %c0_i32 = arith.constant 0 : i32
    %c0_i32_0 = arith.constant 0 : i32
    %c0_i32_1 = arith.constant 0 : i32
    return %c0_i32, %c0_i32_0 : i32, i32
  }
  func.func @transform_2(%arg0: i32) -> (i32, i32) {
    %c0_i32 = arith.constant 0 : i32
    %c0_i32_0 = arith.constant 0 : i32
    %c0_i32_1 = arith.constant 0 : i32
    return %c0_i32, %c0_i32_0 : i32, i32
  }
  func.func @transform_3(%arg0: i32) -> (i32, i32) {
    %c0_i32 = arith.constant 0 : i32
    %c0_i32_0 = arith.constant 0 : i32
    %c0_i32_1 = arith.constant 0 : i32
    return %c0_i32, %c0_i32_0 : i32, i32
  }
  func.func @transform_4(%arg0: i32) -> (i32, i32) {
    %c0_i32 = arith.constant 0 : i32
    %c0_i32_0 = arith.constant 0 : i32
    return %arg0, %c0_i32 : i32, i32
  }
  func.func @transform_5(%arg0: i32) -> (i32, i32) {
    %c0_i32 = arith.constant 0 : i32
    %c0_i32_0 = arith.constant 0 : i32
    return %arg0, %c0_i32 : i32, i32
  }
}

</mosaic_0001>

<sc_bundles>
// kernel: kernel.4.cloned.1.call-start
scs
__scs_entry_jumppad:
0x0: {  	(pc) =	sbr.rel $0x88, $3  }
0x1: {  	(tag) =	ssettag $0x0;
	lr =	simm.s32 $0x1  }
0x2: {  	[smem:$0x3F9B] =	sst lr;
	_ =	strace $0xD0000000  }
0x3: {  	_ = 	snop  }
0x4: {  	_ = 	snop  }
0x5: {  	_ = 	snop  }
0x6: {  	_ = 	snop  }
0x7: {  	_ = 	snop  }
__scs_overlays_trampoline_lowered:
0x8: {  	[smem:$0x3FAA] =	sst s0  }
0x9: {  	[smem:$0x3FAB] =	sst s1  }
0xa: {  	[smem:$0x3FAC] =	sst s2  }
0xb: {  	[smem:$0x3FAD] =	sst s3  }
0xc: {  	[smem:$0x3FAE] =	sst s4  }
0xd: {  	[smem:$0x3FAF] =	sst s5  }
0xe: {  	[smem:$0x3FB0] =	sst s6  }
0xf: {  	[smem:$0x3FB1] =	sst s7  }
0x10: {  	[smem:$0x3FB2] =	sst s8  }
0x11: {  	[smem:$0x3FB3] =	sst s9;
	s0 =	simm.s32 @!p0 $0x0  }
0x12: {  	s1 =	sld [smem:$0x3F99];
	s0 =	simm.s32 @p0 $0x1  }
0x13: {  	[smem:$0x3FB4] =	sst s0;
	s0 =	simm.s32 @!p1 $0x0  }
0x14: {  	s2 =	sld [smem:$0x3F98];
	s0 =	simm.s32 @p1 $0x1  }
0x15: {  	[smem:$0x3FB5] =	sst s0;
	s0 =	simm.s32 @!p2 $0x0  }
0x16: {  	s3 =	sld [smem:$0x3FDB];
	s0 =	simm.s32 @p2 $0x1  }
0x17: {  	s4 =	simm.s32 $0x1BF5;
	[smem:$0x3FB7] =	sst s0  }
0x18: {  	s0 =	sld [smem:$0x3F9A];
	_ =	swait.ge [sflag:s4], $0x0  }
0x19: {  	s7 =	sld [smem:$0x3F9B]  }
0x1a: {  	s8 =	sadd.s32 $0xFFFFE003, lr  }
0x1b: {  	s9 =	sadd.s32 $0xFFFFFEF7, lr;
	s5 =	simm.s32 $0xFFFFFFFF;
	p2 =	slt.u32 s8, $0xFFFFF086  }
0x1c: {  	p1 =	slt.u32 s9, $0xF7A;
	s5 =	simm.s32 @!p2 $0x0  }
0x1d: {  	s5 =	simm.s32 @p1 $0x1;
	p0 =	seq.s32 s7, s2  }
0x1e: {  	s7 =	smul.u32 @!p0 $0xF7A, s2;
	p2 =	seq.s32 @!p0 s5, $0x0  }
0x1f: {  	s9 =	smul.u32 $0xF7A, s1;
	s8 =	simm.s32 @!p0 $0x1BF5;
	p2 =	por !p2, p0  }
0x20: {  	[sflag:s8] =	ssyncset.s32 @!p0 $0xFFFFF086;
	s6 =	sadd.s32 @!p0 s3, s7;
	s7 =	simm.s32 @!p0 $0x108  }
0x21: {  	s3 =	sadd.s32 s3, s9;
	s6 =	sadd.s32 @!p0 $0x88, s6;
	s7 =	simm.s32 @p2 $0x1082  }
0x22: {  	[simem:s7], [sflag:s8] =	dma.local @!p0 [hbm:s6], $0xF7A  }
0x23: {  	s9 =	sor.u32 $0xD0000000, s2;
	s6 =	simm.s32 $0x108;
	_ =	swait.ge @!p0 [sflag:s8], $0x0  }
0x24: {  	s3 =	sadd.s32 $0x88, s3;
	s6 =	simm.s32 @!p1 $0x1082;
	[sflag:s4] =	ssyncset.s32 $0xFFFFF086  }
0x25: {  	[simem:s6], [sflag:s4] =	dma.local [hbm:s3], $0xF7A  }
0x26: {  	[smem:$0x3F9B] =	sst s1;
	(tag) =	ssettag s2;
	_ =	strace s9  }
0x27: {  	s1 =	sld [smem:$0x3FAB]  }
0x28: {  	s2 =	sld [smem:$0x3FAC]  }
0x29: {  	s4 =	sld [smem:$0x3FAE]  }
0x2a: {  	p0 =	seq.s32 s5, $0x0;
	s5 =	sld [smem:$0x3FAF]  }
0x2b: {  	s6 =	sld [smem:$0x3FB0]  }
0x2c: {  	s7 =	sld [smem:$0x3FB1]  }
0x2d: {  	s3 =	simm.s32 $0x108;
	s8 =	sld [smem:$0x3FB2]  }
0x2e: {  	s3 =	simm.s32 @!p0 $0x1082;
	s9 =	sld [smem:$0x3FB3]  }
0x2f: {  	lr =	sadd.s32 s0, s3;
	s0 =	sld [smem:$0x3FAA]  }
0x30: {  	s3 =	sld [smem:$0x3FAD]  }
0x31: {  	[smem:$0x3FB6] =	sst s10  }
0x32: {  	s10 =	sld [smem:$0x3FB4];
	_ =	sdelay $0x3  }
0x33: {  	p0 =	seq.s32 s10, $0x1;
	s10 =	sld [smem:$0x3FB6];
	_ =	sdelay $0x3  }
0x34: {  	[smem:$0x3FB6] =	sst s10  }
0x35: {  	s10 =	sld [smem:$0x3FB5];
	_ =	sdelay $0x3  }
0x36: {  	p1 =	seq.s32 s10, $0x1;
	s10 =	sld [smem:$0x3FB6];
	_ =	sdelay $0x3  }
0x37: {  	[smem:$0x3FB6] =	sst s10  }
0x38: {  	s10 =	sld [smem:$0x3FB7]  }
0x39: {  	_ = 	snop;
	(pc) =	sbr.ind lr, $3  }
0x3a: {  	_ = 	snop  }
0x3b: {  	_ = 	snop  }
0x3c: {  	p2 =	seq.s32 s10, $0x1;
	s10 =	sld [smem:$0x3FB6]  }
0x3d: {  	_ =	shalt  }
0x3e: {  	_ =	shalt  }
0x3f: {  	_ =	shalt  }
0x40: {  	_ =	shalt  }
0x41: {  	_ =	shalt  }
0x42: {  	_ =	shalt  }
0x43: {  	_ =	shalt  }
0x44: {  	_ =	shalt  }
0x45: {  	_ =	shalt  }
0x46: {  	_ =	shalt  }
0x47: {  	_ =	shalt  }
0x48: {  	_ =	shalt  }
0x49: {  	_ =	shalt  }
0x4a: {  	_ =	shalt  }
0x4b: {  	_ =	shalt  }
0x4c: {  	_ =	shalt  }
0x4d: {  	_ =	shalt  }
0x4e: {  	_ =	shalt  }
0x4f: {  	_ =	shalt  }
0x50: {  	_ =	shalt  }
0x51: {  	_ =	shalt  }
0x52: {  	_ =	shalt  }
0x53: {  	_ =	shalt  }
0x54: {  	_ =	shalt  }
0x55: {  	_ =	shalt  }
0x56: {  	_ =	shalt  }
0x57: {  	_ =	shalt  }
0x58: {  	_ =	shalt  }
0x59: {  	_ =	shalt  }
0x5a: {  	_ =	shalt  }
0x5b: {  	_ =	shalt  }
0x5c: {  	_ =	shalt  }
0x5d: {  	_ =	shalt  }
0x5e: {  	_ =	shalt  }
0x5f: {  	_ =	shalt  }
0x60: {  	_ =	shalt  }
0x61: {  	_ =	shalt  }
0x62: {  	_ =	shalt  }
0x63: {  	_ =	shalt  }
0x64: {  	_ =	shalt  }
0x65: {  	_ =	shalt  }
0x66: {  	_ =	shalt  }
0x67: {  	_ =	shalt  }
0x68: {  	_ =	shalt  }
0x69: {  	_ =	shalt  }
0x6a: {  	_ =	shalt  }
0x6b: {  	_ =	shalt  }
0x6c: {  	_ =	shalt  }
0x6d: {  	_ =	shalt  }
0x6e: {  	_ =	shalt  }
0x6f: {  	_ =	shalt  }
0x70: {  	_ =	shalt  }
0x71: {  	_ =	shalt  }
0x72: {  	_ =	shalt  }
0x73: {  	_ =	shalt  }
0x74: {  	_ =	shalt  }
0x75: {  	_ =	shalt  }
0x76: {  	_ =	shalt  }
0x77: {  	_ =	shalt  }
0x78: {  	_ =	shalt  }
0x79: {  	_ =	shalt  }
0x7a: {  	_ =	shalt  }
0x7b: {  	_ =	shalt  }
0x7c: {  	_ =	shalt  }
0x7d: {  	_ =	shalt  }
0x7e: {  	_ =	shalt  }
0x7f: {  	_ =	shalt  }
0x80: {  	_ =	shalt  }
0x81: {  	_ =	shalt  }
0x82: {  	_ =	shalt  }
0x83: {  	_ =	shalt  }
0x84: {  	_ =	shalt  }
0x85: {  	_ =	shalt  }
0x86: {  	_ =	shalt  }
0x87: {  	_ =	shalt  }
.Lfunc_end0:
.L_simem_size_0:
called_computation_lowered:
.L_overlay_start_0:
0x88: {  	s2 =	sld [smem:$0x3FD9]  }
0x89: {  	s3 =	sld [smem:$0x3FFE];
	_ =	sdelay $0x1  }
0x8a: {  	s1 =	srdreg.scid  }
0x8b: {  	s0 =	sand.u32 $0x1, s1  }
0x8c: {  	s17 =	sshll.u32 s0, $0xA;
	s2 =	sadd.s32 s3, s2  }
0x8d: {  	s2 =	sadd.s32 s2, s17  }
0x8e: {  	[smem:$0x3FC2] =	sst s2  }
0x8f: {  	_ = 	snop  }
0x90: {  	s2 =	sld [smem:$0x3FD0];
	(tm) =	ssettm $0x1  }
0x91: {  	s18 =	sld [smem:$0x3FFB];
	_ =	sdelay $0x3  }
0x92: {  	_ =	strace s18  }
0x93: {  	s3 =	sld [smem:$0x3FFC];
	_ =	sdelay $0x3  }
0x94: {  	_ =	strace s3  }
0x95: {  	s3 =	sld [smem:$0x3FFD];
	_ =	sdelay $0x3  }
0x96: {  	_ =	strace s3  }
0x97: {  	_ =	strace $0x8FFFFFFF  }
0x98: {  	s19 =	sld [smem:$0x3FDB];
	_ =	sdelay $0x1  }
0x99: {  	s4 =	simm.s32 $_scs_section_size  }
0x9a: {  	s5 =	simm.s32 $_size__tile_overlayer_lowered;
	s6 =	simm.s32 $_tile_overlayer_lowered  }
0x9b: {  	s22 =	simm.s32 $0x1BFF;
	s21 =	sshll.u32 s6, $0x1;
	s3 =	sadd.s32 s4, s19  }
0x9c: {  	s7 =	simm.s32 $0x0;
	s20 =	sshll.u32 s5, $0x1;
	s5 =	sadd.s32 s21, s3  }
0x9d: {  	[timem:s7], [sflag:s22] =	dma.local [hbm:s5], s20  }
0x9e: {  	_ =	swait.ge [sflag:s22], s20  }
0x9f: {  	s4 =	ssub.s32 $0x0, s20;
	[sflag:s22] =	ssyncset.done $0x0  }
0xa0: {  	[sflag:s22] =	ssyncadd.s32 s4;
	_ =	sdelay $0x1  }
0xa1: {  	s23 =	simm.s32 $0x1B8B  }
0xa2: {  	_ =	swait.ge [sflag:s23], $0x1  }
0xa3: {  	[sflag:s23] =	ssyncset.done $0x0  }
0xa4: {  	s25 =	simm.s32 $0x1B8E;
	s24 =	sld [smem:$0x3FFE];
	[sflag:s23] =	ssyncadd.s32 $0xFFFFFFFF  }
0xa5: {  	s26 =	simm.s32 $execute0_lowered;
	[smem:$0x3FD2] =	sst s25  }
0xa6: {  	s5 =	sshll.u32 s26, $0x1;
	_ =	strace $0x80000046;
	[dreg:$0x1] =	wrdreg $0xFFFFFFFF  }
0xa7: {  	s28 =	simm.s32 $_size_execute0_lowered;
	s3 =	sadd.s32 s3, s5;
	[dreg:$0x0] =	wrdreg $0x0  }
0xa8: {  	s5 =	sshll.u32 s28, $0x1;
	[dreg:$0x2] =	wrdreg s3  }
0xa9: {  	[dreg:$0x3] =	wrdreg s5  }
0xaa: {  	[dreg:$0x4] =	wrdreg $0xC0  }
0xab: {  	_ =	task [dreg:s7], $0x5FFFF  }
0xac: {  	[dreg:$0x1] =	wrdreg $0xFFFFFFFF  }
0xad: {  	[dreg:$0x0] =	wrdreg $0x60  }
0xae: {  	[dreg:$0x2] =	wrdreg s24  }
0xaf: {  	[dreg:$0x3] =	wrdreg s2  }
0xb0: {  	[dreg:$0x4] =	wrdreg $0x9E200  }
0xb1: {  	[dreg:$0x5] =	wrdreg $0x13A600  }
0xb2: {  	[dreg:$0x6] =	wrdreg $0x9  }
0xb3: {  	_ =	task.clear_ibuf [dreg:s7], $0x7FFFF;
	_ =	strace $0x90000046  }
0xb4: {  	s29 =	simm.s32 $0x9;
	_ =	strace $0x80000048  }
0xb5: {  	_ =	swait.ge [sflag:s29], $0x1  }
0xb6: {  	[sflag:s29] =	ssyncadd.s32 $0xFFFFFFFF  }
0xb7: {  	_ =	strace $0x90000048  }
0xb8: {  	_ =	sfence  }
0xb9: {  	s30 =	sld [smem:$0x0];
	_ =	sdelay $0x2  }
0xba: {  	s31 =	sshll.u32 s1, $0xD;
	s1 =	sshrl.u32 s1, $0x2  }
0xbb: {  	s3 =	sand.u32 $0x4000, s31;
	s1 =	sadd.s32 s1, s30  }
0xbc: {  	s0 =	sor.u32 s3, s0;
	s1 =	sshll.u32 s1, $0x11  }
0xbd: {  	s0 =	sor.u32 s1, s0  }
0xbe: {  	s0 =	sadd.s32 $0x8F2B, s0  }
0xbf: {  	[sflag:s0] =	ssyncadd.remote.s32 $0x1  }
0xc0: {  	_ =	sfence.sel $0xFFFF  }
0xc1: {  	[dreg:$0x0] =	wrdreg $0xFFFFFFFF;
	(pc) =	sbr.abs _section_cstart, $3  }
0xc2: {  	[dreg:$0x1] =	wrdreg $0xFFFFFFFF  }
0xc3: {  	_ =	task.clear_ibuf [dreg:s7], $0x2FFFF;
	_ =	strace $0x9FFFFFFF  }
0xc4: {  	(tm) =	ssettm $0x7FFFFFFF  }
0xc5: {  	_ =	shalt  }
tec
execute0_lowered:
.L_overlay_start_1:
0x0: {  	(tag) =	ssettag $0x1  }
0x1: {  	s0 =	rddreg [dreg:$0x0]  }
0x2: {  	s1 =	rddreg [dreg:$0x1]  }
0x3: {  	s2 =	srdreg.scid;
	s3 =	rddreg [dreg:$0x2]  }
0x4: {  	s12 =	stileid.u32;
	s4 =	rddreg [dreg:$0x3]  }
0x5: {  	s18 =	simm.s32 $0x8;
	s28 =	simm.s32 $0x4;
	s29 =	simm.s32 $0x6220  }
0x6: {  	s30 =	simm.s32 $0x8A20;
	s31 =	simm.s32 $0x1D6A0;
	s16 =	simm.s32 $0x7  }
0x7: {  	s2 =	sand.u32 $0x1, s2;
	s5 =	sshll.u32 s12, $0x1;
	s10 =	smul.u32 $0x9C40, s12  }
0x8: {  	s11 =	sadd.s32 $0x3AE00, s0;
	s19 =	sadd.s32 $0x3B000, s0;
	s22 =	sshll.u32 s12, $0x6  }
0x9: {  	s6 =	sor.u32 s2, s5;
	s5 =	simm.s32 $0x0;
	s2 =	ssub.s32 $0x2, s2  }
0xa: {  	v0 =	vimm.s32 $0xFEDCBA98;
	s13 =	sor.u32 $0x1C08, s22;
	s22 =	simm.s32 $0x1;
	s6 =	smul.u32 $0x2710, s6  }
0xb: {  	v1 =	vimm.s32 $0x76543210;
	v2 =	vimm.s32 $0x3210FEDC;
	[smem:$0x7FF] =	sst s5;
	s9 =	sshrl.u32 s2, $0x1;
	s21 =	sshrl.u32 s10, $0x3  }
0xc: {  	v3 =	vimm.s32 $0xBA987654;
	v4 =	vimm.s32 $0x10FEDCBA;
	s24 =	sadd.s32 s10, s3;
	_ =	strace $0x80000047;
	[dreg:$0x5] =	wrdreg s11  }
0xd: {  	v5 =	vimm.s32 $0x98765432;
	v6 =	vimm.s32 $0xFEDCBA9;
	v7 =	vimm.s32 $0x87654321;
	s25 =	sadd.s32 s10, s4;
	[dreg:$0x6] =	wrdreg s19;
	s2 =	ssub.s32 s2, s9  }
0xe: {  	v0 =	vunpack.c.l.s4.s8 v0;
	v1 =	vunpack.c.l.s4.s8 v1;
	v2 =	vunpack.c.l.s4.s8 v2;
	s11 =	sadd.s32 s0, s21;
	s26 =	sshrl.u32 s25, $0x3;
	s25 =	simm.s32 $0x7620  }
0xf: {  	v3 =	vunpack.c.l.s4.s8 v3;
	v4 =	vunpack.c.l.s4.s8 v4;
	v5 =	vunpack.c.l.s4.s8 v5;
	s21 =	simm.s32 $0x6;
	s7 =	sshrl.u32 s6, $0x3;
	s2 =	smax.u32 s2, $0x1  }
0x10: {  	v6 =	vunpack.c.l.s4.s8 v6;
	v7 =	vunpack.c.l.s4.s8 v7;
	v0 =	vunpack.c.0.s8.s32 v0;
	[dreg:$0xd] =	wrdreg s26;
	s26 =	simm.s32 $0x2;
	s8 =	sadd.s32 s7, s0  }
0x11: {  	v2 =	vunpack.c.0.s8.s32 v2;
	v3 =	vunpack.c.0.s8.s32 v3;
	v4 =	vunpack.c.0.s8.s32 v4;
	s7 =	sadd.s32 s1, s7;
	[dreg:$0xb] =	wrdreg s2;
	s0 =	sshrl.u32 s24, $0x3  }
0x12: {  	v5 =	vunpack.c.0.s8.s32 v5;
	v6 =	vunpack.c.0.s8.s32 v6;
	v7 =	vunpack.c.0.s8.s32 v7;
	s24 =	simm.s32 $0x4E20;
	s20 =	sadd.s32 $0x27400, s8;
	[dreg:$0xc] =	wrdreg s0  }
0x13: {  	v1 =	vunpack.c.0.s8.s32 v1;
	v2 =	vcombine.low v3, v2;
	s2 =	simm.s32 $0x3;
	s8 =	sadd.s32 $0x31040, s8;
	[dreg:$0x7] =	wrdreg s20  }
0x14: {  	v3 =	vcombine.low v5, v4;
	v4 =	vand.u32 $0xF, v0;
	v5 =	vcombine.low v7, v6;
	s23 =	sadd.s32 $0x4D8, s7;
	s0 =	simm.s32 $0x5;
	[dreg:$0x8] =	wrdreg s8  }
0x15: {  	vm0 =	vcmask $0x3F3C;
	v0 =	vimm.bf16 $0.0e+00;
	v1 =	vcombine.low v4, v1;
	s7 =	simm.s32 $0x0;
	s8 =	sadd.s32 $0x13A00, s11;
	[dreg:$0xa] =	wrdreg s23  }
0x16: {  	v2 =	vand.u32 $0xF, v2;
	v3 =	vand.u32 $0xF, v3;
	v4 =	vand.u32 $0xF, v5;
	s23 =	simm.s32 $0x50;
	s20 =	simm.s32 $0x1D6F0;
	[dreg:$0x9] =	wrdreg s8  }
.LBB2_1:
0x17: {  	s8 =	rddreg [dreg:$0x7]  }
0x18: {  	s17 =	rddreg [dreg:$0x8]  }
0x19: {  	s19 =	rddreg [dreg:$0x9]  }
0x1a: {  	[tilespmem:s5], [sflag:$0x1] =	stream.linear.gather [hbm4b:s8+s5], $0x2710, $0x38;
	[tilespmem:$0x1D790] =	vst v63  }
0x1b: {  	s9 =	simm.s32 $0x2710;
	s10 =	rddreg [dreg:$0xc]  }
0x1c: {  	[tilespmem:s9], [sflag:$0x1] =	stream.linear.gather [hbm4b:s17+s5], $0x2710, $0x38;
	[tilespmem:$0x1D790] =	vst v63  }
0x1d: {  	[spmem:s10], [sflag:s13] =	dma.local [hbm:s19], $0x1388  }
0x1e: {  	_ =	swait.ge [sflag:s18], $0x1388  }
0x1f: {  	[sflag:s18] =	ssyncset.done $0x0  }
0x20: {  	s12 =	rddreg [dreg:$0xd];
	[sflag:s18] =	ssyncadd.s32 $0xFFFFEC78  }
0x21: {  	[spmem:s12], [sflag:s13] =	dma.local [hbm:s11], $0x1388  }
0x22: {  	_ =	swait.ge [sflag:s18], $0x1388  }
0x23: {  	[sflag:s18] =	ssyncset.done $0x0  }
0x24: {  	s15 =	simm.s32 $0x1D740;
	s14 =	rddreg [dreg:$0x5];
	[sflag:s18] =	ssyncadd.s32 $0xFFFFEC78  }
0x25: {  	[tilespmem:s15], [sflag:$0x8] =	stream.linear.gather [hbm4b:s14+s5], $0x40, $0x38;
	[tilespmem:$0x1D790] =	vst v63  }
0x26: {  	_ =	swait.ge [sflag:s18], $0x40  }
0x27: {  	[sflag:s18] =	ssyncset.done $0x0  }
0x28: {  	s19 =	simm.s32 $0x1D780;
	s17 =	rddreg [dreg:$0x6];
	[sflag:s18] =	ssyncadd.s32 $0xFFFFFFC0  }
0x29: {  	[tilespmem:s19], [sflag:$0x8] =	stream.linear.gather [hbm4b:s17+s5], $0x10, $0x38;
	[tilespmem:$0x1D790] =	vst v63  }
0x2a: {  	_ =	swait.ge [sflag:s18], $0x10  }
0x2b: {  	[sflag:s18] =	ssyncset.done $0x0  }
0x2c: {  	[sflag:s18] =	ssyncadd.s32 $0xFFFFFFF0  }
0x2d: {  	_ =	swait.ge [sflag:s22], $0x2710  }
0x2e: {  	[sflag:s22] =	ssyncset.done $0x0  }
0x2f: {  	[sflag:s22] =	ssyncadd.s32 $0xFFFFD8F0  }
0x30: {  	_ =	swait.ge [sflag:s22], $0x2710  }
0x31: {  	[sflag:s22] =	ssyncset.done $0x0  }
0x32: {  	[sflag:s22] =	ssyncadd.s32 $0xFFFFD8F0  }
0x33: {  	[bflag:$0x0] =	sbarrier.arrive $0xFFFF  }
0x34: {  	v5 =	vld [tilespmem:$0x1D780]  }
0x35: {  	v6 =	vld [tilespmem:$0x1D740]  }
0x36: {  	v9 =	vld [tilespmem:$0x1D750]  }
0x37: {  	v7 =	vld [tilespmem:$0x1D760]  }
0x38: {  	v8 =	vld [tilespmem:$0x1D770];
	[tilespmem:s24], [sflag:$0x2] =	stream.indirect.gather [spmem:s3], $0x40, s5, s23, $0xb8  }
0x39: {  	s8 =	simm.s32 $0x0  }
0x3a: {  	[tilespmem:s25], [sflag:$0x4] =	stream.indirect.gather [spmem:s4], $0x40, s9, s23, $0xb8;
	[tilespmem:$0x1D790] =	vst v63  }
.LBB2_2:
0x3b: {  	_ =	swait.ge [sflag:s26], $0x1400  }
0x3c: {  	[sflag:s26] =	ssyncset.done $0x0  }
0x3d: {  	[sflag:s26] =	ssyncadd.s32 $0xFFFFEC00  }
0x3e: {  	s10 =	smul.u32 $0xA0, s8;
	_ =	swait.ge [sflag:s28], $0x1400  }
0x3f: {  	[sflag:s28] =	ssyncset.done $0x0  }
0x40: {  	s9 =	sadd.s32 $0x50, s10;
	[sflag:s28] =	ssyncadd.s32 $0xFFFFEC00  }
0x41: {  	[tilespmem:s29], [sflag:$0x3] =	stream.indirect.gather [spmem:s3], $0x40, s9, s23, $0xb8;
	[tilespmem:$0x1D790] =	vst v63  }
0x42: {  	p0 =	seq.s32 s8, $0x0;
	s12 =	sadd.s32 $0x2760, s10  }
0x43: {  	[tilespmem:s30], [sflag:$0x5] =	stream.indirect.gather [spmem:s4], $0x40, s12, s23, $0xb8;
	[tilespmem:$0x1D790] =	vst v63  }
0x44: {  	s12 =	simm.s32 @!p0 $0x6  }
0x45: {  	_ =	swait.ge @!p0 [sflag:s12], $0x50  }
0x46: {  	[sflag:s12] =	ssyncset.done @!p0 $0x0  }
0x47: {  	s15 =	simm.s32 $0x4EA0;
	[sflag:s12] =	ssyncadd.s32 @!p0 $0xFFFFFFB0  }
0x48: {  	s14 =	simm.s32 $0x76A0;
	v10 =	vld [tilespmem:s15+$0x40]  }
0x49: {  	v11 =	vld [tilespmem:s14+$0x40]  }
0x4a: {  	v12 =	vld [tilespmem:s15+$0x50]  }
0x4b: {  	v13 =	vld [tilespmem:s14+$0x50]  }
0x4c: {  	v14 =	vld [tilespmem:s15+$0x60]  }
0x4d: {  	v15 =	vld [tilespmem:s14+$0x60]  }
0x4e: {  	v16 =	vld [tilespmem:s15+$0x70]  }
0x4f: {  	v17 =	vld [tilespmem:s14+$0x70]  }
0x50: {  	v19 =	vld [tilespmem:s15+$0xFFFFFF90]  }
0x51: {  	v20 =	vld [tilespmem:s14+$0xFFFFFF90]  }
0x52: {  	v21 =	vld [tilespmem:s15+$0xFFFFFFC0]  }
0x53: {  	v22 =	vld [tilespmem:s14+$0xFFFFFFC0];
	v10 =	vadd.bf16 v11, v10  }
0x54: {  	v23 =	vld [tilespmem:s15+$0xFFFFFFD0];
	v12 =	vadd.bf16 v13, v12;
	v13 =	vadd.bf16 v15, v14  }
0x55: {  	v25 =	vld [tilespmem:s14+$0xFFFFFFF0];
	v15 =	vadd.bf16 v17, v16  }
0x56: {  	v11 =	vld [tilespmem:s15+$0xFFFFFFA0];
	v10 =	vmax.bf16 v10, v0;
	v12 =	vmax.bf16 v12, v0;
	v13 =	vmax.bf16 v13, v0  }
0x57: {  	v14 =	vld [tilespmem:s14+$0xFFFFFFA0];
	v15 =	vmax.bf16 v15, v0;
	v10 =	vmul.bf16 v10, v6;
	v12 =	vmul.bf16 v12, v9  }
0x58: {  	v16 =	vld [tilespmem:s15+$0xFFFFFFB0];
	v13 =	vmul.bf16 v13, v7;
	v15 =	vmul.bf16 v15, v8  }
0x59: {  	v17 =	vld [tilespmem:s14+$0xFFFFFFB0];
	v19 =	vadd.bf16 v20, v19  }
0x5a: {  	v20 =	vld [tilespmem:s15+$0xFFFFFFF0];
	v10 =	vadd.bf16 v12, v10;
	v12 =	vadd.bf16 v15, v13  }
0x5b: {  	v13 =	vld [tilespmem:s14+$0xFFFFFFD0]  }
0x5c: {  	v15 =	vld [tilespmem:s15+$0xFFFFFFE0];
	v10 =	vadd.bf16 v12, v10  }
0x5d: {  	v12 =	vld [tilespmem:s14+$0xFFFFFFE0]  }
0x5e: {  	v18 =	vld [tilespmem:s14+$0xFFFFFF80];
	v21 =	vadd.bf16 v22, v21;
	v24 =	vshll.u32 v10, $0x10;
	v10 =	vand.u32 $0xFFFF0000, v10  }
0x5f: {  	v22 =	vld [tilespmem:s15+$0x0];
	v11 =	vadd.bf16 v14, v11;
	v10 =	vadd.f32 v10, v24  }
0x60: {  	v19 =	vmax.bf16 v19, v0;
	v14 =	vld [tilespmem:s14+$0x0];
	v16 =	vadd.bf16 v17, v16;
	v13 =	vadd.bf16 v13, v23  }
0x61: {  	v17 =	vmax.bf16 v21, v0;
	v20 =	vadd.bf16 v25, v20;
	v25 =	vld [tilespmem:s15+$0x30];
	v21 =	vperm.xlane v10, v1  }
0x62: {  	v17 =	vmul.bf16 v17, v6;
	v23 =	vld [tilespmem:s15+$0x10];
	v13 =	vmax.bf16 v13, v0;
	v12 =	vadd.bf16 v12, v15  }
0x63: {  	v20 =	vmax.bf16 v20, v0;
	v15 =	vld [tilespmem:s14+$0x10];
	v13 =	vmul.bf16 v13, v9;
	v10 =	vadd.f32 v10, v21  }
0x64: {  	v11 =	vmax.bf16 v11, v0;
	v20 =	vmul.bf16 v20, v8;
	v24 =	vld [tilespmem:s14+$0x20];
	v12 =	vmax.bf16 v12, v0  }
0x65: {  	v21 =	vld [tilespmem:s15+$0x20];
	v13 =	vadd.bf16 v13, v17;
	v12 =	vmul.bf16 v12, v7;
	v17 =	vperm.xlane v10, v2  }
0x66: {  	v16 =	vmax.bf16 v16, v0;
	v11 =	vmul.bf16 v11, v7;
	v14 =	vadd.bf16 v14, v22;
	v22 =	vld [tilespmem:s14+$0x30]  }
0x67: {  	v16 =	vmul.bf16 v16, v8;
	v12 =	vadd.bf16 v20, v12;
	v10 =	vadd.f32 v10, v17;
	v17 =	vld [tilespmem:s15+$0xFFFFFF80]  }
0x68: {  	v19 =	vmul.bf16 v19, v9;
	v14 =	vmax.bf16 v14, v0;
	v15 =	vadd.bf16 v15, v23  }
0x69: {  	v11 =	vadd.bf16 v16, v11;
	v14 =	vmul.bf16 v14, v6;
	v12 =	vadd.bf16 v12, v13  }
0x6a: {  	v15 =	vmax.bf16 v15, v0;
	v20 =	vadd.bf16 v24, v21;
	v16 =	vperm.xlane v10, v3  }
0x6b: {  	v13 =	vmul.bf16 v15, v9;
	v15 =	vadd.bf16 v22, v25;
	v21 =	vshll.u32 v12, $0x10  }
0x6c: {  	v10 =	vadd.f32 v10, v16;
	v16 =	vmax.bf16 v20, v0;
	v17 =	vadd.bf16 v18, v17  }
0x6d: {  	s15 =	simm.s32 $0x77A0;
	v12 =	vand.u32 $0xFFFF0000, v12;
	v18 =	vmul.bf16 v16, v7;
	v16 =	vmax.bf16 v15, v0  }
0x6e: {  	s14 =	simm.s32 $0x4FA0;
	v25 =	vadd.f32 v12, v21;
	v21 =	vld [tilespmem:s15+$0x60];
	v22 =	vmul.bf16 v16, v8;
	v17 =	vmax.bf16 v17, v0  }
0x6f: {  	s17 =	simm.s32 $0x3;
	s19 =	simm.s32 $0x0;
	v13 =	vadd.bf16 v13, v14;
	v15 =	vld [tilespmem:s14+$0x40];
	v20 =	vperm.xlane v10, v4;
	v14 =	vmul.bf16 v17, v6  }
0x70: {  	v23 =	vmov s17;
	v24 =	vmov s19;
	v16 =	vld [tilespmem:s15+$0x40];
	v12 =	vadd.bf16 v22, v18  }
0x71: {  	s17 =	simm.s32 $0x1;
	v17 =	vld [tilespmem:s14+$0x50];
	v26 =	vadd.f32 v10, v20;
	v10 =	vadd.bf16 v19, v14;
	v19 =	vand.u32 $0xFFFFFFFC, v24  }
0x72: {  	s19 =	simm.s32 $0x2;
	v18 =	vld [tilespmem:s15+$0x50];
	v24 =	vperm.xlane v25, v1;
	v14 =	vmov s17;
	v13 =	vadd.bf16 v12, v13  }
0x73: {  	v20 =	vld [tilespmem:s14+$0x60];
	v12 =	vmov s19;
	v27 =	vadd.bf16 v11, v10;
	v10 =	vbroadcast v19, $0x0  }
0x74: {  	v22 =	vld [tilespmem:s14+$0x70];
	v11 =	vadd.f32 v25, v24;
	v19 =	vshll.u32 v13, $0x10;
	v13 =	vand.u32 $0xFFFF0000, v13  }
0x75: {  	s12 =	simm.s32 $0x4;
	[tilespmem:v23+s31+$0x0] =	vst.idx.msk vm0, v26;
	v23 =	vld [tilespmem:s15+$0x70];
	s17 =	simm.s32 $0x8;
	v19 =	vadd.f32 v13, v19;
	v24 =	vshll.u32 v27, $0x10;
	v25 =	vand.u32 $0xFFFF0000, v27  }
.LBB2_3:
0x76: {  	p1 =	slt.u32 s17, $0x4C;
	v13 =	vld [tilespmem:s15+$0xFFFFFF80];
	v24 =	vadd.f32 v25, v24;
	v25 =	vperm.xlane v11, v2;
	v14 =	vand.u32 $0xFFFFFFFD, v14  }
0x77: {  	v12 =	vand.u32 $0xFFFFFFFE, v12;
	v26 =	vld [tilespmem:s14+$0xFFFFFF90];
	v14 =	vbroadcast v14, $0x0;
	v27 =	vperm.xlane v19, v1  }
0x78: {  	v15 =	vadd.bf16 v16, v15;
	v28 =	vld [tilespmem:s15+$0xFFFFFF90];
	v16 =	vperm.xlane v24, v1;
	v25 =	vadd.f32 v11, v25  }
0x79: {  	v17 =	vadd.bf16 v18, v17;
	v18 =	vadd.bf16 v21, v20;
	v11 =	vbroadcast v12, $0x0;
	v29 =	vld [tilespmem:s14+$0xFFFFFFA0]  }
0x7a: {  	v12 =	vld [tilespmem:s15+$0xFFFFFFA0];
	v20 =	vadd.bf16 v23, v22;
	v16 =	vadd.f32 v24, v16;
	v21 =	vperm.xlane v25, v3  }
0x7b: {  	v15 =	vmax.bf16 v15, v0;
	v17 =	vmax.bf16 v17, v0;
	v18 =	vmax.bf16 v18, v0;
	v22 =	vld [tilespmem:s14+$0xFFFFFFB0]  }
0x7c: {  	v15 =	vmul.bf16 v15, v6;
	v17 =	vmul.bf16 v17, v9;
	v23 =	vld [tilespmem:s15+$0xFFFFFFB0];
	v20 =	vmax.bf16 v20, v0  }
0x7d: {  	v18 =	vmul.bf16 v18, v7;
	v24 =	vadd.bf16 v28, v26;
	v26 =	vld [tilespmem:s14+$0xFFFFFFC0];
	v20 =	vmul.bf16 v20, v8  }
0x7e: {  	v19 =	vadd.f32 v19, v27;
	v30 =	vperm.xlane v16, v2;
	v21 =	vadd.f32 v25, v21;
	v28 =	vld [tilespmem:s15+$0xFFFFFFC0]  }
0x7f: {  	v15 =	vadd.bf16 v17, v15;
	v24 =	vmax.bf16 v24, v0;
	v25 =	vld [tilespmem:s14+$0xFFFFFFD0];
	v17 =	vadd.bf16 v20, v18  }
0x80: {  	v12 =	vadd.bf16 v12, v29;
	v20 =	vmul.bf16 v24, v9;
	v18 =	vld [tilespmem:s15+$0xFFFFFFD0];
	v24 =	vperm.xlane v19, v2  }
0x81: {  	v22 =	vadd.bf16 v23, v22;
	v23 =	vld [tilespmem:s14+$0xFFFFFFE0];
	v15 =	vadd.bf16 v17, v15;
	v17 =	vperm.xlane v21, v4  }
0x82: {  	v16 =	vadd.f32 v16, v30;
	v12 =	vmax.bf16 v12, v0;
	v27 =	vld [tilespmem:s15+$0xFFFFFFE0];
	v19 =	vadd.f32 v19, v24  }
0x83: {  	v24 =	vadd.bf16 v28, v26;
	v26 =	vld [tilespmem:s14+$0xFFFFFFF0];
	v28 =	vshll.u32 v15, $0x10;
	v15 =	vand.u32 $0xFFFF0000, v15  }
0x84: {  	v12 =	vmul.bf16 v12, v7;
	v22 =	vmax.bf16 v22, v0;
	v29 =	vld [tilespmem:s15+$0xFFFFFFF0];
	v15 =	vadd.f32 v15, v28  }
0x85: {  	v22 =	vmul.bf16 v22, v8;
	v24 =	vmax.bf16 v24, v0;
	v18 =	vadd.bf16 v18, v25;
	v25 =	vld [tilespmem:s14+$0x0]  }
0x86: {  	v17 =	vadd.f32 v21, v17;
	v24 =	vmul.bf16 v24, v6;
	v28 =	vld [tilespmem:s15+$0x0];
	v30 =	vperm.xlane v15, v1  }
0x87: {  	v12 =	vadd.bf16 v22, v12;
	v18 =	vmax.bf16 v18, v0;
	v21 =	vadd.bf16 v27, v23;
	v22 =	vld [tilespmem:s14+$0x10]  }
0x88: {  	v27 =	vperm.xlane v16, v3;
	v18 =	vmul.bf16 v18, v9;
	v23 =	vld [tilespmem:s15+$0x10];
	v15 =	vadd.f32 v15, v30  }
0x89: {  	v30 =	vperm.xlane v19, v3;
	v21 =	vmax.bf16 v21, v0;
	v26 =	vadd.bf16 v29, v26;
	v29 =	vld [tilespmem:s14+$0x20]  }
0x8a: {  	v21 =	vmul.bf16 v21, v7;
	v18 =	vadd.bf16 v18, v24;
	v24 =	vld [tilespmem:s15+$0x20];
	v31 =	vperm.xlane v15, v2  }
0x8b: {  	v27 =	vadd.f32 v16, v27;
	v26 =	vmax.bf16 v26, v0;
	v25 =	vadd.bf16 v28, v25;
	v28 =	vld [tilespmem:s14+$0x30]  }
0x8c: {  	v19 =	vadd.f32 v19, v30;
	v16 =	vmul.bf16 v26, v8;
	v26 =	vld [tilespmem:s15+$0x30];
	v15 =	vadd.f32 v15, v31  }
0x8d: {  	v30 =	vld [tilespmem:s14+$0xFFFFFF80];
	v25 =	vmax.bf16 v25, v0;
	v22 =	vadd.bf16 v23, v22;
	v23 =	vperm.xlane v27, v4  }
0x8e: {  	v16 =	vadd.bf16 v16, v21;
	v21 =	vmul.bf16 v25, v6;
	v25 =	vperm.xlane v15, v3  }
0x8f: {  	v22 =	vmax.bf16 v22, v0;
	v24 =	vadd.bf16 v24, v29;
	v29 =	vperm.xlane v19, v4  }
0x90: {  	s19 =	sadd.s32 $0x3, s12;
	v18 =	vadd.bf16 v16, v18;
	v16 =	vmul.bf16 v22, v9;
	v22 =	vadd.f32 v15, v25  }
0x91: {  	v25 =	vmov s19;
	v15 =	vmax.bf16 v24, v0;
	v24 =	vadd.bf16 v26, v28;
	[tilespmem:v14+s31+$0x0] =	vst.idx.msk vm0, v17  }
0x92: {  	v13 =	vadd.bf16 v13, v30;
	v14 =	vmul.bf16 v15, v7;
	v17 =	vperm.xlane v22, v4  }
0x93: {  	s14 =	sadd.s32 $0x100, s14;
	v26 =	vshll.u32 v18, $0x10;
	v21 =	vadd.bf16 v16, v21;
	v24 =	vmax.bf16 v24, v0  }
0x94: {  	s15 =	sadd.s32 $0x100, s15;
	v15 =	vld [tilespmem:s14+$0x40];
	v13 =	vmax.bf16 v13, v0;
	v24 =	vmul.bf16 v24, v8;
	v22 =	vadd.f32 v22, v17  }
0x95: {  	v23 =	vadd.f32 v27, v23;
	v18 =	vand.u32 $0xFFFF0000, v18;
	v16 =	vld [tilespmem:s15+$0x40];
	v13 =	vmul.bf16 v13, v6  }
0x96: {  	v27 =	vmov s12;
	v26 =	vadd.f32 v18, v26;
	v17 =	vld [tilespmem:s14+$0x50];
	v24 =	vadd.bf16 v24, v14;
	[tilespmem:v25+s31+$0x0] =	vst.idx.msk vm0, v22  }
.Ltmp0:
0x97: {  	s19 =	sadd.s32 $0x1, s12;
	v19 =	vadd.f32 v19, v29;
	v22 =	vand.u32 $0xFFFFFFFC, v27;
	v18 =	vld [tilespmem:s15+$0x50];
	v13 =	vadd.bf16 v20, v13;
	[tilespmem:v10+s31+$0x0] =	vst.idx.msk vm0, v23;
	(pc) =	sbr.rel @p1 .LBB2_3-.Ltmp0, $4  }
0x98: {  	v14 =	vmov s19;
	s19 =	sadd.s32 $0x2, s12;
	s12 =	smov.u32 s17;
	v23 =	vperm.xlane v26, v1;
	v20 =	vld [tilespmem:s14+$0x60];
	v24 =	vadd.bf16 v24, v21  }
0x99: {  	v10 =	vbroadcast v22, $0x0;
	v21 =	vld [tilespmem:s15+$0x60];
	v13 =	vadd.bf16 v12, v13;
	v12 =	vmov s19;
	[tilespmem:v11+s31+$0x0] =	vst.idx.msk vm0, v19  }
0x9a: {  	v11 =	vadd.f32 v26, v23;
	v22 =	vld [tilespmem:s14+$0x70];
	v19 =	vshll.u32 v24, $0x10;
	v26 =	vand.u32 $0xFFFF0000, v24  }
0x9b: {  	s17 =	sadd.s32 $0x4, s17;
	v23 =	vld [tilespmem:s15+$0x70];
	v24 =	vshll.u32 v13, $0x10;
	v25 =	vand.u32 $0xFFFF0000, v13;
	v19 =	vadd.f32 v26, v19  }
0x9c: {  	v13 =	vld [tilespmem:s15+$0xFFFFFF80]  }
0x9d: {  	v26 =	vld [tilespmem:s14+$0xFFFFFF90]  }
0x9e: {  	v27 =	vld [tilespmem:s15+$0xFFFFFF90]  }
0x9f: {  	v28 =	vld [tilespmem:s14+$0xFFFFFFA0]  }
0xa0: {  	v29 =	vld [tilespmem:s15+$0xFFFFFFA0]  }
0xa1: {  	v30 =	vld [tilespmem:s14+$0xFFFFFFB0]  }
0xa2: {  	v24 =	vadd.f32 v25, v24;
	v25 =	vperm.xlane v11, v2;
	v15 =	vadd.bf16 v16, v15;
	v16 =	vld [tilespmem:s15+$0xFFFFFFB0]  }
0xa3: {  	v17 =	vadd.bf16 v18, v17;
	v32 =	vld [tilespmem:s15+$0xFFFFFFD0];
	v14 =	vand.u32 $0xFFFFFFFD, v14;
	v12 =	vand.u32 $0xFFFFFFFE, v12  }
0xa4: {  	v55 =	vld [tilespmem:s15+$0xFFFFFFE0];
	v31 =	vperm.xlane v19, v1;
	v18 =	vadd.bf16 v21, v20;
	v21 =	vperm.xlane v24, v1  }
0xa5: {  	v57 =	vld [tilespmem:s15+$0xFFFFFFF0];
	v15 =	vmax.bf16 v15, v0;
	v17 =	vmax.bf16 v17, v0;
	v22 =	vadd.bf16 v23, v22  }
0xa6: {  	v63 =	vld [tilespmem:s14+$0xFFFFFF80];
	v11 =	vadd.f32 v11, v25;
	v15 =	vmul.bf16 v15, v6;
	v17 =	vmul.bf16 v17, v9  }
0xa7: {  	v20 =	vld [tilespmem:s14+$0xFFFFFFC0];
	v19 =	vadd.f32 v19, v31;
	v18 =	vmax.bf16 v18, v0;
	v22 =	vmax.bf16 v22, v0  }
0xa8: {  	v23 =	vld [tilespmem:s15+$0xFFFFFFC0];
	v21 =	vadd.f32 v24, v21;
	v18 =	vmul.bf16 v18, v7;
	v22 =	vmul.bf16 v22, v8  }
0xa9: {  	v59 =	vld [tilespmem:s14+$0x10];
	v26 =	vadd.bf16 v27, v26;
	v27 =	vperm.xlane v11, v3;
	v15 =	vadd.bf16 v17, v15  }
0xaa: {  	v60 =	vld [tilespmem:s14+$0x20];
	v14 =	vbroadcast v14, $0x0;
	v16 =	vadd.bf16 v16, v30;
	v18 =	vadd.bf16 v22, v18  }
0xab: {  	v25 =	vld [tilespmem:s14+$0xFFFFFFD0];
	v13 =	vadd.bf16 v13, v63;
	v17 =	vperm.xlane v21, v2;
	v11 =	vadd.f32 v11, v27  }
0xac: {  	v24 =	vld [tilespmem:s14+$0xFFFFFFE0];
	v27 =	vadd.bf16 v29, v28;
	v16 =	vmax.bf16 v16, v0;
	v15 =	vadd.bf16 v18, v15  }
0xad: {  	v26 =	vmax.bf16 v26, v0;
	v17 =	vadd.f32 v21, v17;
	v22 =	vld [tilespmem:s14+$0xFFFFFFF0];
	v20 =	vadd.bf16 v23, v20  }
0xae: {  	v61 =	vld [tilespmem:s15+$0x20];
	v27 =	vmax.bf16 v27, v0;
	v23 =	vshll.u32 v15, $0x10;
	v15 =	vand.u32 $0xFFFF0000, v15  }
0xaf: {  	v21 =	vld [tilespmem:s15+$0x0];
	v16 =	vmul.bf16 v16, v8;
	v27 =	vmul.bf16 v27, v7;
	v15 =	vadd.f32 v15, v23  }
0xb0: {  	v25 =	vadd.bf16 v32, v25;
	v13 =	vmax.bf16 v13, v0;
	v26 =	vmul.bf16 v26, v9;
	v18 =	vld [tilespmem:s14+$0x0]  }
0xb1: {  	v13 =	vmul.bf16 v13, v6;
	v16 =	vadd.bf16 v16, v27;
	v23 =	vld [tilespmem:s15+$0x10];
	v27 =	vperm.xlane v15, v1  }
0xb2: {  	v62 =	vld [tilespmem:s14+$0x30];
	v24 =	vadd.bf16 v55, v24;
	v25 =	vmax.bf16 v25, v0;
	v22 =	vadd.bf16 v57, v22  }
0xb3: {  	v25 =	vmul.bf16 v25, v9;
	v20 =	vmax.bf16 v20, v0;
	v15 =	vadd.f32 v15, v27;
	v27 =	vld [tilespmem:s15+$0x30]  }
0xb4: {  	v24 =	vmax.bf16 v24, v0;
	v20 =	vmul.bf16 v20, v6;
	v22 =	vmax.bf16 v22, v0  }
0xb5: {  	v18 =	vadd.bf16 v21, v18;
	v21 =	vmul.bf16 v24, v7;
	v22 =	vmul.bf16 v22, v8  }
0xb6: {  	v12 =	vbroadcast v12, $0x0;
	v13 =	vadd.bf16 v26, v13;
	v23 =	vadd.bf16 v23, v59  }
0xb7: {  	v20 =	vadd.bf16 v25, v20;
	v18 =	vmax.bf16 v18, v0;
	v21 =	vadd.bf16 v22, v21  }
0xb8: {  	v22 =	vmax.bf16 v23, v0;
	v23 =	vadd.bf16 v61, v60;
	v25 =	vadd.bf16 v27, v62  }
0xb9: {  	v18 =	vmul.bf16 v18, v6;
	v24 =	vperm.xlane v15, v2;
	v20 =	vadd.bf16 v21, v20  }
0xba: {  	v22 =	vmul.bf16 v22, v9;
	v23 =	vmax.bf16 v23, v0;
	v25 =	vmax.bf16 v25, v0  }
0xbb: {  	v15 =	vadd.f32 v15, v24;
	v23 =	vmul.bf16 v23, v7;
	v24 =	vmul.bf16 v25, v8  }
0xbc: {  	v56 =	vperm.xlane v19, v2;
	v13 =	vadd.bf16 v16, v13;
	v16 =	vshll.u32 v20, $0x10  }
0xbd: {  	v20 =	vand.u32 $0xFFFF0000, v20;
	v18 =	vadd.bf16 v22, v18;
	v21 =	vadd.bf16 v24, v23  }
0xbe: {  	v19 =	vadd.f32 v19, v56;
	v58 =	vperm.xlane v11, v4;
	v16 =	vadd.f32 v20, v16  }
0xbf: {  	v20 =	vshll.u32 v13, $0x10;
	v13 =	vand.u32 $0xFFFF0000, v13;
	v18 =	vadd.bf16 v21, v18  }
0xc0: {  	v11 =	vadd.f32 v11, v58;
	v13 =	vadd.f32 v13, v20;
	v23 =	vperm.xlane v15, v3  }
0xc1: {  	v24 =	vperm.xlane v16, v1;
	v21 =	vshll.u32 v18, $0x10;
	v18 =	vand.u32 $0xFFFF0000, v18  }
0xc2: {  	v22 =	vperm.xlane v17, v3;
	v20 =	vperm.xlane v19, v3;
	v18 =	vadd.f32 v18, v21  }
0xc3: {  	v15 =	vadd.f32 v15, v23;
	v16 =	vadd.f32 v16, v24;
	v21 =	vperm.xlane v13, v1  }
0xc4: {  	v17 =	vadd.f32 v17, v22;
	v19 =	vadd.f32 v19, v20;
	v20 =	vperm.xlane v18, v1  }
0xc5: {  	v23 =	vperm.xlane v15, v4;
	v24 =	vperm.xlane v16, v2;
	v13 =	vadd.f32 v13, v21  }
0xc6: {  	v25 =	vmov s12;
	v22 =	vperm.xlane v17, v4;
	v18 =	vadd.f32 v18, v20  }
0xc7: {  	v15 =	vadd.f32 v15, v23;
	v16 =	vadd.f32 v16, v24;
	v23 =	vperm.xlane v13, v2  }
0xc8: {  	v17 =	vadd.f32 v17, v22;
	v22 =	vand.u32 $0xFFFFFFFC, v25;
	v24 =	vperm.xlane v18, v2  }
0xc9: {  	s19 =	sadd.s32 $0x3, s12;
	s15 =	sadd.s32 $0x1, s12;
	v22 =	vbroadcast v22, $0x0;
	v25 =	vperm.xlane v16, v3;
	v13 =	vadd.f32 v13, v23  }
0xca: {  	v20 =	vmov s19;
	v23 =	vmov s15;
	v18 =	vadd.f32 v18, v24  }
0xcb: {  	s17 =	sadd.s32 $0x2, s12;
	v16 =	vadd.f32 v16, v25;
	v23 =	vand.u32 $0xFFFFFFFD, v23;
	v26 =	vperm.xlane v13, v3  }
0xcc: {  	v24 =	vmov s17;
	v23 =	vbroadcast v23, $0x0;
	v25 =	vperm.xlane v18, v3  }
0xcd: {  	v21 =	vperm.xlane v19, v4;
	v24 =	vand.u32 $0xFFFFFFFE, v24;
	v13 =	vadd.f32 v13, v26  }
0xce: {  	[tilespmem:v14+s31+$0x0] =	vst.idx.msk vm0, v11;
	v14 =	vperm.xlane v16, v4;
	v11 =	vbroadcast v24, $0x0;
	v18 =	vadd.f32 v18, v25  }
0xcf: {  	[tilespmem:v20+s31+$0x0] =	vst.idx.msk vm0, v15;
	v15 =	vadd.f32 v19, v21;
	v19 =	vperm.xlane v13, v4  }
0xd0: {  	[tilespmem:v10+s31+$0x0] =	vst.idx.msk vm0, v17;
	v10 =	vadd.f32 v16, v14;
	v14 =	vperm.xlane v18, v4  }
0xd1: {  	[tilespmem:v12+s31+$0x0] =	vst.idx.msk vm0, v15;
	v12 =	vadd.f32 v13, v19  }
0xd2: {  	[tilespmem:v23+s31+$0x0] =	vst.idx.msk vm0, v10;
	v10 =	vadd.f32 v18, v14  }
0xd3: {  	[tilespmem:v22+s31+$0x0] =	vst.idx.msk vm0, v12  }
0xd4: {  	[tilespmem:v11+s31+$0x0] =	vst.idx.msk vm0, v10  }
0xd5: {  	v10 =	vld [tilespmem:$0x1D6A0];
	_ =	sdelay $0x4  }
0xd6: {  	v10 =	vadd.f32 v10, v5;
	_ =	sdelay $0x1  }
0xd7: {  	v10 =	vsub.f32 $0.0e+00, v10;
	_ =	sdelay $0x1  }
0xd8: {  	v10 =	vmul.f32 $1.442695020e+00, v10;
	_ =	sdelay $0x1  }
0xd9: {  	(erf) = vpow2.f32 v10;
	_ =	sdelay $0x1  }
0xda: {  	v10 =	vld [tilespmem:$0x1D6B0];
	_ =	sdelay $0x4  }
0xdb: {  	v10 =	vadd.f32 v10, v5;
	_ =	sdelay $0x1  }
0xdc: {  	v10 =	vsub.f32 $0.0e+00, v10;
	v11 =	vpop (erf)  }
0xdd: {  	v11 =	vadd.f32 $1.000000000e+00, v11  }
0xde: {  	v10 =	vmul.f32 $1.442695020e+00, v10  }
0xdf: {  	(erf) = vrcp.f32 v11  }
0xe0: {  	(erf) = vpow2.f32 v10;
	_ =	sdelay $0x1  }
0xe1: {  	v10 =	vld [tilespmem:$0x1D6C0];
	_ =	sdelay $0x4  }
0xe2: {  	v10 =	vadd.f32 v10, v5  }
0xe3: {  	v11 =	vpop (erf)  }
0xe4: {  	v10 =	vsub.f32 $0.0e+00, v10;
	v12 =	vpop (erf)  }
0xe5: {  	v12 =	vadd.f32 $1.000000000e+00, v12  }
0xe6: {  	v10 =	vmul.f32 $1.442695020e+00, v10  }
0xe7: {  	(erf) = vrcp.f32 v12  }
0xe8: {  	(erf) = vpow2.f32 v10;
	_ =	sdelay $0x1  }
0xe9: {  	v10 =	vld [tilespmem:$0x1D6D0];
	_ =	sdelay $0x4  }
0xea: {  	v10 =	vadd.f32 v10, v5  }
0xeb: {  	v12 =	vpop (erf)  }
0xec: {  	v10 =	vsub.f32 $0.0e+00, v10;
	v13 =	vpop (erf)  }
0xed: {  	v13 =	vadd.f32 $1.000000000e+00, v13  }
0xee: {  	v10 =	vmul.f32 $1.442695020e+00, v10  }
0xef: {  	(erf) = vrcp.f32 v13  }
0xf0: {  	(erf) = vpow2.f32 v10;
	_ =	sdelay $0x1  }
0xf1: {  	v10 =	vld [tilespmem:$0x1D6E0];
	_ =	sdelay $0x4  }
0xf2: {  	v10 =	vadd.f32 v10, v5  }
0xf3: {  	v13 =	vpop (erf)  }
0xf4: {  	v10 =	vsub.f32 $0.0e+00, v10;
	v14 =	vpop (erf)  }
0xf5: {  	v14 =	vadd.f32 $1.000000000e+00, v14  }
0xf6: {  	v10 =	vmul.f32 $1.442695020e+00, v10  }
0xf7: {  	(erf) = vrcp.f32 v14  }
0xf8: {  	(erf) = vpow2.f32 v10;
	_ =	sdelay $0x7  }
0xf9: {  	v10 =	vpop (erf)  }
0xfa: {  	v14 =	vpop (erf)  }
0xfb: {  	v14 =	vadd.f32 $1.000000000e+00, v14;
	_ =	sdelay $0x1  }
0xfc: {  	(erf) = vrcp.f32 v14;
	_ =	sdelay $0x5  }
0xfd: {  	[tilespmem:$0x1D6A0] =	vst v11  }
0xfe: {  	[tilespmem:$0x1D6B0] =	vst v12  }
0xff: {  	s19 =	sadd.s32 s6, s10;
	[tilespmem:$0x1D6C0] =	vst v13  }
0x100: {  	s12 =	sshrl.u32 s19, $0x3;
	[tilespmem:$0x1D6D0] =	vst v10;
	v10 =	vpop (erf)  }
0x101: {  	s12 =	sadd.s32 s1, s12;
	[tilespmem:$0x1D6E0] =	vst v10  }
0x102: {  	[hbm4b:s12+s5] =	stream.linear.scatter [tilespmem:s31], [sflag:$0x6], $0x50, $0x38;
	[tilespmem:$0x1D790] =	vst v63  }
0x103: {  	_ =	swait.ge [sflag:s2], $0x1400  }
0x104: {  	[sflag:s2] =	ssyncset.done $0x0  }
0x105: {  	[sflag:s2] =	ssyncadd.s32 $0xFFFFEC00  }
0x106: {  	_ =	swait.ge [sflag:s0], $0x1400  }
0x107: {  	[sflag:s0] =	ssyncset.done $0x0  }
0x108: {  	s14 =	sadd.s32 $0xA0, s10;
	[sflag:s0] =	ssyncadd.s32 $0xFFFFEC00  }
0x109: {  	[tilespmem:s24], [sflag:$0x2] =	stream.indirect.gather [spmem:s3], $0x40, s14, s23, $0xb8;
	[tilespmem:$0x1D790] =	vst v63  }
0x10a: {  	s15 =	sadd.s32 $0x27B0, s10;
	s10 =	simm.s32 @!p0 $0x7  }
0x10b: {  	[tilespmem:s25], [sflag:$0x4] =	stream.indirect.gather [spmem:s4], $0x40, s15, s23, $0xb8;
	[tilespmem:$0x1D790] =	vst v63  }
0x10c: {  	_ =	swait.ge @!p0 [sflag:s10], $0x50  }
0x10d: {  	[sflag:s10] =	ssyncset.done @!p0 $0x0  }
0x10e: {  	s17 =	simm.s32 $0x6310;
	[sflag:s10] =	ssyncadd.s32 @!p0 $0xFFFFFFB0  }
0x10f: {  	s19 =	simm.s32 $0x8B10;
	v10 =	vld [tilespmem:s17+$0xFFFFFFD0]  }
0x110: {  	v11 =	vld [tilespmem:s19+$0xFFFFFFD0]  }
0x111: {  	v12 =	vld [tilespmem:s17+$0xFFFFFFE0]  }
0x112: {  	v13 =	vld [tilespmem:s19+$0xFFFFFFE0]  }
0x113: {  	v14 =	vld [tilespmem:s17+$0xFFFFFFF0]  }
0x114: {  	v15 =	vld [tilespmem:s19+$0xFFFFFFF0]  }
0x115: {  	v16 =	vld [tilespmem:s17+$0x0]  }
0x116: {  	v17 =	vld [tilespmem:s19+$0x0]  }
0x117: {  	v18 =	vld [tilespmem:s19+$0xFFFFFF10]  }
0x118: {  	v19 =	vld [tilespmem:s17+$0xFFFFFF20]  }
0x119: {  	v20 =	vld [tilespmem:s19+$0xFFFFFF20]  }
0x11a: {  	v21 =	vld [tilespmem:s17+$0xFFFFFF50]  }
0x11b: {  	v22 =	vld [tilespmem:s19+$0xFFFFFF50]  }
0x11c: {  	v23 =	vld [tilespmem:s17+$0xFFFFFF60];
	v10 =	vadd.bf16 v11, v10  }
0x11d: {  	v25 =	vld [tilespmem:s19+$0xFFFFFF80];
	v12 =	vadd.bf16 v13, v12;
	v13 =	vadd.bf16 v15, v14  }
0x11e: {  	v11 =	vld [tilespmem:s17+$0xFFFFFF30];
	v15 =	vadd.bf16 v17, v16  }
0x11f: {  	v14 =	vld [tilespmem:s19+$0xFFFFFF30];
	v10 =	vmax.bf16 v10, v0;
	v12 =	vmax.bf16 v12, v0;
	v13 =	vmax.bf16 v13, v0  }
0x120: {  	v16 =	vld [tilespmem:s17+$0xFFFFFF40];
	v15 =	vmax.bf16 v15, v0;
	v10 =	vmul.bf16 v10, v6;
	v12 =	vmul.bf16 v12, v9  }
0x121: {  	v17 =	vld [tilespmem:s19+$0xFFFFFF40];
	v13 =	vmul.bf16 v13, v7;
	v15 =	vmul.bf16 v15, v8  }
0x122: {  	v19 =	vadd.bf16 v20, v19;
	v20 =	vld [tilespmem:s17+$0xFFFFFF80]  }
0x123: {  	v10 =	vadd.bf16 v12, v10;
	v12 =	vadd.bf16 v15, v13;
	v13 =	vld [tilespmem:s19+$0xFFFFFF60]  }
0x124: {  	v15 =	vld [tilespmem:s17+$0xFFFFFF70]  }
0x125: {  	v10 =	vadd.bf16 v12, v10;
	v12 =	vld [tilespmem:s19+$0xFFFFFF70]  }
0x126: {  	v19 =	vmax.bf16 v19, v0;
	v11 =	vadd.bf16 v14, v11;
	v14 =	vld [tilespmem:s17+$0xFFFFFF90];
	v16 =	vadd.bf16 v17, v16  }
0x127: {  	v17 =	vadd.bf16 v22, v21;
	v21 =	vld [tilespmem:s19+$0xFFFFFF90];
	v24 =	vshll.u32 v10, $0x10;
	v10 =	vand.u32 $0xFFFF0000, v10  }
0x128: {  	v26 =	vld [tilespmem:s17+$0xFFFFFFC0];
	v20 =	vadd.bf16 v25, v20;
	v11 =	vmax.bf16 v11, v0;
	v10 =	vadd.f32 v10, v24  }
0x129: {  	v17 =	vmax.bf16 v17, v0;
	v16 =	vmax.bf16 v16, v0;
	v13 =	vadd.bf16 v13, v23;
	v23 =	vld [tilespmem:s17+$0xFFFFFFA0]  }
0x12a: {  	v20 =	vmax.bf16 v20, v0;
	v22 =	vperm.xlane v10, v1;
	v12 =	vadd.bf16 v12, v15;
	v15 =	vld [tilespmem:s19+$0xFFFFFFA0]  }
0x12b: {  	v11 =	vmul.bf16 v11, v7;
	v17 =	vmul.bf16 v17, v6;
	v24 =	vld [tilespmem:s19+$0xFFFFFFB0];
	v13 =	vmax.bf16 v13, v0  }
0x12c: {  	v14 =	vadd.bf16 v21, v14;
	v21 =	vld [tilespmem:s19+$0xFFFFFFC0];
	v13 =	vmul.bf16 v13, v9;
	v10 =	vadd.f32 v10, v22  }
0x12d: {  	v20 =	vmul.bf16 v20, v8;
	v16 =	vmul.bf16 v16, v8;
	v22 =	vld [tilespmem:s17+$0xFFFFFFB0];
	v12 =	vmax.bf16 v12, v0  }
0x12e: {  	v12 =	vmul.bf16 v12, v7;
	v13 =	vadd.bf16 v13, v17;
	v17 =	vld [tilespmem:s17+$0xFFFFFF10];
	v25 =	vperm.xlane v10, v2  }
0x12f: {  	v19 =	vmul.bf16 v19, v9;
	v11 =	vadd.bf16 v16, v11;
	v15 =	vadd.bf16 v15, v23  }
0x130: {  	s14 =	simm.s32 $0x3;
	v14 =	vmax.bf16 v14, v0;
	v12 =	vadd.bf16 v20, v12;
	v10 =	vadd.f32 v10, v25  }
0x131: {  	v14 =	vmul.bf16 v14, v6;
	v23 =	vmov s14;
	v15 =	vmax.bf16 v15, v0  }
0x132: {  	v20 =	vadd.bf16 v24, v22;
	v12 =	vadd.bf16 v12, v13;
	v16 =	vperm.xlane v10, v3  }
0x133: {  	v13 =	vmul.bf16 v15, v9;
	v15 =	vadd.bf16 v21, v26;
	v17 =	vadd.bf16 v18, v17  }
0x134: {  	v21 =	vshll.u32 v12, $0x10;
	v10 =	vadd.f32 v10, v16;
	v16 =	vmax.bf16 v20, v0  }
0x135: {  	s14 =	simm.s32 $0x8C10;
	v12 =	vand.u32 $0xFFFF0000, v12;
	v18 =	vmul.bf16 v16, v7;
	v16 =	vmax.bf16 v15, v0  }
0x136: {  	s12 =	simm.s32 $0x6410;
	v17 =	vmax.bf16 v17, v0;
	v25 =	vadd.f32 v12, v21;
	v21 =	vld [tilespmem:s14+$0xFFFFFFF0];
	v22 =	vmul.bf16 v16, v8  }
0x137: {  	s15 =	simm.s32 $0x0;
	v13 =	vadd.bf16 v13, v14;
	v15 =	vld [tilespmem:s12+$0xFFFFFFD0];
	v14 =	vmul.bf16 v17, v6;
	v20 =	vperm.xlane v10, v4  }
0x138: {  	v24 =	vmov s15;
	v17 =	vld [tilespmem:s12+$0xFFFFFFE0];
	v12 =	vadd.bf16 v22, v18  }
0x139: {  	s17 =	simm.s32 $0x1;
	v16 =	vld [tilespmem:s14+$0xFFFFFFD0];
	v26 =	vadd.f32 v10, v20;
	v10 =	vadd.bf16 v19, v14;
	v19 =	vand.u32 $0xFFFFFFFC, v24  }
0x13a: {  	s19 =	simm.s32 $0x2;
	v18 =	vld [tilespmem:s14+$0xFFFFFFE0];
	v24 =	vperm.xlane v25, v1;
	v14 =	vmov s17;
	v13 =	vadd.bf16 v12, v13  }
0x13b: {  	v20 =	vld [tilespmem:s12+$0xFFFFFFF0];
	v27 =	vadd.bf16 v11, v10;
	v10 =	vbroadcast v19, $0x0;
	v12 =	vmov s19  }
0x13c: {  	v22 =	vld [tilespmem:s12+$0x0];
	v11 =	vadd.f32 v25, v24;
	v19 =	vshll.u32 v13, $0x10;
	v13 =	vand.u32 $0xFFFF0000, v13  }
0x13d: {  	s10 =	simm.s32 $0x4;
	s15 =	simm.s32 $0x8;
	[tilespmem:v23+s20+$0x0] =	vst.idx.msk vm0, v26;
	v23 =	vld [tilespmem:s14+$0x0];
	v24 =	vshll.u32 v27, $0x10;
	v25 =	vand.u32 $0xFFFF0000, v27;
	v19 =	vadd.f32 v13, v19  }
.LBB2_5:
0x13e: {  	p0 =	slt.u32 s15, $0x4C;
	v13 =	vld [tilespmem:s14+$0xFFFFFF10];
	v24 =	vadd.f32 v25, v24;
	v25 =	vperm.xlane v11, v2;
	v14 =	vand.u32 $0xFFFFFFFD, v14  }
0x13f: {  	v12 =	vand.u32 $0xFFFFFFFE, v12;
	v26 =	vld [tilespmem:s12+$0xFFFFFF20];
	v14 =	vbroadcast v14, $0x0;
	v27 =	vperm.xlane v19, v1  }
0x140: {  	v15 =	vadd.bf16 v16, v15;
	v28 =	vld [tilespmem:s14+$0xFFFFFF20];
	v16 =	vperm.xlane v24, v1;
	v25 =	vadd.f32 v11, v25  }
0x141: {  	v17 =	vadd.bf16 v18, v17;
	v18 =	vadd.bf16 v21, v20;
	v11 =	vbroadcast v12, $0x0;
	v29 =	vld [tilespmem:s12+$0xFFFFFF30]  }
0x142: {  	v12 =	vld [tilespmem:s14+$0xFFFFFF30];
	v20 =	vadd.bf16 v23, v22;
	v16 =	vadd.f32 v24, v16;
	v21 =	vperm.xlane v25, v3  }
0x143: {  	v15 =	vmax.bf16 v15, v0;
	v17 =	vmax.bf16 v17, v0;
	v18 =	vmax.bf16 v18, v0;
	v22 =	vld [tilespmem:s12+$0xFFFFFF40]  }
0x144: {  	v15 =	vmul.bf16 v15, v6;
	v17 =	vmul.bf16 v17, v9;
	v23 =	vld [tilespmem:s14+$0xFFFFFF40];
	v20 =	vmax.bf16 v20, v0  }
0x145: {  	v18 =	vmul.bf16 v18, v7;
	v24 =	vadd.bf16 v28, v26;
	v26 =	vld [tilespmem:s12+$0xFFFFFF50];
	v20 =	vmul.bf16 v20, v8  }
0x146: {  	v19 =	vadd.f32 v19, v27;
	v30 =	vperm.xlane v16, v2;
	v21 =	vadd.f32 v25, v21;
	v28 =	vld [tilespmem:s14+$0xFFFFFF50]  }
0x147: {  	v15 =	vadd.bf16 v17, v15;
	v24 =	vmax.bf16 v24, v0;
	v25 =	vld [tilespmem:s12+$0xFFFFFF60];
	v17 =	vadd.bf16 v20, v18  }
0x148: {  	v12 =	vadd.bf16 v12, v29;
	v20 =	vmul.bf16 v24, v9;
	v18 =	vld [tilespmem:s14+$0xFFFFFF60];
	v24 =	vperm.xlane v19, v2  }
0x149: {  	v22 =	vadd.bf16 v23, v22;
	v23 =	vld [tilespmem:s12+$0xFFFFFF70];
	v15 =	vadd.bf16 v17, v15;
	v17 =	vperm.xlane v21, v4  }
0x14a: {  	v16 =	vadd.f32 v16, v30;
	v12 =	vmax.bf16 v12, v0;
	v27 =	vld [tilespmem:s14+$0xFFFFFF70];
	v19 =	vadd.f32 v19, v24  }
0x14b: {  	v24 =	vadd.bf16 v28, v26;
	v26 =	vld [tilespmem:s12+$0xFFFFFF80];
	v28 =	vshll.u32 v15, $0x10;
	v15 =	vand.u32 $0xFFFF0000, v15  }
0x14c: {  	v12 =	vmul.bf16 v12, v7;
	v22 =	vmax.bf16 v22, v0;
	v29 =	vld [tilespmem:s14+$0xFFFFFF80];
	v15 =	vadd.f32 v15, v28  }
0x14d: {  	v22 =	vmul.bf16 v22, v8;
	v24 =	vmax.bf16 v24, v0;
	v18 =	vadd.bf16 v18, v25;
	v25 =	vld [tilespmem:s12+$0xFFFFFF90]  }
0x14e: {  	v17 =	vadd.f32 v21, v17;
	v24 =	vmul.bf16 v24, v6;
	v28 =	vld [tilespmem:s14+$0xFFFFFF90];
	v30 =	vperm.xlane v15, v1  }
0x14f: {  	v12 =	vadd.bf16 v22, v12;
	v18 =	vmax.bf16 v18, v0;
	v21 =	vadd.bf16 v27, v23;
	v22 =	vld [tilespmem:s12+$0xFFFFFFA0]  }
0x150: {  	v27 =	vperm.xlane v16, v3;
	v18 =	vmul.bf16 v18, v9;
	v23 =	vld [tilespmem:s14+$0xFFFFFFA0];
	v15 =	vadd.f32 v15, v30  }
0x151: {  	v30 =	vperm.xlane v19, v3;
	v21 =	vmax.bf16 v21, v0;
	v26 =	vadd.bf16 v29, v26;
	v29 =	vld [tilespmem:s12+$0xFFFFFFB0]  }
0x152: {  	v21 =	vmul.bf16 v21, v7;
	v18 =	vadd.bf16 v18, v24;
	v24 =	vld [tilespmem:s14+$0xFFFFFFB0];
	v31 =	vperm.xlane v15, v2  }
0x153: {  	v27 =	vadd.f32 v16, v27;
	v26 =	vmax.bf16 v26, v0;
	v25 =	vadd.bf16 v28, v25;
	v28 =	vld [tilespmem:s12+$0xFFFFFFC0]  }
0x154: {  	v19 =	vadd.f32 v19, v30;
	v16 =	vmul.bf16 v26, v8;
	v26 =	vld [tilespmem:s14+$0xFFFFFFC0];
	v15 =	vadd.f32 v15, v31  }
0x155: {  	v30 =	vld [tilespmem:s12+$0xFFFFFF10];
	v25 =	vmax.bf16 v25, v0;
	v22 =	vadd.bf16 v23, v22;
	v23 =	vperm.xlane v27, v4  }
0x156: {  	v16 =	vadd.bf16 v16, v21;
	v21 =	vmul.bf16 v25, v6;
	v25 =	vperm.xlane v15, v3  }
0x157: {  	v22 =	vmax.bf16 v22, v0;
	v24 =	vadd.bf16 v24, v29;
	v29 =	vperm.xlane v19, v4  }
0x158: {  	s17 =	sadd.s32 $0x3, s10;
	v18 =	vadd.bf16 v16, v18;
	v16 =	vmul.bf16 v22, v9;
	v22 =	vadd.f32 v15, v25  }
0x159: {  	v25 =	vmov s17;
	v15 =	vmax.bf16 v24, v0;
	v24 =	vadd.bf16 v26, v28;
	[tilespmem:v14+s20+$0x0] =	vst.idx.msk vm0, v17  }
0x15a: {  	v13 =	vadd.bf16 v13, v30;
	v14 =	vmul.bf16 v15, v7;
	v17 =	vperm.xlane v22, v4  }
0x15b: {  	s12 =	sadd.s32 $0x100, s12;
	v26 =	vshll.u32 v18, $0x10;
	v21 =	vadd.bf16 v16, v21;
	v24 =	vmax.bf16 v24, v0  }
0x15c: {  	s14 =	sadd.s32 $0x100, s14;
	v15 =	vld [tilespmem:s12+$0xFFFFFFD0];
	v13 =	vmax.bf16 v13, v0;
	v24 =	vmul.bf16 v24, v8;
	v22 =	vadd.f32 v22, v17  }
0x15d: {  	v23 =	vadd.f32 v27, v23;
	v18 =	vand.u32 $0xFFFF0000, v18;
	v16 =	vld [tilespmem:s14+$0xFFFFFFD0];
	v13 =	vmul.bf16 v13, v6  }
0x15e: {  	v27 =	vmov s10;
	v26 =	vadd.f32 v18, v26;
	v17 =	vld [tilespmem:s12+$0xFFFFFFE0];
	v24 =	vadd.bf16 v24, v14;
	[tilespmem:v25+s20+$0x0] =	vst.idx.msk vm0, v22  }
.Ltmp1:
0x15f: {  	s17 =	sadd.s32 $0x1, s10;
	v19 =	vadd.f32 v19, v29;
	v22 =	vand.u32 $0xFFFFFFFC, v27;
	v18 =	vld [tilespmem:s14+$0xFFFFFFE0];
	v13 =	vadd.bf16 v20, v13;
	[tilespmem:v10+s20+$0x0] =	vst.idx.msk vm0, v23;
	(pc) =	sbr.rel @p0 .LBB2_5-.Ltmp1, $4  }
0x160: {  	v14 =	vmov s17;
	s17 =	sadd.s32 $0x2, s10;
	s10 =	smov.u32 s15;
	v23 =	vperm.xlane v26, v1;
	v20 =	vld [tilespmem:s12+$0xFFFFFFF0];
	v24 =	vadd.bf16 v24, v21  }
0x161: {  	v10 =	vbroadcast v22, $0x0;
	v21 =	vld [tilespmem:s14+$0xFFFFFFF0];
	v13 =	vadd.bf16 v12, v13;
	v12 =	vmov s17;
	[tilespmem:v11+s20+$0x0] =	vst.idx.msk vm0, v19  }
0x162: {  	v11 =	vadd.f32 v26, v23;
	v22 =	vld [tilespmem:s12+$0x0];
	v19 =	vshll.u32 v24, $0x10;
	v26 =	vand.u32 $0xFFFF0000, v24  }
0x163: {  	s15 =	sadd.s32 $0x4, s15;
	v23 =	vld [tilespmem:s14+$0x0];
	v24 =	vshll.u32 v13, $0x10;
	v25 =	vand.u32 $0xFFFF0000, v13;
	v19 =	vadd.f32 v26, v19  }
0x164: {  	v13 =	vld [tilespmem:s14+$0xFFFFFF10]  }
0x165: {  	v26 =	vld [tilespmem:s12+$0xFFFFFF20]  }
0x166: {  	v27 =	vld [tilespmem:s14+$0xFFFFFF20]  }
0x167: {  	v28 =	vld [tilespmem:s12+$0xFFFFFF30]  }
0x168: {  	v29 =	vld [tilespmem:s14+$0xFFFFFF30]  }
0x169: {  	v30 =	vld [tilespmem:s12+$0xFFFFFF40]  }
0x16a: {  	v36 =	vld [tilespmem:s14+$0xFFFFFF40]  }
0x16b: {  	v38 =	vld [tilespmem:s12+$0xFFFFFF50]  }
0x16c: {  	v40 =	vld [tilespmem:s14+$0xFFFFFF50]  }
0x16d: {  	v41 =	vld [tilespmem:s12+$0xFFFFFF60]  }
0x16e: {  	v32 =	vld [tilespmem:s14+$0xFFFFFF60]  }
0x16f: {  	v42 =	vld [tilespmem:s12+$0xFFFFFF70]  }
0x170: {  	v44 =	vld [tilespmem:s14+$0xFFFFFF70]  }
0x171: {  	v24 =	vadd.f32 v25, v24;
	v54 =	vld [tilespmem:s12+$0xFFFFFFA0]  }
0x172: {  	v35 =	vperm.xlane v11, v2;
	v15 =	vadd.bf16 v16, v15;
	v17 =	vadd.bf16 v18, v17;
	v55 =	vld [tilespmem:s14+$0xFFFFFFA0]  }
0x173: {  	v14 =	vand.u32 $0xFFFFFFFD, v14;
	v56 =	vld [tilespmem:s12+$0xFFFFFFB0];
	v12 =	vand.u32 $0xFFFFFFFE, v12;
	v31 =	vperm.xlane v19, v1  }
0x174: {  	v57 =	vld [tilespmem:s14+$0xFFFFFFB0];
	v37 =	vadd.bf16 v21, v20;
	v39 =	vperm.xlane v24, v1;
	v15 =	vmax.bf16 v15, v0  }
0x175: {  	v59 =	vld [tilespmem:s12+$0xFFFFFFC0];
	v11 =	vadd.f32 v11, v35;
	v17 =	vmax.bf16 v17, v0;
	v15 =	vmul.bf16 v15, v6  }
0x176: {  	v60 =	vld [tilespmem:s12+$0xFFFFFF10];
	v17 =	vmul.bf16 v17, v9;
	v19 =	vadd.f32 v19, v31;
	v22 =	vadd.bf16 v23, v22  }
0x177: {  	v61 =	vld [tilespmem:s14+$0xFFFFFFC0];
	v14 =	vbroadcast v14, $0x0;
	v21 =	vadd.f32 v24, v39;
	v26 =	vadd.bf16 v27, v26  }
0x178: {  	v12 =	vbroadcast v12, $0x0;
	v15 =	vadd.bf16 v17, v15;
	v47 =	vadd.bf16 v29, v28  }
0x179: {  	v18 =	vmax.bf16 v37, v0;
	v16 =	vadd.bf16 v36, v30;
	v20 =	vadd.bf16 v40, v38  }
0x17a: {  	v43 =	vperm.xlane v11, v3;
	v25 =	vadd.bf16 v32, v41;
	v24 =	vadd.bf16 v44, v42  }
0x17b: {  	v18 =	vmul.bf16 v18, v7;
	v23 =	vadd.bf16 v55, v54;
	v13 =	vadd.bf16 v13, v60  }
0x17c: {  	v48 =	vperm.xlane v19, v2;
	v32 =	vadd.bf16 v57, v56;
	v33 =	vadd.bf16 v61, v59  }
0x17d: {  	v22 =	vmax.bf16 v22, v0;
	v45 =	vperm.xlane v21, v2;
	v11 =	vadd.f32 v11, v43  }
0x17e: {  	v22 =	vmul.bf16 v22, v8;
	v19 =	vadd.f32 v19, v48;
	v27 =	vmax.bf16 v47, v0  }
0x17f: {  	v46 =	vld [tilespmem:s12+$0xFFFFFF80];
	v16 =	vmax.bf16 v16, v0;
	v26 =	vmax.bf16 v26, v0;
	v20 =	vmax.bf16 v20, v0  }
0x180: {  	v49 =	vld [tilespmem:s14+$0xFFFFFF80];
	v25 =	vmax.bf16 v25, v0;
	v24 =	vmax.bf16 v24, v0;
	v29 =	vmax.bf16 v23, v0  }
0x181: {  	v13 =	vmax.bf16 v13, v0;
	v51 =	vperm.xlane v11, v4;
	v27 =	vmul.bf16 v27, v7  }
0x182: {  	v50 =	vld [tilespmem:s12+$0xFFFFFF90];
	v23 =	vmax.bf16 v32, v0;
	v16 =	vmul.bf16 v16, v8;
	v26 =	vmul.bf16 v26, v9  }
0x183: {  	v52 =	vld [tilespmem:s14+$0xFFFFFF90];
	v47 =	vmov s10;
	v20 =	vmul.bf16 v20, v6;
	v25 =	vmul.bf16 v25, v9  }
0x184: {  	v17 =	vadd.f32 v21, v45;
	v62 =	vmul.bf16 v24, v7;
	v13 =	vmul.bf16 v13, v6  }
0x185: {  	s15 =	sadd.s32 $0x3, s10;
	v23 =	vmul.bf16 v23, v7;
	v18 =	vadd.bf16 v22, v18;
	v22 =	vadd.bf16 v49, v46  }
0x186: {  	v45 =	vmov s15;
	v11 =	vadd.f32 v11, v51;
	v16 =	vadd.bf16 v16, v27  }
0x187: {  	v20 =	vadd.bf16 v25, v20;
	v25 =	vmax.bf16 v33, v0;
	v15 =	vadd.bf16 v18, v15  }
0x188: {  	v13 =	vadd.bf16 v26, v13;
	v22 =	vmax.bf16 v22, v0;
	v18 =	vadd.bf16 v52, v50  }
0x189: {  	v22 =	vmul.bf16 v22, v8;
	v53 =	vshll.u32 v15, $0x10;
	v15 =	vand.u32 $0xFFFF0000, v15  }
0x18a: {  	v34 =	vmul.bf16 v25, v8;
	v18 =	vmax.bf16 v18, v0;
	v15 =	vadd.f32 v15, v53  }
0x18b: {  	v21 =	vadd.bf16 v22, v62;
	v18 =	vmul.bf16 v18, v6;
	v22 =	vmul.bf16 v29, v9  }
0x18c: {  	v13 =	vadd.bf16 v16, v13;
	v35 =	vadd.bf16 v34, v23;
	v58 =	vperm.xlane v15, v1  }
0x18d: {  	v40 =	vperm.xlane v19, v3;
	v20 =	vadd.bf16 v21, v20;
	v18 =	vadd.bf16 v22, v18  }
0x18e: {  	v39 =	vshll.u32 v13, $0x10;
	v13 =	vand.u32 $0xFFFF0000, v13;
	v15 =	vadd.f32 v15, v58  }
0x18f: {  	v38 =	vshll.u32 v20, $0x10;
	v20 =	vand.u32 $0xFFFF0000, v20;
	v18 =	vadd.bf16 v35, v18  }
0x190: {  	v49 =	vand.u32 $0xFFFFFFFC, v47;
	v13 =	vadd.f32 v13, v39;
	v16 =	vadd.f32 v20, v38  }
0x191: {  	v63 =	vperm.xlane v15, v2;
	v21 =	vshll.u32 v18, $0x10;
	v18 =	vand.u32 $0xFFFF0000, v18  }
0x192: {  	v36 =	vperm.xlane v17, v3;
	v41 =	vperm.xlane v16, v1;
	v18 =	vadd.f32 v18, v21  }
0x193: {  	s17 =	sadd.s32 $0x1, s10;
	v19 =	vadd.f32 v19, v40;
	v42 =	vperm.xlane v13, v1;
	v15 =	vadd.f32 v15, v63  }
0x194: {  	s19 =	sadd.s32 $0x2, s10;
	v50 =	vmov s17;
	v16 =	vadd.f32 v16, v41;
	v43 =	vperm.xlane v18, v1  }
0x195: {  	v52 =	vmov s19;
	v13 =	vadd.f32 v13, v42;
	v37 =	vperm.xlane v15, v3  }
0x196: {  	v17 =	vadd.f32 v17, v36;
	v24 =	vperm.xlane v16, v2;
	v18 =	vadd.f32 v18, v43  }
0x197: {  	v44 =	vperm.xlane v19, v4;
	v46 =	vperm.xlane v13, v2;
	v15 =	vadd.f32 v15, v37  }
0x198: {  	v22 =	vperm.xlane v17, v4;
	v16 =	vadd.f32 v16, v24;
	v48 =	vperm.xlane v18, v2  }
0x199: {  	v56 =	vadd.f32 v19, v44;
	v13 =	vadd.f32 v13, v46;
	v23 =	vperm.xlane v15, v4  }
0x19a: {  	v17 =	vadd.f32 v17, v22;
	v51 =	vperm.xlane v16, v3;
	v18 =	vadd.f32 v18, v48  }
0x19b: {  	v53 =	vperm.xlane v13, v3;
	v15 =	vadd.f32 v15, v23;
	v23 =	vand.u32 $0xFFFFFFFD, v50  }
0x19c: {  	v23 =	vbroadcast v23, $0x0;
	v16 =	vadd.f32 v16, v51;
	v54 =	vperm.xlane v18, v3  }
0x19d: {  	v22 =	vbroadcast v49, $0x0;
	v24 =	vand.u32 $0xFFFFFFFE, v52;
	v13 =	vadd.f32 v13, v53  }
0x19e: {  	[tilespmem:v14+s20+$0x0] =	vst.idx.msk vm0, v11;
	v11 =	vbroadcast v24, $0x0;
	v55 =	vperm.xlane v16, v4;
	v18 =	vadd.f32 v18, v54  }
0x19f: {  	[tilespmem:v12+s20+$0x0] =	vst.idx.msk vm0, v56;
	v57 =	vperm.xlane v13, v4  }
0x1a0: {  	[tilespmem:v10+s20+$0x0] =	vst.idx.msk vm0, v17;
	v10 =	vadd.f32 v16, v55;
	v58 =	vperm.xlane v18, v4  }
0x1a1: {  	v59 =	vadd.f32 v13, v57;
	[tilespmem:v45+s20+$0x0] =	vst.idx.msk vm0, v15  }
0x1a2: {  	[tilespmem:v23+s20+$0x0] =	vst.idx.msk vm0, v10;
	v10 =	vadd.f32 v18, v58  }
0x1a3: {  	[tilespmem:v22+s20+$0x0] =	vst.idx.msk vm0, v59  }
0x1a4: {  	[tilespmem:v11+s20+$0x0] =	vst.idx.msk vm0, v10  }
0x1a5: {  	v10 =	vld [tilespmem:$0x1D6F0];
	_ =	sdelay $0x4  }
0x1a6: {  	v10 =	vadd.f32 v10, v5;
	_ =	sdelay $0x1  }
0x1a7: {  	v10 =	vsub.f32 $0.0e+00, v10;
	_ =	sdelay $0x1  }
0x1a8: {  	v10 =	vmul.f32 $1.442695020e+00, v10;
	_ =	sdelay $0x1  }
0x1a9: {  	(erf) = vpow2.f32 v10;
	_ =	sdelay $0x1  }
0x1aa: {  	v10 =	vld [tilespmem:$0x1D700];
	_ =	sdelay $0x4  }
0x1ab: {  	v10 =	vadd.f32 v10, v5;
	_ =	sdelay $0x1  }
0x1ac: {  	v10 =	vsub.f32 $0.0e+00, v10;
	v11 =	vpop (erf)  }
0x1ad: {  	v11 =	vadd.f32 $1.000000000e+00, v11  }
0x1ae: {  	v10 =	vmul.f32 $1.442695020e+00, v10  }
0x1af: {  	(erf) = vrcp.f32 v11  }
0x1b0: {  	(erf) = vpow2.f32 v10;
	_ =	sdelay $0x1  }
0x1b1: {  	v10 =	vld [tilespmem:$0x1D710];
	_ =	sdelay $0x4  }
0x1b2: {  	v10 =	vadd.f32 v10, v5  }
0x1b3: {  	v11 =	vpop (erf)  }
0x1b4: {  	v10 =	vsub.f32 $0.0e+00, v10;
	v60 =	vpop (erf)  }
0x1b5: {  	v12 =	vadd.f32 $1.000000000e+00, v60  }
0x1b6: {  	v10 =	vmul.f32 $1.442695020e+00, v10  }
0x1b7: {  	(erf) = vrcp.f32 v12  }
0x1b8: {  	(erf) = vpow2.f32 v10;
	_ =	sdelay $0x1  }
0x1b9: {  	v10 =	vld [tilespmem:$0x1D720];
	_ =	sdelay $0x4  }
0x1ba: {  	v10 =	vadd.f32 v10, v5  }
0x1bb: {  	v12 =	vpop (erf)  }
0x1bc: {  	v10 =	vsub.f32 $0.0e+00, v10;
	v61 =	vpop (erf)  }
0x1bd: {  	v13 =	vadd.f32 $1.000000000e+00, v61  }
0x1be: {  	v10 =	vmul.f32 $1.442695020e+00, v10  }
0x1bf: {  	(erf) = vrcp.f32 v13  }
0x1c0: {  	(erf) = vpow2.f32 v10;
	_ =	sdelay $0x1  }
0x1c1: {  	v10 =	vld [tilespmem:$0x1D730];
	_ =	sdelay $0x4  }
0x1c2: {  	v10 =	vadd.f32 v10, v5  }
0x1c3: {  	v13 =	vpop (erf)  }
0x1c4: {  	v10 =	vsub.f32 $0.0e+00, v10;
	v62 =	vpop (erf)  }
0x1c5: {  	v14 =	vadd.f32 $1.000000000e+00, v62  }
0x1c6: {  	v10 =	vmul.f32 $1.442695020e+00, v10  }
0x1c7: {  	(erf) = vrcp.f32 v14  }
0x1c8: {  	(erf) = vpow2.f32 v10;
	_ =	sdelay $0x7  }
0x1c9: {  	v10 =	vpop (erf)  }
0x1ca: {  	v63 =	vpop (erf)  }
0x1cb: {  	v14 =	vadd.f32 $1.000000000e+00, v63;
	_ =	sdelay $0x1  }
0x1cc: {  	(erf) = vrcp.f32 v14;
	_ =	sdelay $0x4  }
0x1cd: {  	s8 =	sadd.s32 $0x1, s8  }
0x1ce: {  	p0 =	sne.s32 s8, $0x3E;
	[tilespmem:$0x1D6F0] =	vst v11  }
.Ltmp2:
0x1cf: {  	[tilespmem:$0x1D700] =	vst v12;
	(pc) =	sbr.rel @p0 .LBB2_2-.Ltmp2, $4  }
0x1d0: {  	s9 =	sadd.s32 s6, s9;
	[tilespmem:$0x1D710] =	vst v13  }
0x1d1: {  	s9 =	sshrl.u32 s9, $0x3;
	[tilespmem:$0x1D720] =	vst v10;
	v10 =	vpop (erf)  }
0x1d2: {  	s9 =	sadd.s32 s1, s9;
	[tilespmem:$0x1D730] =	vst v10  }
0x1d3: {  	[hbm4b:s9+s5] =	stream.linear.scatter [tilespmem:s20], [sflag:$0x7], $0x50, $0x38;
	[tilespmem:$0x1D790] =	vst v63  }
0x1d4: {  	_ =	swait.ge [sflag:s26], $0x1400  }
0x1d5: {  	[sflag:s26] =	ssyncset.done $0x0  }
0x1d6: {  	[sflag:s26] =	ssyncadd.s32 $0xFFFFEC00  }
0x1d7: {  	_ =	swait.ge [sflag:s28], $0x1400  }
0x1d8: {  	[sflag:s28] =	ssyncset.done $0x0  }
0x1d9: {  	[sflag:s28] =	ssyncadd.s32 $0xFFFFEC00  }
0x1da: {  	_ =	swait.ge [sflag:s21], $0x50  }
0x1db: {  	[sflag:s21] =	ssyncset.done $0x0  }
0x1dc: {  	s8 =	simm.s32 $0x4EA0;
	[sflag:s21] =	ssyncadd.s32 $0xFFFFFFB0  }
0x1dd: {  	s9 =	simm.s32 $0x76A0;
	v10 =	vld [tilespmem:s8+$0x40]  }
0x1de: {  	v11 =	vld [tilespmem:s9+$0x40]  }
0x1df: {  	v12 =	vld [tilespmem:s8+$0x50]  }
0x1e0: {  	v13 =	vld [tilespmem:s9+$0x50]  }
0x1e1: {  	v14 =	vld [tilespmem:s8+$0x60]  }
0x1e2: {  	v15 =	vld [tilespmem:s9+$0x60]  }
0x1e3: {  	v16 =	vld [tilespmem:s8+$0x70]  }
0x1e4: {  	v17 =	vld [tilespmem:s9+$0x70]  }
0x1e5: {  	v19 =	vld [tilespmem:s8+$0xFFFFFF90]  }
0x1e6: {  	v20 =	vld [tilespmem:s9+$0xFFFFFF90]  }
0x1e7: {  	v21 =	vld [tilespmem:s8+$0xFFFFFFC0]  }
0x1e8: {  	v22 =	vld [tilespmem:s9+$0xFFFFFFC0];
	v10 =	vadd.bf16 v11, v10  }
0x1e9: {  	v23 =	vld [tilespmem:s8+$0xFFFFFFD0];
	v12 =	vadd.bf16 v13, v12;
	v13 =	vadd.bf16 v15, v14  }
0x1ea: {  	v25 =	vld [tilespmem:s9+$0xFFFFFFF0];
	v15 =	vadd.bf16 v17, v16  }
0x1eb: {  	v11 =	vld [tilespmem:s8+$0xFFFFFFA0];
	v10 =	vmax.bf16 v10, v0;
	v12 =	vmax.bf16 v12, v0;
	v13 =	vmax.bf16 v13, v0  }
0x1ec: {  	v14 =	vld [tilespmem:s9+$0xFFFFFFA0];
	v15 =	vmax.bf16 v15, v0;
	v10 =	vmul.bf16 v10, v6;
	v12 =	vmul.bf16 v12, v9  }
0x1ed: {  	v16 =	vld [tilespmem:s8+$0xFFFFFFB0];
	v13 =	vmul.bf16 v13, v7;
	v15 =	vmul.bf16 v15, v8  }
0x1ee: {  	v17 =	vld [tilespmem:s9+$0xFFFFFFB0];
	v19 =	vadd.bf16 v20, v19  }
0x1ef: {  	v20 =	vld [tilespmem:s8+$0xFFFFFFF0];
	v10 =	vadd.bf16 v12, v10;
	v12 =	vadd.bf16 v15, v13  }
0x1f0: {  	v13 =	vld [tilespmem:s9+$0xFFFFFFD0]  }
0x1f1: {  	v15 =	vld [tilespmem:s8+$0xFFFFFFE0];
	v10 =	vadd.bf16 v12, v10  }
0x1f2: {  	v12 =	vld [tilespmem:s9+$0xFFFFFFE0]  }
0x1f3: {  	v18 =	vld [tilespmem:s9+$0xFFFFFF80];
	v21 =	vadd.bf16 v22, v21;
	v24 =	vshll.u32 v10, $0x10;
	v10 =	vand.u32 $0xFFFF0000, v10  }
0x1f4: {  	v22 =	vld [tilespmem:s8+$0x0];
	v11 =	vadd.bf16 v14, v11;
	v10 =	vadd.f32 v10, v24  }
0x1f5: {  	v19 =	vmax.bf16 v19, v0;
	v14 =	vld [tilespmem:s9+$0x0];
	v16 =	vadd.bf16 v17, v16;
	v13 =	vadd.bf16 v13, v23  }
0x1f6: {  	v17 =	vmax.bf16 v21, v0;
	v20 =	vadd.bf16 v25, v20;
	v25 =	vld [tilespmem:s8+$0x30];
	v21 =	vperm.xlane v10, v1  }
0x1f7: {  	v17 =	vmul.bf16 v17, v6;
	v23 =	vld [tilespmem:s8+$0x10];
	v13 =	vmax.bf16 v13, v0;
	v12 =	vadd.bf16 v12, v15  }
0x1f8: {  	v20 =	vmax.bf16 v20, v0;
	v15 =	vld [tilespmem:s9+$0x10];
	v13 =	vmul.bf16 v13, v9;
	v10 =	vadd.f32 v10, v21  }
0x1f9: {  	v11 =	vmax.bf16 v11, v0;
	v20 =	vmul.bf16 v20, v8;
	v24 =	vld [tilespmem:s9+$0x20];
	v12 =	vmax.bf16 v12, v0  }
0x1fa: {  	v21 =	vld [tilespmem:s8+$0x20];
	v13 =	vadd.bf16 v13, v17;
	v12 =	vmul.bf16 v12, v7;
	v17 =	vperm.xlane v10, v2  }
0x1fb: {  	v16 =	vmax.bf16 v16, v0;
	v11 =	vmul.bf16 v11, v7;
	v14 =	vadd.bf16 v14, v22;
	v22 =	vld [tilespmem:s9+$0x30]  }
0x1fc: {  	v16 =	vmul.bf16 v16, v8;
	v12 =	vadd.bf16 v20, v12;
	v10 =	vadd.f32 v10, v17;
	v17 =	vld [tilespmem:s8+$0xFFFFFF80]  }
0x1fd: {  	v19 =	vmul.bf16 v19, v9;
	v14 =	vmax.bf16 v14, v0;
	v15 =	vadd.bf16 v15, v23  }
0x1fe: {  	v11 =	vadd.bf16 v16, v11;
	v14 =	vmul.bf16 v14, v6;
	v12 =	vadd.bf16 v12, v13  }
0x1ff: {  	v15 =	vmax.bf16 v15, v0;
	v20 =	vadd.bf16 v24, v21;
	v16 =	vperm.xlane v10, v3  }
0x200: {  	v13 =	vmul.bf16 v15, v9;
	v15 =	vadd.bf16 v22, v25;
	v21 =	vshll.u32 v12, $0x10  }
0x201: {  	v10 =	vadd.f32 v10, v16;
	v16 =	vmax.bf16 v20, v0;
	v17 =	vadd.bf16 v18, v17  }
0x202: {  	s10 =	simm.s32 $0x77A0;
	v12 =	vand.u32 $0xFFFF0000, v12;
	v18 =	vmul.bf16 v16, v7;
	v16 =	vmax.bf16 v15, v0  }
0x203: {  	s9 =	simm.s32 $0x4FA0;
	v25 =	vadd.f32 v12, v21;
	v21 =	vld [tilespmem:s10+$0x60];
	v22 =	vmul.bf16 v16, v8;
	v17 =	vmax.bf16 v17, v0  }
0x204: {  	s14 =	simm.s32 $0x3;
	s15 =	simm.s32 $0x0;
	v13 =	vadd.bf16 v13, v14;
	v15 =	vld [tilespmem:s9+$0x40];
	v20 =	vperm.xlane v10, v4;
	v14 =	vmul.bf16 v17, v6  }
0x205: {  	v23 =	vmov s14;
	v24 =	vmov s15;
	v16 =	vld [tilespmem:s10+$0x40];
	v12 =	vadd.bf16 v22, v18  }
0x206: {  	s17 =	simm.s32 $0x1;
	v17 =	vld [tilespmem:s9+$0x50];
	v26 =	vadd.f32 v10, v20;
	v10 =	vadd.bf16 v19, v14;
	v19 =	vand.u32 $0xFFFFFFFC, v24  }
0x207: {  	s19 =	simm.s32 $0x2;
	v18 =	vld [tilespmem:s10+$0x50];
	v24 =	vperm.xlane v25, v1;
	v14 =	vmov s17;
	v13 =	vadd.bf16 v12, v13  }
0x208: {  	v20 =	vld [tilespmem:s9+$0x60];
	v12 =	vmov s19;
	v27 =	vadd.bf16 v11, v10;
	v10 =	vbroadcast v19, $0x0  }
0x209: {  	v22 =	vld [tilespmem:s9+$0x70];
	v11 =	vadd.f32 v25, v24;
	v19 =	vshll.u32 v13, $0x10;
	v13 =	vand.u32 $0xFFFF0000, v13  }
0x20a: {  	s12 =	simm.s32 $0x8;
	s8 =	simm.s32 $0x4;
	[tilespmem:v23+s31+$0x0] =	vst.idx.msk vm0, v26;
	v23 =	vld [tilespmem:s10+$0x70];
	v19 =	vadd.f32 v13, v19;
	v24 =	vshll.u32 v27, $0x10;
	v25 =	vand.u32 $0xFFFF0000, v27  }
.LBB2_8:
0x20b: {  	p0 =	slt.u32 s12, $0x4C;
	v13 =	vld [tilespmem:s10+$0xFFFFFF80];
	v24 =	vadd.f32 v25, v24;
	v25 =	vperm.xlane v11, v2;
	v14 =	vand.u32 $0xFFFFFFFD, v14  }
0x20c: {  	v12 =	vand.u32 $0xFFFFFFFE, v12;
	v26 =	vld [tilespmem:s9+$0xFFFFFF90];
	v14 =	vbroadcast v14, $0x0;
	v27 =	vperm.xlane v19, v1  }
0x20d: {  	v15 =	vadd.bf16 v16, v15;
	v28 =	vld [tilespmem:s10+$0xFFFFFF90];
	v16 =	vperm.xlane v24, v1;
	v25 =	vadd.f32 v11, v25  }
0x20e: {  	v17 =	vadd.bf16 v18, v17;
	v18 =	vadd.bf16 v21, v20;
	v11 =	vbroadcast v12, $0x0;
	v29 =	vld [tilespmem:s9+$0xFFFFFFA0]  }
0x20f: {  	v12 =	vld [tilespmem:s10+$0xFFFFFFA0];
	v20 =	vadd.bf16 v23, v22;
	v16 =	vadd.f32 v24, v16;
	v21 =	vperm.xlane v25, v3  }
0x210: {  	v15 =	vmax.bf16 v15, v0;
	v17 =	vmax.bf16 v17, v0;
	v18 =	vmax.bf16 v18, v0;
	v22 =	vld [tilespmem:s9+$0xFFFFFFB0]  }
0x211: {  	v15 =	vmul.bf16 v15, v6;
	v17 =	vmul.bf16 v17, v9;
	v23 =	vld [tilespmem:s10+$0xFFFFFFB0];
	v20 =	vmax.bf16 v20, v0  }
0x212: {  	v18 =	vmul.bf16 v18, v7;
	v24 =	vadd.bf16 v28, v26;
	v26 =	vld [tilespmem:s9+$0xFFFFFFC0];
	v20 =	vmul.bf16 v20, v8  }
0x213: {  	v19 =	vadd.f32 v19, v27;
	v30 =	vperm.xlane v16, v2;
	v21 =	vadd.f32 v25, v21;
	v28 =	vld [tilespmem:s10+$0xFFFFFFC0]  }
0x214: {  	v15 =	vadd.bf16 v17, v15;
	v24 =	vmax.bf16 v24, v0;
	v25 =	vld [tilespmem:s9+$0xFFFFFFD0];
	v17 =	vadd.bf16 v20, v18  }
0x215: {  	v12 =	vadd.bf16 v12, v29;
	v20 =	vmul.bf16 v24, v9;
	v18 =	vld [tilespmem:s10+$0xFFFFFFD0];
	v24 =	vperm.xlane v19, v2  }
0x216: {  	v22 =	vadd.bf16 v23, v22;
	v23 =	vld [tilespmem:s9+$0xFFFFFFE0];
	v15 =	vadd.bf16 v17, v15;
	v17 =	vperm.xlane v21, v4  }
0x217: {  	v16 =	vadd.f32 v16, v30;
	v12 =	vmax.bf16 v12, v0;
	v27 =	vld [tilespmem:s10+$0xFFFFFFE0];
	v19 =	vadd.f32 v19, v24  }
0x218: {  	v24 =	vadd.bf16 v28, v26;
	v26 =	vld [tilespmem:s9+$0xFFFFFFF0];
	v28 =	vshll.u32 v15, $0x10;
	v15 =	vand.u32 $0xFFFF0000, v15  }
0x219: {  	v12 =	vmul.bf16 v12, v7;
	v22 =	vmax.bf16 v22, v0;
	v29 =	vld [tilespmem:s10+$0xFFFFFFF0];
	v15 =	vadd.f32 v15, v28  }
0x21a: {  	v22 =	vmul.bf16 v22, v8;
	v24 =	vmax.bf16 v24, v0;
	v18 =	vadd.bf16 v18, v25;
	v25 =	vld [tilespmem:s9+$0x0]  }
0x21b: {  	v17 =	vadd.f32 v21, v17;
	v24 =	vmul.bf16 v24, v6;
	v28 =	vld [tilespmem:s10+$0x0];
	v30 =	vperm.xlane v15, v1  }
0x21c: {  	v12 =	vadd.bf16 v22, v12;
	v18 =	vmax.bf16 v18, v0;
	v21 =	vadd.bf16 v27, v23;
	v22 =	vld [tilespmem:s9+$0x10]  }
0x21d: {  	v27 =	vperm.xlane v16, v3;
	v18 =	vmul.bf16 v18, v9;
	v23 =	vld [tilespmem:s10+$0x10];
	v15 =	vadd.f32 v15, v30  }
0x21e: {  	v30 =	vperm.xlane v19, v3;
	v21 =	vmax.bf16 v21, v0;
	v26 =	vadd.bf16 v29, v26;
	v29 =	vld [tilespmem:s9+$0x20]  }
0x21f: {  	v21 =	vmul.bf16 v21, v7;
	v18 =	vadd.bf16 v18, v24;
	v24 =	vld [tilespmem:s10+$0x20];
	v31 =	vperm.xlane v15, v2  }
0x220: {  	v27 =	vadd.f32 v16, v27;
	v26 =	vmax.bf16 v26, v0;
	v25 =	vadd.bf16 v28, v25;
	v28 =	vld [tilespmem:s9+$0x30]  }
0x221: {  	v19 =	vadd.f32 v19, v30;
	v16 =	vmul.bf16 v26, v8;
	v26 =	vld [tilespmem:s10+$0x30];
	v15 =	vadd.f32 v15, v31  }
0x222: {  	v30 =	vld [tilespmem:s9+$0xFFFFFF80];
	v25 =	vmax.bf16 v25, v0;
	v22 =	vadd.bf16 v23, v22;
	v23 =	vperm.xlane v27, v4  }
0x223: {  	v16 =	vadd.bf16 v16, v21;
	v21 =	vmul.bf16 v25, v6;
	v25 =	vperm.xlane v15, v3  }
0x224: {  	v22 =	vmax.bf16 v22, v0;
	v24 =	vadd.bf16 v24, v29;
	v29 =	vperm.xlane v19, v4  }
0x225: {  	s14 =	sadd.s32 $0x3, s8;
	v18 =	vadd.bf16 v16, v18;
	v16 =	vmul.bf16 v22, v9;
	v22 =	vadd.f32 v15, v25  }
0x226: {  	v25 =	vmov s14;
	v15 =	vmax.bf16 v24, v0;
	v24 =	vadd.bf16 v26, v28;
	[tilespmem:v14+s31+$0x0] =	vst.idx.msk vm0, v17  }
0x227: {  	v13 =	vadd.bf16 v13, v30;
	v14 =	vmul.bf16 v15, v7;
	v17 =	vperm.xlane v22, v4  }
0x228: {  	s9 =	sadd.s32 $0x100, s9;
	v26 =	vshll.u32 v18, $0x10;
	v21 =	vadd.bf16 v16, v21;
	v24 =	vmax.bf16 v24, v0  }
0x229: {  	s10 =	sadd.s32 $0x100, s10;
	v15 =	vld [tilespmem:s9+$0x40];
	v13 =	vmax.bf16 v13, v0;
	v24 =	vmul.bf16 v24, v8;
	v22 =	vadd.f32 v22, v17  }
0x22a: {  	v23 =	vadd.f32 v27, v23;
	v18 =	vand.u32 $0xFFFF0000, v18;
	v16 =	vld [tilespmem:s10+$0x40];
	v13 =	vmul.bf16 v13, v6  }
0x22b: {  	v27 =	vmov s8;
	v26 =	vadd.f32 v18, v26;
	v17 =	vld [tilespmem:s9+$0x50];
	v24 =	vadd.bf16 v24, v14;
	[tilespmem:v25+s31+$0x0] =	vst.idx.msk vm0, v22  }
.Ltmp3:
0x22c: {  	s14 =	sadd.s32 $0x1, s8;
	v19 =	vadd.f32 v19, v29;
	v22 =	vand.u32 $0xFFFFFFFC, v27;
	v18 =	vld [tilespmem:s10+$0x50];
	v13 =	vadd.bf16 v20, v13;
	[tilespmem:v10+s31+$0x0] =	vst.idx.msk vm0, v23;
	(pc) =	sbr.rel @p0 .LBB2_8-.Ltmp3, $4  }
0x22d: {  	v14 =	vmov s14;
	s14 =	sadd.s32 $0x2, s8;
	s8 =	smov.u32 s12;
	v23 =	vperm.xlane v26, v1;
	v20 =	vld [tilespmem:s9+$0x60];
	v24 =	vadd.bf16 v24, v21  }
0x22e: {  	v10 =	vbroadcast v22, $0x0;
	v21 =	vld [tilespmem:s10+$0x60];
	v13 =	vadd.bf16 v12, v13;
	v12 =	vmov s14;
	[tilespmem:v11+s31+$0x0] =	vst.idx.msk vm0, v19  }
0x22f: {  	v11 =	vadd.f32 v26, v23;
	v22 =	vld [tilespmem:s9+$0x70];
	v19 =	vshll.u32 v24, $0x10;
	v26 =	vand.u32 $0xFFFF0000, v24  }
0x230: {  	s12 =	sadd.s32 $0x4, s12;
	v23 =	vld [tilespmem:s10+$0x70];
	v24 =	vshll.u32 v13, $0x10;
	v25 =	vand.u32 $0xFFFF0000, v13;
	v19 =	vadd.f32 v26, v19  }
0x231: {  	v13 =	vld [tilespmem:s10+$0xFFFFFF80]  }
0x232: {  	v26 =	vld [tilespmem:s9+$0xFFFFFF90]  }
0x233: {  	v27 =	vld [tilespmem:s10+$0xFFFFFF90]  }
0x234: {  	v28 =	vld [tilespmem:s9+$0xFFFFFFA0]  }
0x235: {  	v29 =	vld [tilespmem:s10+$0xFFFFFFA0]  }
0x236: {  	v30 =	vld [tilespmem:s9+$0xFFFFFFB0]  }
0x237: {  	v59 =	vld [tilespmem:s10+$0xFFFFFFB0]  }
0x238: {  	v61 =	vld [tilespmem:s9+$0xFFFFFFC0]  }
0x239: {  	v63 =	vld [tilespmem:s10+$0xFFFFFFC0]  }
0x23a: {  	v36 =	vld [tilespmem:s9+$0xFFFFFFD0]  }
0x23b: {  	v32 =	vld [tilespmem:s10+$0xFFFFFFD0]  }
0x23c: {  	v37 =	vld [tilespmem:s9+$0xFFFFFFE0]  }
0x23d: {  	v39 =	vld [tilespmem:s10+$0xFFFFFFE0]  }
0x23e: {  	v24 =	vadd.f32 v25, v24;
	v58 =	vperm.xlane v11, v2;
	v15 =	vadd.bf16 v16, v15;
	v49 =	vld [tilespmem:s9+$0x10]  }
0x23f: {  	v17 =	vadd.bf16 v18, v17;
	v14 =	vand.u32 $0xFFFFFFFD, v14;
	v50 =	vld [tilespmem:s10+$0x10];
	v12 =	vand.u32 $0xFFFFFFFE, v12  }
0x240: {  	v51 =	vld [tilespmem:s9+$0x20];
	v31 =	vperm.xlane v19, v1;
	v60 =	vadd.bf16 v21, v20;
	v62 =	vperm.xlane v24, v1  }
0x241: {  	v52 =	vld [tilespmem:s10+$0x20];
	v11 =	vadd.f32 v11, v58;
	v15 =	vmax.bf16 v15, v0;
	v17 =	vmax.bf16 v17, v0  }
0x242: {  	v54 =	vld [tilespmem:s9+$0x30];
	v15 =	vmul.bf16 v15, v6;
	v17 =	vmul.bf16 v17, v9;
	v19 =	vadd.f32 v19, v31  }
0x243: {  	v55 =	vld [tilespmem:s9+$0xFFFFFF80];
	v14 =	vbroadcast v14, $0x0;
	v22 =	vadd.bf16 v23, v22;
	v21 =	vadd.f32 v24, v62  }
0x244: {  	v56 =	vld [tilespmem:s10+$0x30];
	v12 =	vbroadcast v12, $0x0;
	v26 =	vadd.bf16 v27, v26;
	v15 =	vadd.bf16 v17, v15  }
0x245: {  	v18 =	vmax.bf16 v60, v0;
	v42 =	vadd.bf16 v29, v28;
	v16 =	vadd.bf16 v59, v30  }
0x246: {  	v38 =	vperm.xlane v11, v3;
	v20 =	vadd.bf16 v63, v61;
	v25 =	vadd.bf16 v32, v36  }
0x247: {  	v18 =	vmul.bf16 v18, v7;
	v24 =	vadd.bf16 v39, v37;
	v23 =	vadd.bf16 v50, v49  }
0x248: {  	s14 =	sadd.s32 $0x1, s8;
	v43 =	vperm.xlane v19, v2;
	v13 =	vadd.bf16 v13, v55;
	v60 =	vadd.bf16 v52, v51  }
0x249: {  	v61 =	vadd.bf16 v56, v54;
	v49 =	vmov s14;
	v22 =	vmax.bf16 v22, v0  }
0x24a: {  	v41 =	vld [tilespmem:s9+$0xFFFFFFF0];
	v40 =	vperm.xlane v21, v2;
	v11 =	vadd.f32 v11, v38;
	v22 =	vmul.bf16 v22, v8  }
0x24b: {  	v44 =	vld [tilespmem:s10+$0xFFFFFFF0];
	v19 =	vadd.f32 v19, v43;
	v27 =	vmax.bf16 v42, v0;
	v16 =	vmax.bf16 v16, v0  }
0x24c: {  	v45 =	vld [tilespmem:s9+$0x0];
	v26 =	vmax.bf16 v26, v0;
	v20 =	vmax.bf16 v20, v0;
	v25 =	vmax.bf16 v25, v0  }
0x24d: {  	v47 =	vld [tilespmem:s10+$0x0];
	v24 =	vmax.bf16 v24, v0;
	v59 =	vmax.bf16 v23, v0;
	v27 =	vmul.bf16 v27, v7  }
0x24e: {  	v13 =	vmax.bf16 v13, v0;
	v16 =	vmul.bf16 v16, v8;
	v26 =	vmul.bf16 v26, v9  }
0x24f: {  	v63 =	vmax.bf16 v60, v0;
	v20 =	vmul.bf16 v20, v6;
	v25 =	vmul.bf16 v25, v9  }
0x250: {  	v57 =	vmul.bf16 v24, v7;
	v18 =	vadd.bf16 v22, v18;
	v22 =	vadd.bf16 v44, v41  }
0x251: {  	v7 =	vmul.bf16 v63, v7;
	v16 =	vadd.bf16 v16, v27;
	v27 =	vmax.bf16 v61, v0  }
0x252: {  	v15 =	vadd.bf16 v18, v15;
	v22 =	vmax.bf16 v22, v0;
	v18 =	vadd.bf16 v47, v45  }
0x253: {  	v17 =	vadd.f32 v21, v40;
	v29 =	vmul.bf16 v27, v8;
	v22 =	vmul.bf16 v22, v8  }
0x254: {  	v48 =	vshll.u32 v15, $0x10;
	v15 =	vand.u32 $0xFFFF0000, v15;
	v18 =	vmax.bf16 v18, v0  }
0x255: {  	v15 =	vadd.f32 v15, v48;
	v18 =	vmul.bf16 v18, v6;
	v6 =	vmul.bf16 v13, v6  }
0x256: {  	v62 =	vmul.bf16 v59, v9;
	v20 =	vadd.bf16 v25, v20;
	v21 =	vadd.bf16 v22, v57  }
0x257: {  	s15 =	sadd.s32 $0x2, s8;
	v7 =	vadd.bf16 v29, v7;
	v53 =	vperm.xlane v15, v1;
	v6 =	vadd.bf16 v26, v6  }
0x258: {  	v51 =	vmov s15;
	v30 =	vadd.bf16 v21, v20;
	v9 =	vadd.bf16 v62, v18  }
0x259: {  	v46 =	vperm.xlane v11, v4;
	v15 =	vadd.f32 v15, v53;
	v6 =	vadd.bf16 v16, v6  }
0x25a: {  	v31 =	vperm.xlane v17, v3;
	v33 =	vshll.u32 v30, $0x10;
	v7 =	vadd.bf16 v7, v9  }
0x25b: {  	v58 =	vperm.xlane v15, v2;
	v35 =	vshll.u32 v6, $0x10;
	v6 =	vand.u32 $0xFFFF0000, v6  }
0x25c: {  	v36 =	vshll.u32 v7, $0x10;
	v7 =	vand.u32 $0xFFFF0000, v7;
	v6 =	vadd.f32 v6, v35  }
0x25d: {  	v7 =	vadd.f32 v7, v36;
	v28 =	vadd.f32 v15, v58;
	v15 =	vand.u32 $0xFFFF0000, v30  }
0x25e: {  	s12 =	sadd.s32 $0x3, s8;
	v37 =	vperm.xlane v19, v3;
	v34 =	vadd.f32 v15, v33;
	v39 =	vperm.xlane v6, v1  }
0x25f: {  	v44 =	vmov s12;
	v8 =	vadd.f32 v17, v31;
	v40 =	vperm.xlane v7, v1  }
0x260: {  	v11 =	vadd.f32 v11, v46;
	v38 =	vperm.xlane v34, v1;
	v6 =	vadd.f32 v6, v39  }
0x261: {  	v46 =	vmov s8;
	v41 =	vperm.xlane v8, v4;
	v7 =	vadd.f32 v7, v40  }
0x262: {  	v48 =	vand.u32 $0xFFFFFFFC, v46;
	v9 =	vadd.f32 v34, v38;
	v45 =	vperm.xlane v6, v2  }
0x263: {  	v8 =	vadd.f32 v8, v41;
	v18 =	vbroadcast v48, $0x0;
	v47 =	vperm.xlane v7, v2  }
0x264: {  	v15 =	vadd.f32 v19, v37;
	v20 =	vperm.xlane v9, v2;
	v6 =	vadd.f32 v6, v45  }
0x265: {  	v19 =	vand.u32 $0xFFFFFFFD, v49;
	v32 =	vperm.xlane v28, v3;
	v7 =	vadd.f32 v7, v47  }
0x266: {  	v19 =	vbroadcast v19, $0x0;
	v9 =	vadd.f32 v9, v20;
	v52 =	vperm.xlane v6, v3  }
0x267: {  	v43 =	vperm.xlane v15, v4;
	v13 =	vadd.f32 v28, v32;
	v53 =	vperm.xlane v7, v3  }
0x268: {  	v20 =	vand.u32 $0xFFFFFFFE, v51;
	v50 =	vperm.xlane v9, v3;
	v6 =	vadd.f32 v6, v52  }
0x269: {  	[tilespmem:v14+s31+$0x0] =	vst.idx.msk vm0, v11;
	v42 =	vperm.xlane v13, v4;
	v54 =	vbroadcast v20, $0x0;
	v7 =	vadd.f32 v7, v53  }
0x26a: {  	v56 =	vadd.f32 v15, v43;
	v9 =	vadd.f32 v9, v50;
	v57 =	vperm.xlane v6, v4  }
0x26b: {  	[tilespmem:v10+s31+$0x0] =	vst.idx.msk vm0, v8;
	v13 =	vadd.f32 v13, v42;
	v59 =	vperm.xlane v7, v4  }
0x26c: {  	[tilespmem:v12+s31+$0x0] =	vst.idx.msk vm0, v56;
	v55 =	vperm.xlane v9, v4;
	v6 =	vadd.f32 v6, v57  }
0x26d: {  	[tilespmem:v44+s31+$0x0] =	vst.idx.msk vm0, v13;
	v7 =	vadd.f32 v7, v59  }
0x26e: {  	v58 =	vadd.f32 v9, v55;
	[tilespmem:v18+s31+$0x0] =	vst.idx.msk vm0, v6  }
0x26f: {  	[tilespmem:v54+s31+$0x0] =	vst.idx.msk vm0, v7  }
0x270: {  	[tilespmem:v19+s31+$0x0] =	vst.idx.msk vm0, v58  }
0x271: {  	v6 =	vld [tilespmem:$0x1D6A0];
	_ =	sdelay $0x4  }
0x272: {  	v6 =	vadd.f32 v6, v5;
	_ =	sdelay $0x1  }
0x273: {  	v6 =	vsub.f32 $0.0e+00, v6;
	_ =	sdelay $0x1  }
0x274: {  	v6 =	vmul.f32 $1.442695020e+00, v6;
	_ =	sdelay $0x1  }
0x275: {  	(erf) = vpow2.f32 v6;
	_ =	sdelay $0x1  }
0x276: {  	v6 =	vld [tilespmem:$0x1D6B0];
	_ =	sdelay $0x4  }
0x277: {  	v6 =	vadd.f32 v6, v5;
	_ =	sdelay $0x1  }
0x278: {  	v6 =	vsub.f32 $0.0e+00, v6;
	v7 =	vpop (erf)  }
0x279: {  	v7 =	vadd.f32 $1.000000000e+00, v7  }
0x27a: {  	v6 =	vmul.f32 $1.442695020e+00, v6  }
0x27b: {  	(erf) = vrcp.f32 v7  }
0x27c: {  	(erf) = vpow2.f32 v6;
	_ =	sdelay $0x1  }
0x27d: {  	v6 =	vld [tilespmem:$0x1D6C0];
	_ =	sdelay $0x4  }
0x27e: {  	v6 =	vadd.f32 v6, v5  }
0x27f: {  	v7 =	vpop (erf)  }
0x280: {  	v6 =	vsub.f32 $0.0e+00, v6;
	v60 =	vpop (erf)  }
0x281: {  	v8 =	vadd.f32 $1.000000000e+00, v60  }
0x282: {  	v6 =	vmul.f32 $1.442695020e+00, v6  }
0x283: {  	(erf) = vrcp.f32 v8  }
0x284: {  	(erf) = vpow2.f32 v6;
	_ =	sdelay $0x1  }
0x285: {  	v6 =	vld [tilespmem:$0x1D6D0];
	_ =	sdelay $0x4  }
0x286: {  	v6 =	vadd.f32 v6, v5  }
0x287: {  	v8 =	vpop (erf)  }
0x288: {  	v6 =	vsub.f32 $0.0e+00, v6;
	v61 =	vpop (erf)  }
0x289: {  	v9 =	vadd.f32 $1.000000000e+00, v61  }
0x28a: {  	v6 =	vmul.f32 $1.442695020e+00, v6  }
0x28b: {  	(erf) = vrcp.f32 v9  }
0x28c: {  	(erf) = vpow2.f32 v6;
	_ =	sdelay $0x1  }
0x28d: {  	v6 =	vld [tilespmem:$0x1D6E0];
	_ =	sdelay $0x4  }
0x28e: {  	v5 =	vadd.f32 v6, v5  }
0x28f: {  	v6 =	vpop (erf)  }
0x290: {  	v5 =	vsub.f32 $0.0e+00, v5;
	v62 =	vpop (erf)  }
0x291: {  	v9 =	vadd.f32 $1.000000000e+00, v62  }
0x292: {  	v5 =	vmul.f32 $1.442695020e+00, v5  }
0x293: {  	(erf) = vrcp.f32 v9  }
0x294: {  	(erf) = vpow2.f32 v5;
	_ =	sdelay $0x7  }
0x295: {  	v5 =	vpop (erf)  }
0x296: {  	v63 =	vpop (erf)  }
0x297: {  	v9 =	vadd.f32 $1.000000000e+00, v63;
	_ =	sdelay $0x1  }
0x298: {  	(erf) = vrcp.f32 v9;
	_ =	sdelay $0x5  }
0x299: {  	[tilespmem:$0x1D6A0] =	vst v7  }
0x29a: {  	[tilespmem:$0x1D6B0] =	vst v8  }
0x29b: {  	[tilespmem:$0x1D6C0] =	vst v6  }
0x29c: {  	[tilespmem:$0x1D6D0] =	vst v5;
	v5 =	vpop (erf)  }
0x29d: {  	s17 =	rddreg [dreg:$0xa];
	[tilespmem:$0x1D6E0] =	vst v5  }
0x29e: {  	[hbm4b:s17+s5] =	stream.linear.scatter [tilespmem:s31], [sflag:$0x6], $0x50, $0x38;
	[tilespmem:$0x1D790] =	vst v63  }
0x29f: {  	_ =	swait.ge [sflag:s21], $0x50  }
0x2a0: {  	[sflag:s21] =	ssyncset.done $0x0  }
0x2a1: {  	[sflag:s21] =	ssyncadd.s32 $0xFFFFFFB0  }
0x2a2: {  	_ =	swait.ge [sflag:s16], $0x50  }
0x2a3: {  	s7 =	sadd.s32 $0x1, s7;
	s19 =	rddreg [dreg:$0xb]  }
0x2a4: {  	p0 =	sne.s32 s7, s19  }
.Ltmp4:
0x2a5: {  	_ = 	snop;
	(pc) =	sbr.rel @p0 .LBB2_1-.Ltmp4, $3  }
0x2a6: {  	_ =	sdelay $0x1  }
0x2a7: {  	[sflag:s16] =	ssyncset.done $0x0  }
0x2a8: {  	[sflag:s16] =	ssyncadd.s32 $0xFFFFFFB0  }
0x2a9: {  	_ =	sfence.sel $0x180000  }
0x2aa: {  	[bflag:$0x0] =	sbarrier.arrive $0xFFFF  }
0x2ab: {  	_ =	strace $0x90000047  }
0x2ac: {  	s0 =	stileid.u32;
	[bflag:$0x2] =	sbarrier.arrive $0xFFFF  }
0x2ad: {  	p0 =	sne.s32 s0, $0x0;
	s0 =	rddreg [dreg:$0x4]  }
0x2ae: {  	s0 =	sadd.s32 @!p0 $0x100000, s0  }
0x2af: {  	[sflag:s0] =	ssyncadd.tile.s32 @!p0 $0x1;
	_ =	shalt  }
.Lfunc_end2:
_tile_overlayer_lowered:
.L_overlay_start_2:
0x2b0: {  	(tag) =	ssettag $0x2  }
0x2b1: {  	s0 =	rddreg [dreg:$0x0];
	s2 =	stileid.u32  }
0x2b2: {  	s1 =	rddreg [dreg:$0x1];
	p0 =	sne.s32 s2, $0x0  }
0x2b3: {  	s3 =	rddreg [dreg:$0x2];
	[bflag:$0x3] =	sbarrier.arrive $0xFFFF;
	s2 =	simm.s32 @!p0 $0x1C08  }
0x2b4: {  	[timem:s3], [sflag:s2] =	dma.local @!p0 [hbm:s0], s1  }
0x2b5: {  	s0 =	simm.s32 @!p0 $0x8  }
0x2b6: {  	_ =	swait.ge @!p0 [sflag:s0], s1  }
0x2b7: {  	s1 =	ssub.s32 @!p0 $0x0, s1;
	[sflag:s0] =	ssyncset.done @!p0 $0x0  }
0x2b8: {  	[sflag:s0] =	ssyncadd.s32 @!p0 s1  }
0x2b9: {  	[bflag:$0x3] =	sbarrier.arrive $0xFFFF  }
0x2ba: {  	_ =	shalt  }

</sc_bundles>
